<compile_context>
chip_gen: v7x
topology: tpu7x:2x2x1
jax: 0.10.2.dev20260603
libtpu: 0.0.44.dev20260713+nightly
codegen_flags: <defaults>
</compile_context>

<pallas_src>
import jax
import jax.numpy as jnp
from jax import lax
from jax.experimental import pallas as pl
from jax.experimental.pallas import tpu as pltpu
from jax.experimental.pallas import tpu_sc as plsc

_NUM_HOPS = 3
_N = 10000
_D = 128
_OUT = 128
_E = 320000
_T = _NUM_HOPS * _N
_NC = 2
_NS = 16
_LANES = 16

_DH = _D // _NC
_CHUNK = 32
_BLK = 8
_NSLOT = 4
_CPT = 624
_ZROWS = 1880


def _sc_scatter_body(x2_hbm, src_hbm, tgt_hbm, zeros_hbm, out_hbm,
                     srcbuf, tgtbuf, gidx, sidx, rows, acc, gsem, ssem, isem):
  c = lax.axis_index("c")
  s = lax.axis_index("s")

  @pl.when(s < _NS - 1)
  def _():
    pltpu.sync_copy(zeros_hbm, acc.at[pl.ds(s * _ZROWS, _ZROWS)])

  @pl.when(s == _NS - 1)
  def _():
    rem = _T - (_NS - 1) * _ZROWS
    pltpu.sync_copy(zeros_hbm.at[pl.ds(0, rem)],
                    acc.at[pl.ds((_NS - 1) * _ZROWS, rem)])

  plsc.subcore_barrier()

  nblk = jnp.where(s == _NS - 1, (_CPT + 16) // _BLK, _CPT // _BLK)
  e_base = s * _CPT * _CHUNK

  pltpu.async_copy(src_hbm.at[pl.ds(e_base, _BLK * _CHUNK)], srcbuf.at[0],
                   isem)
  pltpu.async_copy(tgt_hbm.at[pl.ds(e_base, _BLK * _CHUNK)], tgtbuf.at[0],
                   isem)

  def block_body(b, carry):
    p = lax.rem(b, 2)
    pltpu.make_async_copy(src_hbm.at[pl.ds(0, _BLK * _CHUNK)],
                          srcbuf.at[p], isem).wait()
    pltpu.make_async_copy(tgt_hbm.at[pl.ds(0, _BLK * _CHUNK)],
                          tgtbuf.at[p], isem).wait()

    @pl.when(b + 1 < nblk)
    def _():
      e_next = e_base + (b + 1) * _BLK * _CHUNK
      pltpu.async_copy(src_hbm.at[pl.ds(e_next, _BLK * _CHUNK)],
                       srcbuf.at[1 - p], isem)
      pltpu.async_copy(tgt_hbm.at[pl.ds(e_next, _BLK * _CHUNK)],
                       tgtbuf.at[1 - p], isem)

    for j in range(_BLK):
      for i in range(_CHUNK // _LANES):
        sl = pl.ds(j * _CHUNK + i * _LANES, _LANES)
        osl = pl.ds(i * _LANES, _LANES)
        sv = srcbuf[p, sl]
        sv = jnp.where(sv >= 2 * _N, sv - 2 * _N, sv)
        sv = jnp.where(sv >= _N, sv - _N, sv)
        gidx[j, osl] = sv * 2 + c
        sidx[j, osl] = tgtbuf[p, sl]

    for r in range(2):
      gds = []
      for k in range(_NSLOT):
        j = r * _NSLOT + k
        cchunk = b * _BLK + j

        @pl.when(cchunk >= _NSLOT)
        def _():
          pltpu.make_async_copy(rows.at[k], acc.at[sidx.at[0]],
                                ssem.at[k]).wait()

        gds.append(pltpu.async_copy(x2_hbm.at[gidx.at[j]], rows.at[k],
                                    gsem.at[k]))
      for k in range(_NSLOT):
        j = r * _NSLOT + k
        gds[k].wait()
        pltpu.async_copy(rows.at[k], acc.at[sidx.at[j]], ssem.at[k],
                         add=True)
    return carry

  lax.fori_loop(0, nblk, block_body, 0)
  for k in range(_NSLOT):
    pltpu.make_async_copy(rows.at[k], acc.at[sidx.at[0]], ssem.at[k]).wait()
  plsc.subcore_barrier()

  @pl.when(s < _NS - 1)
  def _():
    pltpu.sync_copy(acc.at[pl.ds(s * _ZROWS, _ZROWS)],
                    out_hbm.at[c, pl.ds(s * _ZROWS, _ZROWS), pl.ds(0, _DH)])

  @pl.when(s == _NS - 1)
  def _():
    rem = _T - (_NS - 1) * _ZROWS
    pltpu.sync_copy(acc.at[pl.ds((_NS - 1) * _ZROWS, rem)],
                    out_hbm.at[c, pl.ds((_NS - 1) * _ZROWS, rem),
                               pl.ds(0, _DH)])


@jax.jit
def _sc_scatter(x, src, tgt):
  x2 = x.reshape(_NC * _N, _DH)
  zeros = jnp.zeros((_ZROWS, _DH), jnp.float32)
  mesh = plsc.VectorSubcoreMesh(core_axis_name="c", subcore_axis_name="s")
  return pl.kernel(
      _sc_scatter_body,
      out_type=jax.ShapeDtypeStruct((_NC, _T, _D), jnp.float32),
      mesh=mesh,
      compiler_params=pltpu.CompilerParams(use_tc_tiling_on_sc=False),
      scratch_types=[
          pltpu.VMEM((2, _BLK * _CHUNK), jnp.int32),
          pltpu.VMEM((2, _BLK * _CHUNK), jnp.int32),
          pltpu.VMEM((_BLK, _CHUNK), jnp.int32),
          pltpu.VMEM((_BLK, _CHUNK), jnp.int32),
          pltpu.VMEM((_NSLOT, _CHUNK, _DH), jnp.float32),
          pltpu.VMEM_SHARED((_T, _DH), jnp.float32),
          pltpu.SemaphoreType.DMA((_NSLOT,)),
          pltpu.SemaphoreType.DMA((_NSLOT,)),
          pltpu.SemaphoreType.DMA,
      ],
  )(x2, src, tgt, zeros)


def _silu(v):
  return v * jax.nn.sigmoid(v)


def _dense_body(x_ref, aL0_ref, aL1_ref, aL2_ref, aR0_ref, aR1_ref, aR2_ref,
                Win_ref, bin_ref, Wgs_ref, bgs_ref,
                W10_ref, b10_ref, W20_ref, b20_ref,
                W11_ref, b11_ref, W21_ref, b21_ref, out_ref):
  xb = x_ref[...]
  aL = (aL0_ref[0, :, :_DH], aL1_ref[0, :, :_DH], aL2_ref[0, :, :_DH])
  aR = (aR0_ref[0, :, :_DH], aR1_ref[0, :, :_DH], aR2_ref[0, :, :_DH])
  Win = Win_ref[...]
  Wgs = Wgs_ref[...]

  def proj(W, b):
    acc = jnp.dot(xb, W[0:_D], preferred_element_type=jnp.float32)
    for h in range(_NUM_HOPS):
      o = (h + 1) * _D
      acc += jnp.dot(aL[h], W[o:o + _DH], preferred_element_type=jnp.float32)
      acc += jnp.dot(aR[h], W[o + _DH:o + _D],
                     preferred_element_type=jnp.float32)
    return acc + b

  h = _silu(proj(Win, bin_ref[...]))
  gs = proj(Wgs, bgs_ref[...])
  for (W1, b1, W2, b2) in ((W10_ref, b10_ref, W20_ref, b20_ref),
                           (W11_ref, b11_ref, W21_ref, b21_ref)):
    skip = h
    h = _silu(jnp.dot(h, W1[...], preferred_element_type=jnp.float32)
              + b1[...])
    h = jnp.dot(h, W2[...], preferred_element_type=jnp.float32) + b2[...]
    h = h + skip
  out_ref[...] = h + gs


_BR = 2000


@jax.jit
def _dense(x, aggp, W_in, b_in, W_gs, b_gs, W1_0, b1_0, W2_0, b2_0,
           W1_1, b1_1, W2_1, b2_1):
  def hop_spec(half, h):
    def imap(i):
      return (half, (h * _N // _BR) + i, 0)
    return pl.BlockSpec((1, _BR, _D), imap)

  full = lambda shape: pl.BlockSpec(shape, lambda i: (0,) * len(shape))
  return pl.pallas_call(
      _dense_body,
      grid=(_N // _BR,),
      in_specs=[
          pl.BlockSpec((_BR, _D), lambda i: (i, 0)),
          hop_spec(0, 0), hop_spec(0, 1), hop_spec(0, 2),
          hop_spec(1, 0), hop_spec(1, 1), hop_spec(1, 2),
          full((4 * _D, _OUT)), full((1, _OUT)),
          full((4 * _D, _OUT)), full((1, _OUT)),
          full((_OUT, _OUT)), full((1, _OUT)),
          full((_OUT, _OUT)), full((1, _OUT)),
          full((_OUT, _OUT)), full((1, _OUT)),
          full((_OUT, _OUT)), full((1, _OUT)),
      ],
      out_specs=pl.BlockSpec((_BR, _OUT), lambda i: (i, 0)),
      out_shape=jax.ShapeDtypeStruct((_N, _OUT), jnp.float32),
  )(x, aggp, aggp, aggp, aggp, aggp, aggp, W_in, b_in.reshape(1, _OUT),
    W_gs, b_gs.reshape(1, _OUT),
    W1_0, b1_0.reshape(1, _OUT), W2_0, b2_0.reshape(1, _OUT),
    W1_1, b1_1.reshape(1, _OUT), W2_1, b2_1.reshape(1, _OUT))


def kernel(x, target, src, W_in, b_in, W_gs, b_gs, W1_0, b1_0, W2_0, b2_0,
           W1_1, b1_1, W2_1, b2_1):
  agg = _sc_scatter(x, src, target)
  return _dense(x, agg, W_in, b_in, W_gs, b_gs, W1_0, b1_0, W2_0, b2_0,
                W1_1, b1_1, W2_1, b2_1)

# --- scband reference (transcript-rebuilt; emitter-appended) ---
"""Pipeline reference for scband-gnn-51857435132416 (READ-ONLY COPY).

The authoritative reference and input builder live on the scoring server;
editing this copy changes nothing except your own understanding.
"""

import jax, jax.numpy as jnp
import numpy as np

NUM_HOPS = 3
N, D, OUT, E = 10000, 128, 128, 320000
IN_DIM = D * (NUM_HOPS + 1)


def _silu(v):
    return v * jax.nn.sigmoid(v)


def setup_inputs(seed: int = 0) -> dict:
    key = jax.random.key(seed)
    ks = jax.random.split(key, 20)
    x = jax.random.normal(ks[0], (N, D), dtype=jnp.float32)
    target = jax.random.randint(ks[1], (E,), 0, NUM_HOPS * N, dtype=jnp.int32)
    src = jax.random.randint(ks[2], (E,), 0, NUM_HOPS * N, dtype=jnp.int32)
    def lin(k, fin, fout):
        kw, kb = jax.random.split(k)
        s = 1.0 / np.sqrt(fin)
        W = jax.random.uniform(kw, (fin, fout), minval=-s, maxval=s, dtype=jnp.float32)
        b = jax.random.uniform(kb, (fout,), minval=-s, maxval=s, dtype=jnp.float32)
        return W, b
    W_in, b_in = lin(ks[3], IN_DIM, OUT)
    W_gs, b_gs = lin(ks[4], IN_DIM, OUT)
    W1_0, b1_0 = lin(ks[5], OUT, OUT)
    W2_0, b2_0 = lin(ks[6], OUT, OUT)
    W1_1, b1_1 = lin(ks[7], OUT, OUT)
    W2_1, b2_1 = lin(ks[8], OUT, OUT)
    return {"x": x, "target": target, "src": src, "W_in": W_in, "b_in": b_in,
            "W_gs": W_gs, "b_gs": b_gs, "W1_0": W1_0, "b1_0": b1_0, "W2_0": W2_0,
            "b2_0": b2_0, "W1_1": W1_1, "b1_1": b1_1, "W2_1": W2_1, "b2_1": b2_1}


def reference(x, target, src, W_in, b_in, W_gs, b_gs, W1_0, b1_0, W2_0, b2_0, W1_1, b1_1, W2_1, b2_1):
    # message passing: repeat node features num_hops times, gather src, scatter-add to target
    expanded = jnp.tile(x, (NUM_HOPS, 1))  # [num_hops*N, D]
    source_features = expanded[src]
    aggregated = jnp.zeros_like(expanded).at[target].add(source_features)
    chunks = jnp.split(aggregated, NUM_HOPS, axis=0)
    input_features = jnp.concatenate([x] + list(chunks), axis=-1)  # [N, (num_hops+1)*D]
    h = _silu(input_features @ W_in + b_in)
    global_skip = input_features @ W_gs + b_gs  # input_dim != output_dim -> projection
    for (W1, b1, W2, b2) in ((W1_0, b1_0, W2_0, b2_0), (W1_1, b1_1, W2_1, b2_1)):
        layer_skip = h
        h = _silu(h @ W1 + b1)
        h = h @ W2 + b2
        h = h + layer_skip
    h = h + global_skip
    return h

if __name__ == "__main__":
    import jax
    _d = setup_inputs()
    print(jax.jit(kernel)(*tuple(_d.values())))

</pallas_src>

<mosaic_0001>
#map = affine_map<(d0, d1) -> (0, 0)>
#map1 = affine_map<(d0, d1) -> (0)>
#map2 = affine_map<(d0, d1) -> (0, 0, 0)>
module attributes {stable_mosaic.version = 14 : i64} {
  func.func @_sc_scatter_body(%arg0: i32, %arg1: i32, %arg2: memref<20000x64xf32, #tpu.memory_space<hbm>>, %arg3: memref<320000xi32, #tpu.memory_space<hbm>>, %arg4: memref<320000xi32, #tpu.memory_space<hbm>>, %arg5: memref<1880x64xf32, #tpu.memory_space<hbm>>, %arg6: memref<2x30000x128xf32, #tpu.memory_space<hbm>>, %arg7: memref<2x256xi32, #tpu.memory_space<vmem>>, %arg8: memref<2x256xi32, #tpu.memory_space<vmem>>, %arg9: memref<8x32xi32, #tpu.memory_space<vmem>>, %arg10: memref<8x32xi32, #tpu.memory_space<vmem>>, %arg11: memref<4x32x64xf32, #tpu.memory_space<vmem>>, %arg12: memref<30000x64xf32, #tpu.memory_space<vmem_shared>>, %arg13: memref<4x!tpu.dma_semaphore, #tpu.memory_space<semaphore_mem>>, %arg14: memref<4x!tpu.dma_semaphore, #tpu.memory_space<semaphore_mem>>, %arg15: memref<!tpu.dma_semaphore, #tpu.memory_space<semaphore_mem>>) attributes {dimension_semantics = [#tpu.dimension_semantics<core_parallel>, #tpu.dimension_semantics<subcore_parallel>], iteration_bounds = array<i64: 2, 16>, scalar_prefetch = 0 : i64, scratch_operands = 9 : i64, tpu.core_type = #tpu.core_type<sc_vector_subcore>, window_params = [{transform_indices = #map}, {transform_indices = #map1}, {transform_indices = #map1}, {transform_indices = #map}, {transform_indices = #map2}]} {
    %lt3A = arith.constant 15 : i32
    %lt3A_0 = arith.cmpi slt, %arg1, %lt3A : i32
    %convert_element_type3A = arith.extui %lt3A_0 : i1 to i32
    %cond3A = arith.constant 0 : i32
    %cond3A_1 = arith.cmpi ne, %convert_element_type3A, %cond3A : i32
    scf.if %cond3A_1 {
      %mul3A_108 = arith.constant 1880 : i32
      %mul3A_109 = arith.muli %arg1, %mul3A_108 : i32
      "tpu.region"() ({
        %run_scoped3A = tpu.sem_alloc : memref<!tpu.dma_semaphore, #tpu.memory_space<semaphore_mem>>
        %dma_start3A_110 = arith.constant 0 : i32
        %dma_start3A_111 = tpu.memref_slice %arg12[%mul3A_109, %dma_start3A_110] : memref<30000x64xf32, #tpu.memory_space<vmem_shared>> -> memref<1880x64xf32, #tpu.memory_space<vmem_shared>>
        tpu.enqueue_dma source(%arg5 : memref<1880x64xf32, #tpu.memory_space<hbm>>) target(%dma_start3A_111 : memref<1880x64xf32, #tpu.memory_space<vmem_shared>>) target_semaphore(%run_scoped3A : memref<!tpu.dma_semaphore, #tpu.memory_space<semaphore_mem>>)
        %dma_wait3A_112 = arith.constant 0 : i32
        %dma_wait3A_113 = tpu.memref_slice %arg12[%mul3A_109, %dma_wait3A_112] : memref<30000x64xf32, #tpu.memory_space<vmem_shared>> -> memref<1880x64xf32, #tpu.memory_space<vmem_shared>>
        tpu.wait_dma2 semaphore(%run_scoped3A : memref<!tpu.dma_semaphore, #tpu.memory_space<semaphore_mem>>) src(%arg5 : memref<1880x64xf32, #tpu.memory_space<hbm>>) dst(%dma_wait3A_113 : memref<1880x64xf32, #tpu.memory_space<vmem_shared>>)
        tpu.yield
      }) : () -> ()
    } else {
    }
    %eq3A = arith.constant 15 : i32
    %eq3A_2 = arith.cmpi eq, %arg1, %eq3A : i32
    %convert_element_type3A_3 = arith.extui %eq3A_2 : i1 to i32
    %cond3A_4 = arith.constant 0 : i32
    %cond3A_5 = arith.cmpi ne, %convert_element_type3A_3, %cond3A_4 : i32
    scf.if %cond3A_5 {
      "tpu.region"() ({
        %run_scoped3A = tpu.sem_alloc : memref<!tpu.dma_semaphore, #tpu.memory_space<semaphore_mem>>
        %dma_start3A_108 = arith.constant 28200 : i32
        %dma_start3A_109 = arith.constant 0 : i32
        %dma_start3A_110 = tpu.memref_slice %arg12[%dma_start3A_108, %dma_start3A_109] : memref<30000x64xf32, #tpu.memory_space<vmem_shared>> -> memref<1800x64xf32, #tpu.memory_space<vmem_shared>>
        %dma_start3A_111 = arith.constant 0 : i32
        %dma_start3A_112 = arith.constant 0 : i32
        %dma_start3A_113 = tpu.memref_slice %arg5[%dma_start3A_111, %dma_start3A_112] : memref<1880x64xf32, #tpu.memory_space<hbm>> -> memref<1800x64xf32, #tpu.memory_space<hbm>>
        tpu.enqueue_dma source(%dma_start3A_113 : memref<1800x64xf32, #tpu.memory_space<hbm>>) target(%dma_start3A_110 : memref<1800x64xf32, #tpu.memory_space<vmem_shared>>) target_semaphore(%run_scoped3A : memref<!tpu.dma_semaphore, #tpu.memory_space<semaphore_mem>>)
        %dma_wait3A_114 = arith.constant 28200 : i32
        %dma_wait3A_115 = arith.constant 0 : i32
        %dma_wait3A_116 = tpu.memref_slice %arg12[%dma_wait3A_114, %dma_wait3A_115] : memref<30000x64xf32, #tpu.memory_space<vmem_shared>> -> memref<1800x64xf32, #tpu.memory_space<vmem_shared>>
        %dma_wait3A_117 = arith.constant 0 : i32
        %dma_wait3A_118 = arith.constant 0 : i32
        %dma_wait3A_119 = tpu.memref_slice %arg5[%dma_wait3A_117, %dma_wait3A_118] : memref<1880x64xf32, #tpu.memory_space<hbm>> -> memref<1800x64xf32, #tpu.memory_space<hbm>>
        tpu.wait_dma2 semaphore(%run_scoped3A : memref<!tpu.dma_semaphore, #tpu.memory_space<semaphore_mem>>) src(%dma_wait3A_119 : memref<1800x64xf32, #tpu.memory_space<hbm>>) dst(%dma_wait3A_116 : memref<1800x64xf32, #tpu.memory_space<vmem_shared>>)
        tpu.yield
      }) : () -> ()
    } else {
    }
    %barrier3A = arith.constant 0 : index
    tpu.barrier barrier_id(%barrier3A)
    %eq3A_6 = arith.constant 15 : i32
    %eq3A_7 = arith.cmpi eq, %arg1, %eq3A_6 : i32
    %jit3A = arith.constant 80 : i32
    %jit3A_8 = arith.constant 78 : i32
    %select_n3A = arith.select %eq3A_7, %jit3A, %jit3A_8 : i32
    %mul3A = arith.constant 624 : i32
    %mul3A_9 = arith.muli %arg1, %mul3A : i32
    %mul3A_10 = arith.constant 32 : i32
    %mul3A_11 = arith.muli %mul3A_9, %mul3A_10 : i32
    %dma_start3A = arith.constant 0 : i32
    %dma_start3A_12 = arith.constant 0 : i32
    %dma_start3A_13 = tpu.memref_slice %arg7[%dma_start3A, %dma_start3A_12] : memref<2x256xi32, #tpu.memory_space<vmem>> -> memref<1x256xi32, #tpu.memory_space<vmem>>
    %dma_start3A_14 = tpu.memref_squeeze %dma_start3A_13 : memref<1x256xi32, #tpu.memory_space<vmem>> -> memref<256xi32, #tpu.memory_space<vmem>>
    %dma_start3A_15 = tpu.memref_slice %arg3[%mul3A_11] : memref<320000xi32, #tpu.memory_space<hbm>> -> memref<256xi32, #tpu.memory_space<hbm>>
    %dma_start3A_16 = arith.constant 0 : i32
    %dma_start3A_17 = tpu.memref_slice %arg7[%dma_start3A, %dma_start3A_16] : memref<2x256xi32, #tpu.memory_space<vmem>> -> memref<1x256xi32, #tpu.memory_space<vmem>>
    %dma_start3A_18 = tpu.memref_squeeze %dma_start3A_17 : memref<1x256xi32, #tpu.memory_space<vmem>> -> memref<256xi32, #tpu.memory_space<vmem>>
    %dma_start3A_19 = tpu.memref_slice %arg3[%mul3A_11] : memref<320000xi32, #tpu.memory_space<hbm>> -> memref<256xi32, #tpu.memory_space<hbm>>
    tpu.enqueue_dma source(%dma_start3A_19 : memref<256xi32, #tpu.memory_space<hbm>>) target(%dma_start3A_18 : memref<256xi32, #tpu.memory_space<vmem>>) target_semaphore(%arg15 : memref<!tpu.dma_semaphore, #tpu.memory_space<semaphore_mem>>)
    %dma_start3A_20 = arith.constant 0 : i32
    %dma_start3A_21 = arith.constant 0 : i32
    %dma_start3A_22 = tpu.memref_slice %arg8[%dma_start3A_20, %dma_start3A_21] : memref<2x256xi32, #tpu.memory_space<vmem>> -> memref<1x256xi32, #tpu.memory_space<vmem>>
    %dma_start3A_23 = tpu.memref_squeeze %dma_start3A_22 : memref<1x256xi32, #tpu.memory_space<vmem>> -> memref<256xi32, #tpu.memory_space<vmem>>
    %dma_start3A_24 = tpu.memref_slice %arg4[%mul3A_11] : memref<320000xi32, #tpu.memory_space<hbm>> -> memref<256xi32, #tpu.memory_space<hbm>>
    %dma_start3A_25 = arith.constant 0 : i32
    %dma_start3A_26 = tpu.memref_slice %arg8[%dma_start3A_20, %dma_start3A_25] : memref<2x256xi32, #tpu.memory_space<vmem>> -> memref<1x256xi32, #tpu.memory_space<vmem>>
    %dma_start3A_27 = tpu.memref_squeeze %dma_start3A_26 : memref<1x256xi32, #tpu.memory_space<vmem>> -> memref<256xi32, #tpu.memory_space<vmem>>
    %dma_start3A_28 = tpu.memref_slice %arg4[%mul3A_11] : memref<320000xi32, #tpu.memory_space<hbm>> -> memref<256xi32, #tpu.memory_space<hbm>>
    tpu.enqueue_dma source(%dma_start3A_28 : memref<256xi32, #tpu.memory_space<hbm>>) target(%dma_start3A_27 : memref<256xi32, #tpu.memory_space<vmem>>) target_semaphore(%arg15 : memref<!tpu.dma_semaphore, #tpu.memory_space<semaphore_mem>>)
    %while3A = arith.constant 0 : i32
    %while3A_29 = arith.constant 0 : i32
    %while3A_30 = arith.subi %select_n3A, %while3A_29 : i32
    %while3A_31 = arith.addi %while3A_29, %while3A_30 : i32
    %while3A_32 = arith.constant 1 : i32
    %while3A_33 = arith.divsi %while3A_30, %while3A_32 : i32
    %while3A_34 = arith.muli %while3A_33, %while3A_32 : i32
    %while3A_35 = arith.addi %while3A_29, %while3A_34 : i32
    %while3A_36 = arith.constant 1 : i32
    scf.for %while3A_108 = %while3A_29 to %while3A_35 step %while3A_36  : i32 {
      %rem3A = arith.constant 2 : i32
      %rem3A_109 = arith.remsi %while3A_108, %rem3A : i32
      %dma_wait3A_110 = arith.constant 0 : i32
      %dma_wait3A_111 = tpu.memref_slice %arg7[%rem3A_109, %dma_wait3A_110] : memref<2x256xi32, #tpu.memory_space<vmem>> -> memref<1x256xi32, #tpu.memory_space<vmem>>
      %dma_wait3A_112 = tpu.memref_squeeze %dma_wait3A_111 : memref<1x256xi32, #tpu.memory_space<vmem>> -> memref<256xi32, #tpu.memory_space<vmem>>
      %dma_wait3A_113 = arith.constant 0 : i32
      %dma_wait3A_114 = tpu.memref_slice %arg3[%dma_wait3A_113] : memref<320000xi32, #tpu.memory_space<hbm>> -> memref<256xi32, #tpu.memory_space<hbm>>
      %dma_wait3A_115 = arith.constant 0 : i32
      %dma_wait3A_116 = tpu.memref_slice %arg7[%rem3A_109, %dma_wait3A_115] : memref<2x256xi32, #tpu.memory_space<vmem>> -> memref<1x256xi32, #tpu.memory_space<vmem>>
      %dma_wait3A_117 = tpu.memref_squeeze %dma_wait3A_116 : memref<1x256xi32, #tpu.memory_space<vmem>> -> memref<256xi32, #tpu.memory_space<vmem>>
      %dma_wait3A_118 = arith.constant 0 : i32
      %dma_wait3A_119 = tpu.memref_slice %arg3[%dma_wait3A_118] : memref<320000xi32, #tpu.memory_space<hbm>> -> memref<256xi32, #tpu.memory_space<hbm>>
      tpu.wait_dma2 semaphore(%arg15 : memref<!tpu.dma_semaphore, #tpu.memory_space<semaphore_mem>>) src(%dma_wait3A_119 : memref<256xi32, #tpu.memory_space<hbm>>) dst(%dma_wait3A_117 : memref<256xi32, #tpu.memory_space<vmem>>)
      %dma_wait3A_120 = arith.constant 0 : i32
      %dma_wait3A_121 = tpu.memref_slice %arg8[%rem3A_109, %dma_wait3A_120] : memref<2x256xi32, #tpu.memory_space<vmem>> -> memref<1x256xi32, #tpu.memory_space<vmem>>
      %dma_wait3A_122 = tpu.memref_squeeze %dma_wait3A_121 : memref<1x256xi32, #tpu.memory_space<vmem>> -> memref<256xi32, #tpu.memory_space<vmem>>
      %dma_wait3A_123 = arith.constant 0 : i32
      %dma_wait3A_124 = tpu.memref_slice %arg4[%dma_wait3A_123] : memref<320000xi32, #tpu.memory_space<hbm>> -> memref<256xi32, #tpu.memory_space<hbm>>
      %dma_wait3A_125 = arith.constant 0 : i32
      %dma_wait3A_126 = tpu.memref_slice %arg8[%rem3A_109, %dma_wait3A_125] : memref<2x256xi32, #tpu.memory_space<vmem>> -> memref<1x256xi32, #tpu.memory_space<vmem>>
      %dma_wait3A_127 = tpu.memref_squeeze %dma_wait3A_126 : memref<1x256xi32, #tpu.memory_space<vmem>> -> memref<256xi32, #tpu.memory_space<vmem>>
      %dma_wait3A_128 = arith.constant 0 : i32
      %dma_wait3A_129 = tpu.memref_slice %arg4[%dma_wait3A_128] : memref<320000xi32, #tpu.memory_space<hbm>> -> memref<256xi32, #tpu.memory_space<hbm>>
      tpu.wait_dma2 semaphore(%arg15 : memref<!tpu.dma_semaphore, #tpu.memory_space<semaphore_mem>>) src(%dma_wait3A_129 : memref<256xi32, #tpu.memory_space<hbm>>) dst(%dma_wait3A_127 : memref<256xi32, #tpu.memory_space<vmem>>)
      %add3A = arith.constant 1 : i32
      %add3A_130 = arith.addi %while3A_108, %add3A : i32
      %lt3A_131 = arith.cmpi slt, %add3A_130, %select_n3A : i32
      %convert_element_type3A_132 = arith.extui %lt3A_131 : i1 to i32
      %cond3A_133 = arith.constant 0 : i32
      %cond3A_134 = arith.cmpi ne, %convert_element_type3A_132, %cond3A_133 : i32
      scf.if %cond3A_134 {
        %add3A_1187 = arith.constant 1 : i32
        %add3A_1188 = arith.addi %while3A_108, %add3A_1187 : i32
        %mul3A_1189 = arith.constant 8 : i32
        %mul3A_1190 = arith.muli %add3A_1188, %mul3A_1189 : i32
        %mul3A_1191 = arith.constant 32 : i32
        %mul3A_1192 = arith.muli %mul3A_1190, %mul3A_1191 : i32
        %add3A_1193 = arith.addi %mul3A_11, %mul3A_1192 : i32
        %sub3A_1194 = arith.constant 1 : i32
        %sub3A_1195 = arith.subi %sub3A_1194, %rem3A_109 : i32
        %dma_start3A_1196 = arith.constant 0 : i32
        %dma_start3A_1197 = tpu.memref_slice %arg7[%sub3A_1195, %dma_start3A_1196] : memref<2x256xi32, #tpu.memory_space<vmem>> -> memref<1x256xi32, #tpu.memory_space<vmem>>
        %dma_start3A_1198 = tpu.memref_squeeze %dma_start3A_1197 : memref<1x256xi32, #tpu.memory_space<vmem>> -> memref<256xi32, #tpu.memory_space<vmem>>
        %dma_start3A_1199 = tpu.memref_slice %arg3[%add3A_1193] : memref<320000xi32, #tpu.memory_space<hbm>> -> memref<256xi32, #tpu.memory_space<hbm>>
        %dma_start3A_1200 = arith.constant 0 : i32
        %dma_start3A_1201 = tpu.memref_slice %arg7[%sub3A_1195, %dma_start3A_1200] : memref<2x256xi32, #tpu.memory_space<vmem>> -> memref<1x256xi32, #tpu.memory_space<vmem>>
        %dma_start3A_1202 = tpu.memref_squeeze %dma_start3A_1201 : memref<1x256xi32, #tpu.memory_space<vmem>> -> memref<256xi32, #tpu.memory_space<vmem>>
        %dma_start3A_1203 = tpu.memref_slice %arg3[%add3A_1193] : memref<320000xi32, #tpu.memory_space<hbm>> -> memref<256xi32, #tpu.memory_space<hbm>>
        tpu.enqueue_dma source(%dma_start3A_1203 : memref<256xi32, #tpu.memory_space<hbm>>) target(%dma_start3A_1202 : memref<256xi32, #tpu.memory_space<vmem>>) target_semaphore(%arg15 : memref<!tpu.dma_semaphore, #tpu.memory_space<semaphore_mem>>)
        %sub3A_1204 = arith.constant 1 : i32
        %sub3A_1205 = arith.subi %sub3A_1204, %rem3A_109 : i32
        %dma_start3A_1206 = arith.constant 0 : i32
        %dma_start3A_1207 = tpu.memref_slice %arg8[%sub3A_1205, %dma_start3A_1206] : memref<2x256xi32, #tpu.memory_space<vmem>> -> memref<1x256xi32, #tpu.memory_space<vmem>>
        %dma_start3A_1208 = tpu.memref_squeeze %dma_start3A_1207 : memref<1x256xi32, #tpu.memory_space<vmem>> -> memref<256xi32, #tpu.memory_space<vmem>>
        %dma_start3A_1209 = tpu.memref_slice %arg4[%add3A_1193] : memref<320000xi32, #tpu.memory_space<hbm>> -> memref<256xi32, #tpu.memory_space<hbm>>
        %dma_start3A_1210 = arith.constant 0 : i32
        %dma_start3A_1211 = tpu.memref_slice %arg8[%sub3A_1205, %dma_start3A_1210] : memref<2x256xi32, #tpu.memory_space<vmem>> -> memref<1x256xi32, #tpu.memory_space<vmem>>
        %dma_start3A_1212 = tpu.memref_squeeze %dma_start3A_1211 : memref<1x256xi32, #tpu.memory_space<vmem>> -> memref<256xi32, #tpu.memory_space<vmem>>
        %dma_start3A_1213 = tpu.memref_slice %arg4[%add3A_1193] : memref<320000xi32, #tpu.memory_space<hbm>> -> memref<256xi32, #tpu.memory_space<hbm>>
        tpu.enqueue_dma source(%dma_start3A_1213 : memref<256xi32, #tpu.memory_space<hbm>>) target(%dma_start3A_1212 : memref<256xi32, #tpu.memory_space<vmem>>) target_semaphore(%arg15 : memref<!tpu.dma_semaphore, #tpu.memory_space<semaphore_mem>>)
      } else {
      }
      %get3A = arith.index_cast %rem3A_109 : i32 to index
      %get3A_135 = arith.constant 0 : index
      %get3A_136 = tpu.vector_load %arg7[%get3A, %get3A_135] {strides = array<i32>} : memref<2x256xi32, #tpu.memory_space<vmem>>, vector<1x16xi32>,
      %get3A_137 = vector.shape_cast %get3A_136 : vector<1x16xi32> to vector<16xi32>
      %ge3A = arith.constant 20000 : i32
      %ge3A_138 = vector.broadcast %ge3A : i32 to vector<16xi32>
      %ge3A_139 = arith.cmpi sge, %get3A_137, %ge3A_138 : vector<16xi32>
      %sub3A = arith.constant 20000 : i32
      %sub3A_140 = vector.broadcast %sub3A : i32 to vector<16xi32>
      %sub3A_141 = arith.subi %get3A_137, %sub3A_140 : vector<16xi32>
      %select_n3A_142 = arith.select %ge3A_139, %sub3A_141, %get3A_137 : vector<16xi1>, vector<16xi32>
      %ge3A_143 = arith.constant 10000 : i32
      %ge3A_144 = vector.broadcast %ge3A_143 : i32 to vector<16xi32>
      %ge3A_145 = arith.cmpi sge, %select_n3A_142, %ge3A_144 : vector<16xi32>
      %sub3A_146 = arith.constant 10000 : i32
      %sub3A_147 = vector.broadcast %sub3A_146 : i32 to vector<16xi32>
      %sub3A_148 = arith.subi %select_n3A_142, %sub3A_147 : vector<16xi32>
      %select_n3A_149 = arith.select %ge3A_145, %sub3A_148, %select_n3A_142 : vector<16xi1>, vector<16xi32>
      %mul3A_150 = arith.constant 2 : i32
      %mul3A_151 = vector.broadcast %mul3A_150 : i32 to vector<16xi32>
      %mul3A_152 = arith.muli %select_n3A_149, %mul3A_151 : vector<16xi32>
      %add3A_153 = vector.broadcast %arg0 : i32 to vector<16xi32>
      %add3A_154 = arith.addi %mul3A_152, %add3A_153 : vector<16xi32>
      %swap3A = arith.constant 0 : i32
      %swap3A_155 = arith.index_cast %swap3A : i32 to index
      %swap3A_156 = arith.constant 0 : index
      %swap3A_157 = tpu.vector_load %arg9[%swap3A_155, %swap3A_156] {strides = array<i32>} : memref<8x32xi32, #tpu.memory_space<vmem>>, vector<1x16xi32>,
      %swap3A_158 = vector.shape_cast %swap3A_157 : vector<1x16xi32> to vector<16xi32>
      %swap3A_159 = vector.shape_cast %add3A_154 : vector<16xi32> to vector<1x16xi32>
      tpu.vector_store %arg9[%swap3A_155, %swap3A_156], %swap3A_159 {strides = array<i32>} : memref<8x32xi32, #tpu.memory_space<vmem>>, vector<1x16xi32>,
      %get3A_160 = arith.index_cast %rem3A_109 : i32 to index
      %get3A_161 = arith.constant 0 : index
      %get3A_162 = tpu.vector_load %arg8[%get3A_160, %get3A_161] {strides = array<i32>} : memref<2x256xi32, #tpu.memory_space<vmem>>, vector<1x16xi32>,
      %get3A_163 = vector.shape_cast %get3A_162 : vector<1x16xi32> to vector<16xi32>
      %swap3A_164 = arith.constant 0 : i32
      %swap3A_165 = arith.index_cast %swap3A_164 : i32 to index
      %swap3A_166 = arith.constant 0 : index
      %swap3A_167 = tpu.vector_load %arg10[%swap3A_165, %swap3A_166] {strides = array<i32>} : memref<8x32xi32, #tpu.memory_space<vmem>>, vector<1x16xi32>,
      %swap3A_168 = vector.shape_cast %swap3A_167 : vector<1x16xi32> to vector<16xi32>
      %swap3A_169 = vector.shape_cast %get3A_163 : vector<16xi32> to vector<1x16xi32>
      tpu.vector_store %arg10[%swap3A_165, %swap3A_166], %swap3A_169 {strides = array<i32>} : memref<8x32xi32, #tpu.memory_space<vmem>>, vector<1x16xi32>,
      %get3A_170 = arith.index_cast %rem3A_109 : i32 to index
      %get3A_171 = arith.constant 16 : index
      %get3A_172 = tpu.vector_load %arg7[%get3A_170, %get3A_171] {strides = array<i32>} : memref<2x256xi32, #tpu.memory_space<vmem>>, vector<1x16xi32>,
      %get3A_173 = vector.shape_cast %get3A_172 : vector<1x16xi32> to vector<16xi32>
      %ge3A_174 = arith.constant 20000 : i32
      %ge3A_175 = vector.broadcast %ge3A_174 : i32 to vector<16xi32>
      %ge3A_176 = arith.cmpi sge, %get3A_173, %ge3A_175 : vector<16xi32>
      %sub3A_177 = arith.constant 20000 : i32
      %sub3A_178 = vector.broadcast %sub3A_177 : i32 to vector<16xi32>
      %sub3A_179 = arith.subi %get3A_173, %sub3A_178 : vector<16xi32>
      %select_n3A_180 = arith.select %ge3A_176, %sub3A_179, %get3A_173 : vector<16xi1>, vector<16xi32>
      %ge3A_181 = arith.constant 10000 : i32
      %ge3A_182 = vector.broadcast %ge3A_181 : i32 to vector<16xi32>
      %ge3A_183 = arith.cmpi sge, %select_n3A_180, %ge3A_182 : vector<16xi32>
      %sub3A_184 = arith.constant 10000 : i32
      %sub3A_185 = vector.broadcast %sub3A_184 : i32 to vector<16xi32>
      %sub3A_186 = arith.subi %select_n3A_180, %sub3A_185 : vector<16xi32>
      %select_n3A_187 = arith.select %ge3A_183, %sub3A_186, %select_n3A_180 : vector<16xi1>, vector<16xi32>
      %mul3A_188 = arith.constant 2 : i32
      %mul3A_189 = vector.broadcast %mul3A_188 : i32 to vector<16xi32>
      %mul3A_190 = arith.muli %select_n3A_187, %mul3A_189 : vector<16xi32>
      %add3A_191 = vector.broadcast %arg0 : i32 to vector<16xi32>
      %add3A_192 = arith.addi %mul3A_190, %add3A_191 : vector<16xi32>
      %swap3A_193 = arith.constant 0 : i32
      %swap3A_194 = arith.index_cast %swap3A_193 : i32 to index
      %swap3A_195 = arith.constant 16 : index
      %swap3A_196 = tpu.vector_load %arg9[%swap3A_194, %swap3A_195] {strides = array<i32>} : memref<8x32xi32, #tpu.memory_space<vmem>>, vector<1x16xi32>,
      %swap3A_197 = vector.shape_cast %swap3A_196 : vector<1x16xi32> to vector<16xi32>
      %swap3A_198 = vector.shape_cast %add3A_192 : vector<16xi32> to vector<1x16xi32>
      tpu.vector_store %arg9[%swap3A_194, %swap3A_195], %swap3A_198 {strides = array<i32>} : memref<8x32xi32, #tpu.memory_space<vmem>>, vector<1x16xi32>,
      %get3A_199 = arith.index_cast %rem3A_109 : i32 to index
      %get3A_200 = arith.constant 16 : index
      %get3A_201 = tpu.vector_load %arg8[%get3A_199, %get3A_200] {strides = array<i32>} : memref<2x256xi32, #tpu.memory_space<vmem>>, vector<1x16xi32>,
      %get3A_202 = vector.shape_cast %get3A_201 : vector<1x16xi32> to vector<16xi32>
      %swap3A_203 = arith.constant 0 : i32
      %swap3A_204 = arith.index_cast %swap3A_203 : i32 to index
      %swap3A_205 = arith.constant 16 : index
      %swap3A_206 = tpu.vector_load %arg10[%swap3A_204, %swap3A_205] {strides = array<i32>} : memref<8x32xi32, #tpu.memory_space<vmem>>, vector<1x16xi32>,
      %swap3A_207 = vector.shape_cast %swap3A_206 : vector<1x16xi32> to vector<16xi32>
      %swap3A_208 = vector.shape_cast %get3A_202 : vector<16xi32> to vector<1x16xi32>
      tpu.vector_store %arg10[%swap3A_204, %swap3A_205], %swap3A_208 {strides = array<i32>} : memref<8x32xi32, #tpu.memory_space<vmem>>, vector<1x16xi32>,
      %get3A_209 = arith.index_cast %rem3A_109 : i32 to index
      %get3A_210 = arith.constant 32 : index
      %get3A_211 = tpu.vector_load %arg7[%get3A_209, %get3A_210] {strides = array<i32>} : memref<2x256xi32, #tpu.memory_space<vmem>>, vector<1x16xi32>,
      %get3A_212 = vector.shape_cast %get3A_211 : vector<1x16xi32> to vector<16xi32>
      %ge3A_213 = arith.constant 20000 : i32
      %ge3A_214 = vector.broadcast %ge3A_213 : i32 to vector<16xi32>
      %ge3A_215 = arith.cmpi sge, %get3A_212, %ge3A_214 : vector<16xi32>
      %sub3A_216 = arith.constant 20000 : i32
      %sub3A_217 = vector.broadcast %sub3A_216 : i32 to vector<16xi32>
      %sub3A_218 = arith.subi %get3A_212, %sub3A_217 : vector<16xi32>
      %select_n3A_219 = arith.select %ge3A_215, %sub3A_218, %get3A_212 : vector<16xi1>, vector<16xi32>
      %ge3A_220 = arith.constant 10000 : i32
      %ge3A_221 = vector.broadcast %ge3A_220 : i32 to vector<16xi32>
      %ge3A_222 = arith.cmpi sge, %select_n3A_219, %ge3A_221 : vector<16xi32>
      %sub3A_223 = arith.constant 10000 : i32
      %sub3A_224 = vector.broadcast %sub3A_223 : i32 to vector<16xi32>
      %sub3A_225 = arith.subi %select_n3A_219, %sub3A_224 : vector<16xi32>
      %select_n3A_226 = arith.select %ge3A_222, %sub3A_225, %select_n3A_219 : vector<16xi1>, vector<16xi32>
      %mul3A_227 = arith.constant 2 : i32
      %mul3A_228 = vector.broadcast %mul3A_227 : i32 to vector<16xi32>
      %mul3A_229 = arith.muli %select_n3A_226, %mul3A_228 : vector<16xi32>
      %add3A_230 = vector.broadcast %arg0 : i32 to vector<16xi32>
      %add3A_231 = arith.addi %mul3A_229, %add3A_230 : vector<16xi32>
      %swap3A_232 = arith.constant 1 : i32
      %swap3A_233 = arith.index_cast %swap3A_232 : i32 to index
      %swap3A_234 = arith.constant 0 : index
      %swap3A_235 = tpu.vector_load %arg9[%swap3A_233, %swap3A_234] {strides = array<i32>} : memref<8x32xi32, #tpu.memory_space<vmem>>, vector<1x16xi32>,
      %swap3A_236 = vector.shape_cast %swap3A_235 : vector<1x16xi32> to vector<16xi32>
      %swap3A_237 = vector.shape_cast %add3A_231 : vector<16xi32> to vector<1x16xi32>
      tpu.vector_store %arg9[%swap3A_233, %swap3A_234], %swap3A_237 {strides = array<i32>} : memref<8x32xi32, #tpu.memory_space<vmem>>, vector<1x16xi32>,
      %get3A_238 = arith.index_cast %rem3A_109 : i32 to index
      %get3A_239 = arith.constant 32 : index
      %get3A_240 = tpu.vector_load %arg8[%get3A_238, %get3A_239] {strides = array<i32>} : memref<2x256xi32, #tpu.memory_space<vmem>>, vector<1x16xi32>,
      %get3A_241 = vector.shape_cast %get3A_240 : vector<1x16xi32> to vector<16xi32>
      %swap3A_242 = arith.constant 1 : i32
      %swap3A_243 = arith.index_cast %swap3A_242 : i32 to index
      %swap3A_244 = arith.constant 0 : index
      %swap3A_245 = tpu.vector_load %arg10[%swap3A_243, %swap3A_244] {strides = array<i32>} : memref<8x32xi32, #tpu.memory_space<vmem>>, vector<1x16xi32>,
      %swap3A_246 = vector.shape_cast %swap3A_245 : vector<1x16xi32> to vector<16xi32>
      %swap3A_247 = vector.shape_cast %get3A_241 : vector<16xi32> to vector<1x16xi32>
      tpu.vector_store %arg10[%swap3A_243, %swap3A_244], %swap3A_247 {strides = array<i32>} : memref<8x32xi32, #tpu.memory_space<vmem>>, vector<1x16xi32>,
      %get3A_248 = arith.index_cast %rem3A_109 : i32 to index
      %get3A_249 = arith.constant 48 : index
      %get3A_250 = tpu.vector_load %arg7[%get3A_248, %get3A_249] {strides = array<i32>} : memref<2x256xi32, #tpu.memory_space<vmem>>, vector<1x16xi32>,
      %get3A_251 = vector.shape_cast %get3A_250 : vector<1x16xi32> to vector<16xi32>
      %ge3A_252 = arith.constant 20000 : i32
      %ge3A_253 = vector.broadcast %ge3A_252 : i32 to vector<16xi32>
      %ge3A_254 = arith.cmpi sge, %get3A_251, %ge3A_253 : vector<16xi32>
      %sub3A_255 = arith.constant 20000 : i32
      %sub3A_256 = vector.broadcast %sub3A_255 : i32 to vector<16xi32>
      %sub3A_257 = arith.subi %get3A_251, %sub3A_256 : vector<16xi32>
      %select_n3A_258 = arith.select %ge3A_254, %sub3A_257, %get3A_251 : vector<16xi1>, vector<16xi32>
      %ge3A_259 = arith.constant 10000 : i32
      %ge3A_260 = vector.broadcast %ge3A_259 : i32 to vector<16xi32>
      %ge3A_261 = arith.cmpi sge, %select_n3A_258, %ge3A_260 : vector<16xi32>
      %sub3A_262 = arith.constant 10000 : i32
      %sub3A_263 = vector.broadcast %sub3A_262 : i32 to vector<16xi32>
      %sub3A_264 = arith.subi %select_n3A_258, %sub3A_263 : vector<16xi32>
      %select_n3A_265 = arith.select %ge3A_261, %sub3A_264, %select_n3A_258 : vector<16xi1>, vector<16xi32>
      %mul3A_266 = arith.constant 2 : i32
      %mul3A_267 = vector.broadcast %mul3A_266 : i32 to vector<16xi32>
      %mul3A_268 = arith.muli %select_n3A_265, %mul3A_267 : vector<16xi32>
      %add3A_269 = vector.broadcast %arg0 : i32 to vector<16xi32>
      %add3A_270 = arith.addi %mul3A_268, %add3A_269 : vector<16xi32>
      %swap3A_271 = arith.constant 1 : i32
      %swap3A_272 = arith.index_cast %swap3A_271 : i32 to index
      %swap3A_273 = arith.constant 16 : index
      %swap3A_274 = tpu.vector_load %arg9[%swap3A_272, %swap3A_273] {strides = array<i32>} : memref<8x32xi32, #tpu.memory_space<vmem>>, vector<1x16xi32>,
      %swap3A_275 = vector.shape_cast %swap3A_274 : vector<1x16xi32> to vector<16xi32>
      %swap3A_276 = vector.shape_cast %add3A_270 : vector<16xi32> to vector<1x16xi32>
      tpu.vector_store %arg9[%swap3A_272, %swap3A_273], %swap3A_276 {strides = array<i32>} : memref<8x32xi32, #tpu.memory_space<vmem>>, vector<1x16xi32>,
      %get3A_277 = arith.index_cast %rem3A_109 : i32 to index
      %get3A_278 = arith.constant 48 : index
      %get3A_279 = tpu.vector_load %arg8[%get3A_277, %get3A_278] {strides = array<i32>} : memref<2x256xi32, #tpu.memory_space<vmem>>, vector<1x16xi32>,
      %get3A_280 = vector.shape_cast %get3A_279 : vector<1x16xi32> to vector<16xi32>
      %swap3A_281 = arith.constant 1 : i32
      %swap3A_282 = arith.index_cast %swap3A_281 : i32 to index
      %swap3A_283 = arith.constant 16 : index
      %swap3A_284 = tpu.vector_load %arg10[%swap3A_282, %swap3A_283] {strides = array<i32>} : memref<8x32xi32, #tpu.memory_space<vmem>>, vector<1x16xi32>,
      %swap3A_285 = vector.shape_cast %swap3A_284 : vector<1x16xi32> to vector<16xi32>
      %swap3A_286 = vector.shape_cast %get3A_280 : vector<16xi32> to vector<1x16xi32>
      tpu.vector_store %arg10[%swap3A_282, %swap3A_283], %swap3A_286 {strides = array<i32>} : memref<8x32xi32, #tpu.memory_space<vmem>>, vector<1x16xi32>,
      %get3A_287 = arith.index_cast %rem3A_109 : i32 to index
      %get3A_288 = arith.constant 64 : index
      %get3A_289 = tpu.vector_load %arg7[%get3A_287, %get3A_288] {strides = array<i32>} : memref<2x256xi32, #tpu.memory_space<vmem>>, vector<1x16xi32>,
      %get3A_290 = vector.shape_cast %get3A_289 : vector<1x16xi32> to vector<16xi32>
      %ge3A_291 = arith.constant 20000 : i32
      %ge3A_292 = vector.broadcast %ge3A_291 : i32 to vector<16xi32>
      %ge3A_293 = arith.cmpi sge, %get3A_290, %ge3A_292 : vector<16xi32>
      %sub3A_294 = arith.constant 20000 : i32
      %sub3A_295 = vector.broadcast %sub3A_294 : i32 to vector<16xi32>
      %sub3A_296 = arith.subi %get3A_290, %sub3A_295 : vector<16xi32>
      %select_n3A_297 = arith.select %ge3A_293, %sub3A_296, %get3A_290 : vector<16xi1>, vector<16xi32>
      %ge3A_298 = arith.constant 10000 : i32
      %ge3A_299 = vector.broadcast %ge3A_298 : i32 to vector<16xi32>
      %ge3A_300 = arith.cmpi sge, %select_n3A_297, %ge3A_299 : vector<16xi32>
      %sub3A_301 = arith.constant 10000 : i32
      %sub3A_302 = vector.broadcast %sub3A_301 : i32 to vector<16xi32>
      %sub3A_303 = arith.subi %select_n3A_297, %sub3A_302 : vector<16xi32>
      %select_n3A_304 = arith.select %ge3A_300, %sub3A_303, %select_n3A_297 : vector<16xi1>, vector<16xi32>
      %mul3A_305 = arith.constant 2 : i32
      %mul3A_306 = vector.broadcast %mul3A_305 : i32 to vector<16xi32>
      %mul3A_307 = arith.muli %select_n3A_304, %mul3A_306 : vector<16xi32>
      %add3A_308 = vector.broadcast %arg0 : i32 to vector<16xi32>
      %add3A_309 = arith.addi %mul3A_307, %add3A_308 : vector<16xi32>
      %swap3A_310 = arith.constant 2 : i32
      %swap3A_311 = arith.index_cast %swap3A_310 : i32 to index
      %swap3A_312 = arith.constant 0 : index
      %swap3A_313 = tpu.vector_load %arg9[%swap3A_311, %swap3A_312] {strides = array<i32>} : memref<8x32xi32, #tpu.memory_space<vmem>>, vector<1x16xi32>,
      %swap3A_314 = vector.shape_cast %swap3A_313 : vector<1x16xi32> to vector<16xi32>
      %swap3A_315 = vector.shape_cast %add3A_309 : vector<16xi32> to vector<1x16xi32>
      tpu.vector_store %arg9[%swap3A_311, %swap3A_312], %swap3A_315 {strides = array<i32>} : memref<8x32xi32, #tpu.memory_space<vmem>>, vector<1x16xi32>,
      %get3A_316 = arith.index_cast %rem3A_109 : i32 to index
      %get3A_317 = arith.constant 64 : index
      %get3A_318 = tpu.vector_load %arg8[%get3A_316, %get3A_317] {strides = array<i32>} : memref<2x256xi32, #tpu.memory_space<vmem>>, vector<1x16xi32>,
      %get3A_319 = vector.shape_cast %get3A_318 : vector<1x16xi32> to vector<16xi32>
      %swap3A_320 = arith.constant 2 : i32
      %swap3A_321 = arith.index_cast %swap3A_320 : i32 to index
      %swap3A_322 = arith.constant 0 : index
      %swap3A_323 = tpu.vector_load %arg10[%swap3A_321, %swap3A_322] {strides = array<i32>} : memref<8x32xi32, #tpu.memory_space<vmem>>, vector<1x16xi32>,
      %swap3A_324 = vector.shape_cast %swap3A_323 : vector<1x16xi32> to vector<16xi32>
      %swap3A_325 = vector.shape_cast %get3A_319 : vector<16xi32> to vector<1x16xi32>
      tpu.vector_store %arg10[%swap3A_321, %swap3A_322], %swap3A_325 {strides = array<i32>} : memref<8x32xi32, #tpu.memory_space<vmem>>, vector<1x16xi32>,
      %get3A_326 = arith.index_cast %rem3A_109 : i32 to index
      %get3A_327 = arith.constant 80 : index
      %get3A_328 = tpu.vector_load %arg7[%get3A_326, %get3A_327] {strides = array<i32>} : memref<2x256xi32, #tpu.memory_space<vmem>>, vector<1x16xi32>,
      %get3A_329 = vector.shape_cast %get3A_328 : vector<1x16xi32> to vector<16xi32>
      %ge3A_330 = arith.constant 20000 : i32
      %ge3A_331 = vector.broadcast %ge3A_330 : i32 to vector<16xi32>
      %ge3A_332 = arith.cmpi sge, %get3A_329, %ge3A_331 : vector<16xi32>
      %sub3A_333 = arith.constant 20000 : i32
      %sub3A_334 = vector.broadcast %sub3A_333 : i32 to vector<16xi32>
      %sub3A_335 = arith.subi %get3A_329, %sub3A_334 : vector<16xi32>
      %select_n3A_336 = arith.select %ge3A_332, %sub3A_335, %get3A_329 : vector<16xi1>, vector<16xi32>
      %ge3A_337 = arith.constant 10000 : i32
      %ge3A_338 = vector.broadcast %ge3A_337 : i32 to vector<16xi32>
      %ge3A_339 = arith.cmpi sge, %select_n3A_336, %ge3A_338 : vector<16xi32>
      %sub3A_340 = arith.constant 10000 : i32
      %sub3A_341 = vector.broadcast %sub3A_340 : i32 to vector<16xi32>
      %sub3A_342 = arith.subi %select_n3A_336, %sub3A_341 : vector<16xi32>
      %select_n3A_343 = arith.select %ge3A_339, %sub3A_342, %select_n3A_336 : vector<16xi1>, vector<16xi32>
      %mul3A_344 = arith.constant 2 : i32
      %mul3A_345 = vector.broadcast %mul3A_344 : i32 to vector<16xi32>
      %mul3A_346 = arith.muli %select_n3A_343, %mul3A_345 : vector<16xi32>
      %add3A_347 = vector.broadcast %arg0 : i32 to vector<16xi32>
      %add3A_348 = arith.addi %mul3A_346, %add3A_347 : vector<16xi32>
      %swap3A_349 = arith.constant 2 : i32
      %swap3A_350 = arith.index_cast %swap3A_349 : i32 to index
      %swap3A_351 = arith.constant 16 : index
      %swap3A_352 = tpu.vector_load %arg9[%swap3A_350, %swap3A_351] {strides = array<i32>} : memref<8x32xi32, #tpu.memory_space<vmem>>, vector<1x16xi32>,
      %swap3A_353 = vector.shape_cast %swap3A_352 : vector<1x16xi32> to vector<16xi32>
      %swap3A_354 = vector.shape_cast %add3A_348 : vector<16xi32> to vector<1x16xi32>
      tpu.vector_store %arg9[%swap3A_350, %swap3A_351], %swap3A_354 {strides = array<i32>} : memref<8x32xi32, #tpu.memory_space<vmem>>, vector<1x16xi32>,
      %get3A_355 = arith.index_cast %rem3A_109 : i32 to index
      %get3A_356 = arith.constant 80 : index
      %get3A_357 = tpu.vector_load %arg8[%get3A_355, %get3A_356] {strides = array<i32>} : memref<2x256xi32, #tpu.memory_space<vmem>>, vector<1x16xi32>,
      %get3A_358 = vector.shape_cast %get3A_357 : vector<1x16xi32> to vector<16xi32>
      %swap3A_359 = arith.constant 2 : i32
      %swap3A_360 = arith.index_cast %swap3A_359 : i32 to index
      %swap3A_361 = arith.constant 16 : index
      %swap3A_362 = tpu.vector_load %arg10[%swap3A_360, %swap3A_361] {strides = array<i32>} : memref<8x32xi32, #tpu.memory_space<vmem>>, vector<1x16xi32>,
      %swap3A_363 = vector.shape_cast %swap3A_362 : vector<1x16xi32> to vector<16xi32>
      %swap3A_364 = vector.shape_cast %get3A_358 : vector<16xi32> to vector<1x16xi32>
      tpu.vector_store %arg10[%swap3A_360, %swap3A_361], %swap3A_364 {strides = array<i32>} : memref<8x32xi32, #tpu.memory_space<vmem>>, vector<1x16xi32>,
      %get3A_365 = arith.index_cast %rem3A_109 : i32 to index
      %get3A_366 = arith.constant 96 : index
      %get3A_367 = tpu.vector_load %arg7[%get3A_365, %get3A_366] {strides = array<i32>} : memref<2x256xi32, #tpu.memory_space<vmem>>, vector<1x16xi32>,
      %get3A_368 = vector.shape_cast %get3A_367 : vector<1x16xi32> to vector<16xi32>
      %ge3A_369 = arith.constant 20000 : i32
      %ge3A_370 = vector.broadcast %ge3A_369 : i32 to vector<16xi32>
      %ge3A_371 = arith.cmpi sge, %get3A_368, %ge3A_370 : vector<16xi32>
      %sub3A_372 = arith.constant 20000 : i32
      %sub3A_373 = vector.broadcast %sub3A_372 : i32 to vector<16xi32>
      %sub3A_374 = arith.subi %get3A_368, %sub3A_373 : vector<16xi32>
      %select_n3A_375 = arith.select %ge3A_371, %sub3A_374, %get3A_368 : vector<16xi1>, vector<16xi32>
      %ge3A_376 = arith.constant 10000 : i32
      %ge3A_377 = vector.broadcast %ge3A_376 : i32 to vector<16xi32>
      %ge3A_378 = arith.cmpi sge, %select_n3A_375, %ge3A_377 : vector<16xi32>
      %sub3A_379 = arith.constant 10000 : i32
      %sub3A_380 = vector.broadcast %sub3A_379 : i32 to vector<16xi32>
      %sub3A_381 = arith.subi %select_n3A_375, %sub3A_380 : vector<16xi32>
      %select_n3A_382 = arith.select %ge3A_378, %sub3A_381, %select_n3A_375 : vector<16xi1>, vector<16xi32>
      %mul3A_383 = arith.constant 2 : i32
      %mul3A_384 = vector.broadcast %mul3A_383 : i32 to vector<16xi32>
      %mul3A_385 = arith.muli %select_n3A_382, %mul3A_384 : vector<16xi32>
      %add3A_386 = vector.broadcast %arg0 : i32 to vector<16xi32>
      %add3A_387 = arith.addi %mul3A_385, %add3A_386 : vector<16xi32>
      %swap3A_388 = arith.constant 3 : i32
      %swap3A_389 = arith.index_cast %swap3A_388 : i32 to index
      %swap3A_390 = arith.constant 0 : index
      %swap3A_391 = tpu.vector_load %arg9[%swap3A_389, %swap3A_390] {strides = array<i32>} : memref<8x32xi32, #tpu.memory_space<vmem>>, vector<1x16xi32>,
      %swap3A_392 = vector.shape_cast %swap3A_391 : vector<1x16xi32> to vector<16xi32>
      %swap3A_393 = vector.shape_cast %add3A_387 : vector<16xi32> to vector<1x16xi32>
      tpu.vector_store %arg9[%swap3A_389, %swap3A_390], %swap3A_393 {strides = array<i32>} : memref<8x32xi32, #tpu.memory_space<vmem>>, vector<1x16xi32>,
      %get3A_394 = arith.index_cast %rem3A_109 : i32 to index
      %get3A_395 = arith.constant 96 : index
      %get3A_396 = tpu.vector_load %arg8[%get3A_394, %get3A_395] {strides = array<i32>} : memref<2x256xi32, #tpu.memory_space<vmem>>, vector<1x16xi32>,
      %get3A_397 = vector.shape_cast %get3A_396 : vector<1x16xi32> to vector<16xi32>
      %swap3A_398 = arith.constant 3 : i32
      %swap3A_399 = arith.index_cast %swap3A_398 : i32 to index
      %swap3A_400 = arith.constant 0 : index
      %swap3A_401 = tpu.vector_load %arg10[%swap3A_399, %swap3A_400] {strides = array<i32>} : memref<8x32xi32, #tpu.memory_space<vmem>>, vector<1x16xi32>,
      %swap3A_402 = vector.shape_cast %swap3A_401 : vector<1x16xi32> to vector<16xi32>
      %swap3A_403 = vector.shape_cast %get3A_397 : vector<16xi32> to vector<1x16xi32>
      tpu.vector_store %arg10[%swap3A_399, %swap3A_400], %swap3A_403 {strides = array<i32>} : memref<8x32xi32, #tpu.memory_space<vmem>>, vector<1x16xi32>,
      %get3A_404 = arith.index_cast %rem3A_109 : i32 to index
      %get3A_405 = arith.constant 112 : index
      %get3A_406 = tpu.vector_load %arg7[%get3A_404, %get3A_405] {strides = array<i32>} : memref<2x256xi32, #tpu.memory_space<vmem>>, vector<1x16xi32>,
      %get3A_407 = vector.shape_cast %get3A_406 : vector<1x16xi32> to vector<16xi32>
      %ge3A_408 = arith.constant 20000 : i32
      %ge3A_409 = vector.broadcast %ge3A_408 : i32 to vector<16xi32>
      %ge3A_410 = arith.cmpi sge, %get3A_407, %ge3A_409 : vector<16xi32>
      %sub3A_411 = arith.constant 20000 : i32
      %sub3A_412 = vector.broadcast %sub3A_411 : i32 to vector<16xi32>
      %sub3A_413 = arith.subi %get3A_407, %sub3A_412 : vector<16xi32>
      %select_n3A_414 = arith.select %ge3A_410, %sub3A_413, %get3A_407 : vector<16xi1>, vector<16xi32>
      %ge3A_415 = arith.constant 10000 : i32
      %ge3A_416 = vector.broadcast %ge3A_415 : i32 to vector<16xi32>
      %ge3A_417 = arith.cmpi sge, %select_n3A_414, %ge3A_416 : vector<16xi32>
      %sub3A_418 = arith.constant 10000 : i32
      %sub3A_419 = vector.broadcast %sub3A_418 : i32 to vector<16xi32>
      %sub3A_420 = arith.subi %select_n3A_414, %sub3A_419 : vector<16xi32>
      %select_n3A_421 = arith.select %ge3A_417, %sub3A_420, %select_n3A_414 : vector<16xi1>, vector<16xi32>
      %mul3A_422 = arith.constant 2 : i32
      %mul3A_423 = vector.broadcast %mul3A_422 : i32 to vector<16xi32>
      %mul3A_424 = arith.muli %select_n3A_421, %mul3A_423 : vector<16xi32>
      %add3A_425 = vector.broadcast %arg0 : i32 to vector<16xi32>
      %add3A_426 = arith.addi %mul3A_424, %add3A_425 : vector<16xi32>
      %swap3A_427 = arith.constant 3 : i32
      %swap3A_428 = arith.index_cast %swap3A_427 : i32 to index
      %swap3A_429 = arith.constant 16 : index
      %swap3A_430 = tpu.vector_load %arg9[%swap3A_428, %swap3A_429] {strides = array<i32>} : memref<8x32xi32, #tpu.memory_space<vmem>>, vector<1x16xi32>,
      %swap3A_431 = vector.shape_cast %swap3A_430 : vector<1x16xi32> to vector<16xi32>
      %swap3A_432 = vector.shape_cast %add3A_426 : vector<16xi32> to vector<1x16xi32>
      tpu.vector_store %arg9[%swap3A_428, %swap3A_429], %swap3A_432 {strides = array<i32>} : memref<8x32xi32, #tpu.memory_space<vmem>>, vector<1x16xi32>,
      %get3A_433 = arith.index_cast %rem3A_109 : i32 to index
      %get3A_434 = arith.constant 112 : index
      %get3A_435 = tpu.vector_load %arg8[%get3A_433, %get3A_434] {strides = array<i32>} : memref<2x256xi32, #tpu.memory_space<vmem>>, vector<1x16xi32>,
      %get3A_436 = vector.shape_cast %get3A_435 : vector<1x16xi32> to vector<16xi32>
      %swap3A_437 = arith.constant 3 : i32
      %swap3A_438 = arith.index_cast %swap3A_437 : i32 to index
      %swap3A_439 = arith.constant 16 : index
      %swap3A_440 = tpu.vector_load %arg10[%swap3A_438, %swap3A_439] {strides = array<i32>} : memref<8x32xi32, #tpu.memory_space<vmem>>, vector<1x16xi32>,
      %swap3A_441 = vector.shape_cast %swap3A_440 : vector<1x16xi32> to vector<16xi32>
      %swap3A_442 = vector.shape_cast %get3A_436 : vector<16xi32> to vector<1x16xi32>
      tpu.vector_store %arg10[%swap3A_438, %swap3A_439], %swap3A_442 {strides = array<i32>} : memref<8x32xi32, #tpu.memory_space<vmem>>, vector<1x16xi32>,
      %get3A_443 = arith.index_cast %rem3A_109 : i32 to index
      %get3A_444 = arith.constant 128 : index
      %get3A_445 = tpu.vector_load %arg7[%get3A_443, %get3A_444] {strides = array<i32>} : memref<2x256xi32, #tpu.memory_space<vmem>>, vector<1x16xi32>,
      %get3A_446 = vector.shape_cast %get3A_445 : vector<1x16xi32> to vector<16xi32>
      %ge3A_447 = arith.constant 20000 : i32
      %ge3A_448 = vector.broadcast %ge3A_447 : i32 to vector<16xi32>
      %ge3A_449 = arith.cmpi sge, %get3A_446, %ge3A_448 : vector<16xi32>
      %sub3A_450 = arith.constant 20000 : i32
      %sub3A_451 = vector.broadcast %sub3A_450 : i32 to vector<16xi32>
      %sub3A_452 = arith.subi %get3A_446, %sub3A_451 : vector<16xi32>
      %select_n3A_453 = arith.select %ge3A_449, %sub3A_452, %get3A_446 : vector<16xi1>, vector<16xi32>
      %ge3A_454 = arith.constant 10000 : i32
      %ge3A_455 = vector.broadcast %ge3A_454 : i32 to vector<16xi32>
      %ge3A_456 = arith.cmpi sge, %select_n3A_453, %ge3A_455 : vector<16xi32>
      %sub3A_457 = arith.constant 10000 : i32
      %sub3A_458 = vector.broadcast %sub3A_457 : i32 to vector<16xi32>
      %sub3A_459 = arith.subi %select_n3A_453, %sub3A_458 : vector<16xi32>
      %select_n3A_460 = arith.select %ge3A_456, %sub3A_459, %select_n3A_453 : vector<16xi1>, vector<16xi32>
      %mul3A_461 = arith.constant 2 : i32
      %mul3A_462 = vector.broadcast %mul3A_461 : i32 to vector<16xi32>
      %mul3A_463 = arith.muli %select_n3A_460, %mul3A_462 : vector<16xi32>
      %add3A_464 = vector.broadcast %arg0 : i32 to vector<16xi32>
      %add3A_465 = arith.addi %mul3A_463, %add3A_464 : vector<16xi32>
      %swap3A_466 = arith.constant 4 : i32
      %swap3A_467 = arith.index_cast %swap3A_466 : i32 to index
      %swap3A_468 = arith.constant 0 : index
      %swap3A_469 = tpu.vector_load %arg9[%swap3A_467, %swap3A_468] {strides = array<i32>} : memref<8x32xi32, #tpu.memory_space<vmem>>, vector<1x16xi32>,
      %swap3A_470 = vector.shape_cast %swap3A_469 : vector<1x16xi32> to vector<16xi32>
      %swap3A_471 = vector.shape_cast %add3A_465 : vector<16xi32> to vector<1x16xi32>
      tpu.vector_store %arg9[%swap3A_467, %swap3A_468], %swap3A_471 {strides = array<i32>} : memref<8x32xi32, #tpu.memory_space<vmem>>, vector<1x16xi32>,
      %get3A_472 = arith.index_cast %rem3A_109 : i32 to index
      %get3A_473 = arith.constant 128 : index
      %get3A_474 = tpu.vector_load %arg8[%get3A_472, %get3A_473] {strides = array<i32>} : memref<2x256xi32, #tpu.memory_space<vmem>>, vector<1x16xi32>,
      %get3A_475 = vector.shape_cast %get3A_474 : vector<1x16xi32> to vector<16xi32>
      %swap3A_476 = arith.constant 4 : i32
      %swap3A_477 = arith.index_cast %swap3A_476 : i32 to index
      %swap3A_478 = arith.constant 0 : index
      %swap3A_479 = tpu.vector_load %arg10[%swap3A_477, %swap3A_478] {strides = array<i32>} : memref<8x32xi32, #tpu.memory_space<vmem>>, vector<1x16xi32>,
      %swap3A_480 = vector.shape_cast %swap3A_479 : vector<1x16xi32> to vector<16xi32>
      %swap3A_481 = vector.shape_cast %get3A_475 : vector<16xi32> to vector<1x16xi32>
      tpu.vector_store %arg10[%swap3A_477, %swap3A_478], %swap3A_481 {strides = array<i32>} : memref<8x32xi32, #tpu.memory_space<vmem>>, vector<1x16xi32>,
      %get3A_482 = arith.index_cast %rem3A_109 : i32 to index
      %get3A_483 = arith.constant 144 : index
      %get3A_484 = tpu.vector_load %arg7[%get3A_482, %get3A_483] {strides = array<i32>} : memref<2x256xi32, #tpu.memory_space<vmem>>, vector<1x16xi32>,
      %get3A_485 = vector.shape_cast %get3A_484 : vector<1x16xi32> to vector<16xi32>
      %ge3A_486 = arith.constant 20000 : i32
      %ge3A_487 = vector.broadcast %ge3A_486 : i32 to vector<16xi32>
      %ge3A_488 = arith.cmpi sge, %get3A_485, %ge3A_487 : vector<16xi32>
      %sub3A_489 = arith.constant 20000 : i32
      %sub3A_490 = vector.broadcast %sub3A_489 : i32 to vector<16xi32>
      %sub3A_491 = arith.subi %get3A_485, %sub3A_490 : vector<16xi32>
      %select_n3A_492 = arith.select %ge3A_488, %sub3A_491, %get3A_485 : vector<16xi1>, vector<16xi32>
      %ge3A_493 = arith.constant 10000 : i32
      %ge3A_494 = vector.broadcast %ge3A_493 : i32 to vector<16xi32>
      %ge3A_495 = arith.cmpi sge, %select_n3A_492, %ge3A_494 : vector<16xi32>
      %sub3A_496 = arith.constant 10000 : i32
      %sub3A_497 = vector.broadcast %sub3A_496 : i32 to vector<16xi32>
      %sub3A_498 = arith.subi %select_n3A_492, %sub3A_497 : vector<16xi32>
      %select_n3A_499 = arith.select %ge3A_495, %sub3A_498, %select_n3A_492 : vector<16xi1>, vector<16xi32>
      %mul3A_500 = arith.constant 2 : i32
      %mul3A_501 = vector.broadcast %mul3A_500 : i32 to vector<16xi32>
      %mul3A_502 = arith.muli %select_n3A_499, %mul3A_501 : vector<16xi32>
      %add3A_503 = vector.broadcast %arg0 : i32 to vector<16xi32>
      %add3A_504 = arith.addi %mul3A_502, %add3A_503 : vector<16xi32>
      %swap3A_505 = arith.constant 4 : i32
      %swap3A_506 = arith.index_cast %swap3A_505 : i32 to index
      %swap3A_507 = arith.constant 16 : index
      %swap3A_508 = tpu.vector_load %arg9[%swap3A_506, %swap3A_507] {strides = array<i32>} : memref<8x32xi32, #tpu.memory_space<vmem>>, vector<1x16xi32>,
      %swap3A_509 = vector.shape_cast %swap3A_508 : vector<1x16xi32> to vector<16xi32>
      %swap3A_510 = vector.shape_cast %add3A_504 : vector<16xi32> to vector<1x16xi32>
      tpu.vector_store %arg9[%swap3A_506, %swap3A_507], %swap3A_510 {strides = array<i32>} : memref<8x32xi32, #tpu.memory_space<vmem>>, vector<1x16xi32>,
      %get3A_511 = arith.index_cast %rem3A_109 : i32 to index
      %get3A_512 = arith.constant 144 : index
      %get3A_513 = tpu.vector_load %arg8[%get3A_511, %get3A_512] {strides = array<i32>} : memref<2x256xi32, #tpu.memory_space<vmem>>, vector<1x16xi32>,
      %get3A_514 = vector.shape_cast %get3A_513 : vector<1x16xi32> to vector<16xi32>
      %swap3A_515 = arith.constant 4 : i32
      %swap3A_516 = arith.index_cast %swap3A_515 : i32 to index
      %swap3A_517 = arith.constant 16 : index
      %swap3A_518 = tpu.vector_load %arg10[%swap3A_516, %swap3A_517] {strides = array<i32>} : memref<8x32xi32, #tpu.memory_space<vmem>>, vector<1x16xi32>,
      %swap3A_519 = vector.shape_cast %swap3A_518 : vector<1x16xi32> to vector<16xi32>
      %swap3A_520 = vector.shape_cast %get3A_514 : vector<16xi32> to vector<1x16xi32>
      tpu.vector_store %arg10[%swap3A_516, %swap3A_517], %swap3A_520 {strides = array<i32>} : memref<8x32xi32, #tpu.memory_space<vmem>>, vector<1x16xi32>,
      %get3A_521 = arith.index_cast %rem3A_109 : i32 to index
      %get3A_522 = arith.constant 160 : index
      %get3A_523 = tpu.vector_load %arg7[%get3A_521, %get3A_522] {strides = array<i32>} : memref<2x256xi32, #tpu.memory_space<vmem>>, vector<1x16xi32>,
      %get3A_524 = vector.shape_cast %get3A_523 : vector<1x16xi32> to vector<16xi32>
      %ge3A_525 = arith.constant 20000 : i32
      %ge3A_526 = vector.broadcast %ge3A_525 : i32 to vector<16xi32>
      %ge3A_527 = arith.cmpi sge, %get3A_524, %ge3A_526 : vector<16xi32>
      %sub3A_528 = arith.constant 20000 : i32
      %sub3A_529 = vector.broadcast %sub3A_528 : i32 to vector<16xi32>
      %sub3A_530 = arith.subi %get3A_524, %sub3A_529 : vector<16xi32>
      %select_n3A_531 = arith.select %ge3A_527, %sub3A_530, %get3A_524 : vector<16xi1>, vector<16xi32>
      %ge3A_532 = arith.constant 10000 : i32
      %ge3A_533 = vector.broadcast %ge3A_532 : i32 to vector<16xi32>
      %ge3A_534 = arith.cmpi sge, %select_n3A_531, %ge3A_533 : vector<16xi32>
      %sub3A_535 = arith.constant 10000 : i32
      %sub3A_536 = vector.broadcast %sub3A_535 : i32 to vector<16xi32>
      %sub3A_537 = arith.subi %select_n3A_531, %sub3A_536 : vector<16xi32>
      %select_n3A_538 = arith.select %ge3A_534, %sub3A_537, %select_n3A_531 : vector<16xi1>, vector<16xi32>
      %mul3A_539 = arith.constant 2 : i32
      %mul3A_540 = vector.broadcast %mul3A_539 : i32 to vector<16xi32>
      %mul3A_541 = arith.muli %select_n3A_538, %mul3A_540 : vector<16xi32>
      %add3A_542 = vector.broadcast %arg0 : i32 to vector<16xi32>
      %add3A_543 = arith.addi %mul3A_541, %add3A_542 : vector<16xi32>
      %swap3A_544 = arith.constant 5 : i32
      %swap3A_545 = arith.index_cast %swap3A_544 : i32 to index
      %swap3A_546 = arith.constant 0 : index
      %swap3A_547 = tpu.vector_load %arg9[%swap3A_545, %swap3A_546] {strides = array<i32>} : memref<8x32xi32, #tpu.memory_space<vmem>>, vector<1x16xi32>,
      %swap3A_548 = vector.shape_cast %swap3A_547 : vector<1x16xi32> to vector<16xi32>
      %swap3A_549 = vector.shape_cast %add3A_543 : vector<16xi32> to vector<1x16xi32>
      tpu.vector_store %arg9[%swap3A_545, %swap3A_546], %swap3A_549 {strides = array<i32>} : memref<8x32xi32, #tpu.memory_space<vmem>>, vector<1x16xi32>,
      %get3A_550 = arith.index_cast %rem3A_109 : i32 to index
      %get3A_551 = arith.constant 160 : index
      %get3A_552 = tpu.vector_load %arg8[%get3A_550, %get3A_551] {strides = array<i32>} : memref<2x256xi32, #tpu.memory_space<vmem>>, vector<1x16xi32>,
      %get3A_553 = vector.shape_cast %get3A_552 : vector<1x16xi32> to vector<16xi32>
      %swap3A_554 = arith.constant 5 : i32
      %swap3A_555 = arith.index_cast %swap3A_554 : i32 to index
      %swap3A_556 = arith.constant 0 : index
      %swap3A_557 = tpu.vector_load %arg10[%swap3A_555, %swap3A_556] {strides = array<i32>} : memref<8x32xi32, #tpu.memory_space<vmem>>, vector<1x16xi32>,
      %swap3A_558 = vector.shape_cast %swap3A_557 : vector<1x16xi32> to vector<16xi32>
      %swap3A_559 = vector.shape_cast %get3A_553 : vector<16xi32> to vector<1x16xi32>
      tpu.vector_store %arg10[%swap3A_555, %swap3A_556], %swap3A_559 {strides = array<i32>} : memref<8x32xi32, #tpu.memory_space<vmem>>, vector<1x16xi32>,
      %get3A_560 = arith.index_cast %rem3A_109 : i32 to index
      %get3A_561 = arith.constant 176 : index
      %get3A_562 = tpu.vector_load %arg7[%get3A_560, %get3A_561] {strides = array<i32>} : memref<2x256xi32, #tpu.memory_space<vmem>>, vector<1x16xi32>,
      %get3A_563 = vector.shape_cast %get3A_562 : vector<1x16xi32> to vector<16xi32>
      %ge3A_564 = arith.constant 20000 : i32
      %ge3A_565 = vector.broadcast %ge3A_564 : i32 to vector<16xi32>
      %ge3A_566 = arith.cmpi sge, %get3A_563, %ge3A_565 : vector<16xi32>
      %sub3A_567 = arith.constant 20000 : i32
      %sub3A_568 = vector.broadcast %sub3A_567 : i32 to vector<16xi32>
      %sub3A_569 = arith.subi %get3A_563, %sub3A_568 : vector<16xi32>
      %select_n3A_570 = arith.select %ge3A_566, %sub3A_569, %get3A_563 : vector<16xi1>, vector<16xi32>
      %ge3A_571 = arith.constant 10000 : i32
      %ge3A_572 = vector.broadcast %ge3A_571 : i32 to vector<16xi32>
      %ge3A_573 = arith.cmpi sge, %select_n3A_570, %ge3A_572 : vector<16xi32>
      %sub3A_574 = arith.constant 10000 : i32
      %sub3A_575 = vector.broadcast %sub3A_574 : i32 to vector<16xi32>
      %sub3A_576 = arith.subi %select_n3A_570, %sub3A_575 : vector<16xi32>
      %select_n3A_577 = arith.select %ge3A_573, %sub3A_576, %select_n3A_570 : vector<16xi1>, vector<16xi32>
      %mul3A_578 = arith.constant 2 : i32
      %mul3A_579 = vector.broadcast %mul3A_578 : i32 to vector<16xi32>
      %mul3A_580 = arith.muli %select_n3A_577, %mul3A_579 : vector<16xi32>
      %add3A_581 = vector.broadcast %arg0 : i32 to vector<16xi32>
      %add3A_582 = arith.addi %mul3A_580, %add3A_581 : vector<16xi32>
      %swap3A_583 = arith.constant 5 : i32
      %swap3A_584 = arith.index_cast %swap3A_583 : i32 to index
      %swap3A_585 = arith.constant 16 : index
      %swap3A_586 = tpu.vector_load %arg9[%swap3A_584, %swap3A_585] {strides = array<i32>} : memref<8x32xi32, #tpu.memory_space<vmem>>, vector<1x16xi32>,
      %swap3A_587 = vector.shape_cast %swap3A_586 : vector<1x16xi32> to vector<16xi32>
      %swap3A_588 = vector.shape_cast %add3A_582 : vector<16xi32> to vector<1x16xi32>
      tpu.vector_store %arg9[%swap3A_584, %swap3A_585], %swap3A_588 {strides = array<i32>} : memref<8x32xi32, #tpu.memory_space<vmem>>, vector<1x16xi32>,
      %get3A_589 = arith.index_cast %rem3A_109 : i32 to index
      %get3A_590 = arith.constant 176 : index
      %get3A_591 = tpu.vector_load %arg8[%get3A_589, %get3A_590] {strides = array<i32>} : memref<2x256xi32, #tpu.memory_space<vmem>>, vector<1x16xi32>,
      %get3A_592 = vector.shape_cast %get3A_591 : vector<1x16xi32> to vector<16xi32>
      %swap3A_593 = arith.constant 5 : i32
      %swap3A_594 = arith.index_cast %swap3A_593 : i32 to index
      %swap3A_595 = arith.constant 16 : index
      %swap3A_596 = tpu.vector_load %arg10[%swap3A_594, %swap3A_595] {strides = array<i32>} : memref<8x32xi32, #tpu.memory_space<vmem>>, vector<1x16xi32>,
      %swap3A_597 = vector.shape_cast %swap3A_596 : vector<1x16xi32> to vector<16xi32>
      %swap3A_598 = vector.shape_cast %get3A_592 : vector<16xi32> to vector<1x16xi32>
      tpu.vector_store %arg10[%swap3A_594, %swap3A_595], %swap3A_598 {strides = array<i32>} : memref<8x32xi32, #tpu.memory_space<vmem>>, vector<1x16xi32>,
      %get3A_599 = arith.index_cast %rem3A_109 : i32 to index
      %get3A_600 = arith.constant 192 : index
      %get3A_601 = tpu.vector_load %arg7[%get3A_599, %get3A_600] {strides = array<i32>} : memref<2x256xi32, #tpu.memory_space<vmem>>, vector<1x16xi32>,
      %get3A_602 = vector.shape_cast %get3A_601 : vector<1x16xi32> to vector<16xi32>
      %ge3A_603 = arith.constant 20000 : i32
      %ge3A_604 = vector.broadcast %ge3A_603 : i32 to vector<16xi32>
      %ge3A_605 = arith.cmpi sge, %get3A_602, %ge3A_604 : vector<16xi32>
      %sub3A_606 = arith.constant 20000 : i32
      %sub3A_607 = vector.broadcast %sub3A_606 : i32 to vector<16xi32>
      %sub3A_608 = arith.subi %get3A_602, %sub3A_607 : vector<16xi32>
      %select_n3A_609 = arith.select %ge3A_605, %sub3A_608, %get3A_602 : vector<16xi1>, vector<16xi32>
      %ge3A_610 = arith.constant 10000 : i32
      %ge3A_611 = vector.broadcast %ge3A_610 : i32 to vector<16xi32>
      %ge3A_612 = arith.cmpi sge, %select_n3A_609, %ge3A_611 : vector<16xi32>
      %sub3A_613 = arith.constant 10000 : i32
      %sub3A_614 = vector.broadcast %sub3A_613 : i32 to vector<16xi32>
      %sub3A_615 = arith.subi %select_n3A_609, %sub3A_614 : vector<16xi32>
      %select_n3A_616 = arith.select %ge3A_612, %sub3A_615, %select_n3A_609 : vector<16xi1>, vector<16xi32>
      %mul3A_617 = arith.constant 2 : i32
      %mul3A_618 = vector.broadcast %mul3A_617 : i32 to vector<16xi32>
      %mul3A_619 = arith.muli %select_n3A_616, %mul3A_618 : vector<16xi32>
      %add3A_620 = vector.broadcast %arg0 : i32 to vector<16xi32>
      %add3A_621 = arith.addi %mul3A_619, %add3A_620 : vector<16xi32>
      %swap3A_622 = arith.constant 6 : i32
      %swap3A_623 = arith.index_cast %swap3A_622 : i32 to index
      %swap3A_624 = arith.constant 0 : index
      %swap3A_625 = tpu.vector_load %arg9[%swap3A_623, %swap3A_624] {strides = array<i32>} : memref<8x32xi32, #tpu.memory_space<vmem>>, vector<1x16xi32>,
      %swap3A_626 = vector.shape_cast %swap3A_625 : vector<1x16xi32> to vector<16xi32>
      %swap3A_627 = vector.shape_cast %add3A_621 : vector<16xi32> to vector<1x16xi32>
      tpu.vector_store %arg9[%swap3A_623, %swap3A_624], %swap3A_627 {strides = array<i32>} : memref<8x32xi32, #tpu.memory_space<vmem>>, vector<1x16xi32>,
      %get3A_628 = arith.index_cast %rem3A_109 : i32 to index
      %get3A_629 = arith.constant 192 : index
      %get3A_630 = tpu.vector_load %arg8[%get3A_628, %get3A_629] {strides = array<i32>} : memref<2x256xi32, #tpu.memory_space<vmem>>, vector<1x16xi32>,
      %get3A_631 = vector.shape_cast %get3A_630 : vector<1x16xi32> to vector<16xi32>
      %swap3A_632 = arith.constant 6 : i32
      %swap3A_633 = arith.index_cast %swap3A_632 : i32 to index
      %swap3A_634 = arith.constant 0 : index
      %swap3A_635 = tpu.vector_load %arg10[%swap3A_633, %swap3A_634] {strides = array<i32>} : memref<8x32xi32, #tpu.memory_space<vmem>>, vector<1x16xi32>,
      %swap3A_636 = vector.shape_cast %swap3A_635 : vector<1x16xi32> to vector<16xi32>
      %swap3A_637 = vector.shape_cast %get3A_631 : vector<16xi32> to vector<1x16xi32>
      tpu.vector_store %arg10[%swap3A_633, %swap3A_634], %swap3A_637 {strides = array<i32>} : memref<8x32xi32, #tpu.memory_space<vmem>>, vector<1x16xi32>,
      %get3A_638 = arith.index_cast %rem3A_109 : i32 to index
      %get3A_639 = arith.constant 208 : index
      %get3A_640 = tpu.vector_load %arg7[%get3A_638, %get3A_639] {strides = array<i32>} : memref<2x256xi32, #tpu.memory_space<vmem>>, vector<1x16xi32>,
      %get3A_641 = vector.shape_cast %get3A_640 : vector<1x16xi32> to vector<16xi32>
      %ge3A_642 = arith.constant 20000 : i32
      %ge3A_643 = vector.broadcast %ge3A_642 : i32 to vector<16xi32>
      %ge3A_644 = arith.cmpi sge, %get3A_641, %ge3A_643 : vector<16xi32>
      %sub3A_645 = arith.constant 20000 : i32
      %sub3A_646 = vector.broadcast %sub3A_645 : i32 to vector<16xi32>
      %sub3A_647 = arith.subi %get3A_641, %sub3A_646 : vector<16xi32>
      %select_n3A_648 = arith.select %ge3A_644, %sub3A_647, %get3A_641 : vector<16xi1>, vector<16xi32>
      %ge3A_649 = arith.constant 10000 : i32
      %ge3A_650 = vector.broadcast %ge3A_649 : i32 to vector<16xi32>
      %ge3A_651 = arith.cmpi sge, %select_n3A_648, %ge3A_650 : vector<16xi32>
      %sub3A_652 = arith.constant 10000 : i32
      %sub3A_653 = vector.broadcast %sub3A_652 : i32 to vector<16xi32>
      %sub3A_654 = arith.subi %select_n3A_648, %sub3A_653 : vector<16xi32>
      %select_n3A_655 = arith.select %ge3A_651, %sub3A_654, %select_n3A_648 : vector<16xi1>, vector<16xi32>
      %mul3A_656 = arith.constant 2 : i32
      %mul3A_657 = vector.broadcast %mul3A_656 : i32 to vector<16xi32>
      %mul3A_658 = arith.muli %select_n3A_655, %mul3A_657 : vector<16xi32>
      %add3A_659 = vector.broadcast %arg0 : i32 to vector<16xi32>
      %add3A_660 = arith.addi %mul3A_658, %add3A_659 : vector<16xi32>
      %swap3A_661 = arith.constant 6 : i32
      %swap3A_662 = arith.index_cast %swap3A_661 : i32 to index
      %swap3A_663 = arith.constant 16 : index
      %swap3A_664 = tpu.vector_load %arg9[%swap3A_662, %swap3A_663] {strides = array<i32>} : memref<8x32xi32, #tpu.memory_space<vmem>>, vector<1x16xi32>,
      %swap3A_665 = vector.shape_cast %swap3A_664 : vector<1x16xi32> to vector<16xi32>
      %swap3A_666 = vector.shape_cast %add3A_660 : vector<16xi32> to vector<1x16xi32>
      tpu.vector_store %arg9[%swap3A_662, %swap3A_663], %swap3A_666 {strides = array<i32>} : memref<8x32xi32, #tpu.memory_space<vmem>>, vector<1x16xi32>,
      %get3A_667 = arith.index_cast %rem3A_109 : i32 to index
      %get3A_668 = arith.constant 208 : index
      %get3A_669 = tpu.vector_load %arg8[%get3A_667, %get3A_668] {strides = array<i32>} : memref<2x256xi32, #tpu.memory_space<vmem>>, vector<1x16xi32>,
      %get3A_670 = vector.shape_cast %get3A_669 : vector<1x16xi32> to vector<16xi32>
      %swap3A_671 = arith.constant 6 : i32
      %swap3A_672 = arith.index_cast %swap3A_671 : i32 to index
      %swap3A_673 = arith.constant 16 : index
      %swap3A_674 = tpu.vector_load %arg10[%swap3A_672, %swap3A_673] {strides = array<i32>} : memref<8x32xi32, #tpu.memory_space<vmem>>, vector<1x16xi32>,
      %swap3A_675 = vector.shape_cast %swap3A_674 : vector<1x16xi32> to vector<16xi32>
      %swap3A_676 = vector.shape_cast %get3A_670 : vector<16xi32> to vector<1x16xi32>
      tpu.vector_store %arg10[%swap3A_672, %swap3A_673], %swap3A_676 {strides = array<i32>} : memref<8x32xi32, #tpu.memory_space<vmem>>, vector<1x16xi32>,
      %get3A_677 = arith.index_cast %rem3A_109 : i32 to index
      %get3A_678 = arith.constant 224 : index
      %get3A_679 = tpu.vector_load %arg7[%get3A_677, %get3A_678] {strides = array<i32>} : memref<2x256xi32, #tpu.memory_space<vmem>>, vector<1x16xi32>,
      %get3A_680 = vector.shape_cast %get3A_679 : vector<1x16xi32> to vector<16xi32>
      %ge3A_681 = arith.constant 20000 : i32
      %ge3A_682 = vector.broadcast %ge3A_681 : i32 to vector<16xi32>
      %ge3A_683 = arith.cmpi sge, %get3A_680, %ge3A_682 : vector<16xi32>
      %sub3A_684 = arith.constant 20000 : i32
      %sub3A_685 = vector.broadcast %sub3A_684 : i32 to vector<16xi32>
      %sub3A_686 = arith.subi %get3A_680, %sub3A_685 : vector<16xi32>
      %select_n3A_687 = arith.select %ge3A_683, %sub3A_686, %get3A_680 : vector<16xi1>, vector<16xi32>
      %ge3A_688 = arith.constant 10000 : i32
      %ge3A_689 = vector.broadcast %ge3A_688 : i32 to vector<16xi32>
      %ge3A_690 = arith.cmpi sge, %select_n3A_687, %ge3A_689 : vector<16xi32>
      %sub3A_691 = arith.constant 10000 : i32
      %sub3A_692 = vector.broadcast %sub3A_691 : i32 to vector<16xi32>
      %sub3A_693 = arith.subi %select_n3A_687, %sub3A_692 : vector<16xi32>
      %select_n3A_694 = arith.select %ge3A_690, %sub3A_693, %select_n3A_687 : vector<16xi1>, vector<16xi32>
      %mul3A_695 = arith.constant 2 : i32
      %mul3A_696 = vector.broadcast %mul3A_695 : i32 to vector<16xi32>
      %mul3A_697 = arith.muli %select_n3A_694, %mul3A_696 : vector<16xi32>
      %add3A_698 = vector.broadcast %arg0 : i32 to vector<16xi32>
      %add3A_699 = arith.addi %mul3A_697, %add3A_698 : vector<16xi32>
      %swap3A_700 = arith.constant 7 : i32
      %swap3A_701 = arith.index_cast %swap3A_700 : i32 to index
      %swap3A_702 = arith.constant 0 : index
      %swap3A_703 = tpu.vector_load %arg9[%swap3A_701, %swap3A_702] {strides = array<i32>} : memref<8x32xi32, #tpu.memory_space<vmem>>, vector<1x16xi32>,
      %swap3A_704 = vector.shape_cast %swap3A_703 : vector<1x16xi32> to vector<16xi32>
      %swap3A_705 = vector.shape_cast %add3A_699 : vector<16xi32> to vector<1x16xi32>
      tpu.vector_store %arg9[%swap3A_701, %swap3A_702], %swap3A_705 {strides = array<i32>} : memref<8x32xi32, #tpu.memory_space<vmem>>, vector<1x16xi32>,
      %get3A_706 = arith.index_cast %rem3A_109 : i32 to index
      %get3A_707 = arith.constant 224 : index
      %get3A_708 = tpu.vector_load %arg8[%get3A_706, %get3A_707] {strides = array<i32>} : memref<2x256xi32, #tpu.memory_space<vmem>>, vector<1x16xi32>,
      %get3A_709 = vector.shape_cast %get3A_708 : vector<1x16xi32> to vector<16xi32>
      %swap3A_710 = arith.constant 7 : i32
      %swap3A_711 = arith.index_cast %swap3A_710 : i32 to index
      %swap3A_712 = arith.constant 0 : index
      %swap3A_713 = tpu.vector_load %arg10[%swap3A_711, %swap3A_712] {strides = array<i32>} : memref<8x32xi32, #tpu.memory_space<vmem>>, vector<1x16xi32>,
      %swap3A_714 = vector.shape_cast %swap3A_713 : vector<1x16xi32> to vector<16xi32>
      %swap3A_715 = vector.shape_cast %get3A_709 : vector<16xi32> to vector<1x16xi32>
      tpu.vector_store %arg10[%swap3A_711, %swap3A_712], %swap3A_715 {strides = array<i32>} : memref<8x32xi32, #tpu.memory_space<vmem>>, vector<1x16xi32>,
      %get3A_716 = arith.index_cast %rem3A_109 : i32 to index
      %get3A_717 = arith.constant 240 : index
      %get3A_718 = tpu.vector_load %arg7[%get3A_716, %get3A_717] {strides = array<i32>} : memref<2x256xi32, #tpu.memory_space<vmem>>, vector<1x16xi32>,
      %get3A_719 = vector.shape_cast %get3A_718 : vector<1x16xi32> to vector<16xi32>
      %ge3A_720 = arith.constant 20000 : i32
      %ge3A_721 = vector.broadcast %ge3A_720 : i32 to vector<16xi32>
      %ge3A_722 = arith.cmpi sge, %get3A_719, %ge3A_721 : vector<16xi32>
      %sub3A_723 = arith.constant 20000 : i32
      %sub3A_724 = vector.broadcast %sub3A_723 : i32 to vector<16xi32>
      %sub3A_725 = arith.subi %get3A_719, %sub3A_724 : vector<16xi32>
      %select_n3A_726 = arith.select %ge3A_722, %sub3A_725, %get3A_719 : vector<16xi1>, vector<16xi32>
      %ge3A_727 = arith.constant 10000 : i32
      %ge3A_728 = vector.broadcast %ge3A_727 : i32 to vector<16xi32>
      %ge3A_729 = arith.cmpi sge, %select_n3A_726, %ge3A_728 : vector<16xi32>
      %sub3A_730 = arith.constant 10000 : i32
      %sub3A_731 = vector.broadcast %sub3A_730 : i32 to vector<16xi32>
      %sub3A_732 = arith.subi %select_n3A_726, %sub3A_731 : vector<16xi32>
      %select_n3A_733 = arith.select %ge3A_729, %sub3A_732, %select_n3A_726 : vector<16xi1>, vector<16xi32>
      %mul3A_734 = arith.constant 2 : i32
      %mul3A_735 = vector.broadcast %mul3A_734 : i32 to vector<16xi32>
      %mul3A_736 = arith.muli %select_n3A_733, %mul3A_735 : vector<16xi32>
      %add3A_737 = vector.broadcast %arg0 : i32 to vector<16xi32>
      %add3A_738 = arith.addi %mul3A_736, %add3A_737 : vector<16xi32>
      %swap3A_739 = arith.constant 7 : i32
      %swap3A_740 = arith.index_cast %swap3A_739 : i32 to index
      %swap3A_741 = arith.constant 16 : index
      %swap3A_742 = tpu.vector_load %arg9[%swap3A_740, %swap3A_741] {strides = array<i32>} : memref<8x32xi32, #tpu.memory_space<vmem>>, vector<1x16xi32>,
      %swap3A_743 = vector.shape_cast %swap3A_742 : vector<1x16xi32> to vector<16xi32>
      %swap3A_744 = vector.shape_cast %add3A_738 : vector<16xi32> to vector<1x16xi32>
      tpu.vector_store %arg9[%swap3A_740, %swap3A_741], %swap3A_744 {strides = array<i32>} : memref<8x32xi32, #tpu.memory_space<vmem>>, vector<1x16xi32>,
      %get3A_745 = arith.index_cast %rem3A_109 : i32 to index
      %get3A_746 = arith.constant 240 : index
      %get3A_747 = tpu.vector_load %arg8[%get3A_745, %get3A_746] {strides = array<i32>} : memref<2x256xi32, #tpu.memory_space<vmem>>, vector<1x16xi32>,
      %get3A_748 = vector.shape_cast %get3A_747 : vector<1x16xi32> to vector<16xi32>
      %swap3A_749 = arith.constant 7 : i32
      %swap3A_750 = arith.index_cast %swap3A_749 : i32 to index
      %swap3A_751 = arith.constant 16 : index
      %swap3A_752 = tpu.vector_load %arg10[%swap3A_750, %swap3A_751] {strides = array<i32>} : memref<8x32xi32, #tpu.memory_space<vmem>>, vector<1x16xi32>,
      %swap3A_753 = vector.shape_cast %swap3A_752 : vector<1x16xi32> to vector<16xi32>
      %swap3A_754 = vector.shape_cast %get3A_748 : vector<16xi32> to vector<1x16xi32>
      tpu.vector_store %arg10[%swap3A_750, %swap3A_751], %swap3A_754 {strides = array<i32>} : memref<8x32xi32, #tpu.memory_space<vmem>>, vector<1x16xi32>,
      %mul3A_755 = arith.constant 8 : i32
      %mul3A_756 = arith.muli %while3A_108, %mul3A_755 : i32
      %add3A_757 = arith.constant 0 : i32
      %add3A_758 = arith.addi %mul3A_756, %add3A_757 : i32
      %ge3A_759 = arith.constant 4 : i32
      %ge3A_760 = arith.cmpi sge, %add3A_758, %ge3A_759 : i32
      %convert_element_type3A_761 = arith.extui %ge3A_760 : i1 to i32
      %cond3A_762 = arith.constant 0 : i32
      %cond3A_763 = arith.cmpi ne, %convert_element_type3A_761, %cond3A_762 : i32
      scf.if %cond3A_763 {
        %dma_wait3A_1187 = arith.constant 0 : i32
        %dma_wait3A_1188 = arith.constant 0 : i32
        %dma_wait3A_1189 = arith.constant 0 : i32
        %dma_wait3A_1190 = arith.constant 0 : i32
        %dma_wait3A_1191 = arith.constant 0 : i32
        %dma_wait3A_1192 = tpu.memref_slice %arg11[%dma_wait3A_1187, %dma_wait3A_1190, %dma_wait3A_1191] : memref<4x32x64xf32, #tpu.memory_space<vmem>> -> memref<1x32x64xf32, #tpu.memory_space<vmem>>
        %dma_wait3A_1193 = tpu.memref_squeeze %dma_wait3A_1192 : memref<1x32x64xf32, #tpu.memory_space<vmem>> -> memref<32x64xf32, #tpu.memory_space<vmem>>
        %dma_wait3A_1194 = arith.constant 0 : i32
        %dma_wait3A_1195 = tpu.memref_slice %arg10[%dma_wait3A_1188, %dma_wait3A_1194] : memref<8x32xi32, #tpu.memory_space<vmem>> -> memref<1x32xi32, #tpu.memory_space<vmem>>
        %dma_wait3A_1196 = tpu.memref_squeeze %dma_wait3A_1195 : memref<1x32xi32, #tpu.memory_space<vmem>> -> memref<32xi32, #tpu.memory_space<vmem>>
        %dma_wait3A_1197 = arith.constant 0 : i32
        %dma_wait3A_1198 = arith.constant 0 : i32
        %dma_wait3A_1199 = tpu.memref_slice %arg12[%dma_wait3A_1197, %dma_wait3A_1198] : memref<30000x64xf32, #tpu.memory_space<vmem_shared>> -> memref<30000x64xf32, #tpu.memory_space<vmem_shared>>
        %dma_wait3A_1200 = tpu.memref_slice %arg14[%dma_wait3A_1189] : memref<4x!tpu.dma_semaphore, #tpu.memory_space<semaphore_mem>> -> memref<1x!tpu.dma_semaphore, #tpu.memory_space<semaphore_mem>>
        %dma_wait3A_1201 = tpu.memref_squeeze %dma_wait3A_1200 : memref<1x!tpu.dma_semaphore, #tpu.memory_space<semaphore_mem>> -> memref<!tpu.dma_semaphore, #tpu.memory_space<semaphore_mem>>
        tpu.wait_indirect_dma semaphore(%dma_wait3A_1201 : memref<!tpu.dma_semaphore, #tpu.memory_space<semaphore_mem>>) src(%dma_wait3A_1193 : memref<32x64xf32, #tpu.memory_space<vmem>>) dst(%dma_wait3A_1199 : memref<30000x64xf32, #tpu.memory_space<vmem_shared>>)
      } else {
      }
      %dma_start3A_764 = arith.constant 0 : i32
      %dma_start3A_765 = arith.constant 0 : i32
      %dma_start3A_766 = arith.constant 0 : i32
      %dma_start3A_767 = arith.constant 0 : i32
      %dma_start3A_768 = arith.constant 0 : i32
      %dma_start3A_769 = tpu.memref_slice %arg11[%dma_start3A_765, %dma_start3A_767, %dma_start3A_768] : memref<4x32x64xf32, #tpu.memory_space<vmem>> -> memref<1x32x64xf32, #tpu.memory_space<vmem>>
      %dma_start3A_770 = tpu.memref_squeeze %dma_start3A_769 : memref<1x32x64xf32, #tpu.memory_space<vmem>> -> memref<32x64xf32, #tpu.memory_space<vmem>>
      %dma_start3A_771 = arith.constant 0 : i32
      %dma_start3A_772 = tpu.memref_slice %arg9[%dma_start3A_764, %dma_start3A_771] : memref<8x32xi32, #tpu.memory_space<vmem>> -> memref<1x32xi32, #tpu.memory_space<vmem>>
      %dma_start3A_773 = tpu.memref_squeeze %dma_start3A_772 : memref<1x32xi32, #tpu.memory_space<vmem>> -> memref<32xi32, #tpu.memory_space<vmem>>
      %dma_start3A_774 = arith.constant 0 : i32
      %dma_start3A_775 = arith.constant 0 : i32
      %dma_start3A_776 = tpu.memref_slice %arg2[%dma_start3A_774, %dma_start3A_775] : memref<20000x64xf32, #tpu.memory_space<hbm>> -> memref<20000x64xf32, #tpu.memory_space<hbm>>
      %dma_start3A_777 = tpu.memref_slice %arg13[%dma_start3A_766] : memref<4x!tpu.dma_semaphore, #tpu.memory_space<semaphore_mem>> -> memref<1x!tpu.dma_semaphore, #tpu.memory_space<semaphore_mem>>
      %dma_start3A_778 = tpu.memref_squeeze %dma_start3A_777 : memref<1x!tpu.dma_semaphore, #tpu.memory_space<semaphore_mem>> -> memref<!tpu.dma_semaphore, #tpu.memory_space<semaphore_mem>>
      tpu.enqueue_indirect_dma source(%dma_start3A_776 : memref<20000x64xf32, #tpu.memory_space<hbm>>) target(%dma_start3A_770 : memref<32x64xf32, #tpu.memory_space<vmem>>) offsets(%dma_start3A_773 : memref<32xi32, #tpu.memory_space<vmem>>) semaphore(%dma_start3A_778 : memref<!tpu.dma_semaphore, #tpu.memory_space<semaphore_mem>>)
      %mul3A_779 = arith.constant 8 : i32
      %mul3A_780 = arith.muli %while3A_108, %mul3A_779 : i32
      %add3A_781 = arith.constant 1 : i32
      %add3A_782 = arith.addi %mul3A_780, %add3A_781 : i32
      %ge3A_783 = arith.constant 4 : i32
      %ge3A_784 = arith.cmpi sge, %add3A_782, %ge3A_783 : i32
      %convert_element_type3A_785 = arith.extui %ge3A_784 : i1 to i32
      %cond3A_786 = arith.constant 0 : i32
      %cond3A_787 = arith.cmpi ne, %convert_element_type3A_785, %cond3A_786 : i32
      scf.if %cond3A_787 {
        %dma_wait3A_1187 = arith.constant 1 : i32
        %dma_wait3A_1188 = arith.constant 0 : i32
        %dma_wait3A_1189 = arith.constant 1 : i32
        %dma_wait3A_1190 = arith.constant 0 : i32
        %dma_wait3A_1191 = arith.constant 0 : i32
        %dma_wait3A_1192 = tpu.memref_slice %arg11[%dma_wait3A_1187, %dma_wait3A_1190, %dma_wait3A_1191] : memref<4x32x64xf32, #tpu.memory_space<vmem>> -> memref<1x32x64xf32, #tpu.memory_space<vmem>>
        %dma_wait3A_1193 = tpu.memref_squeeze %dma_wait3A_1192 : memref<1x32x64xf32, #tpu.memory_space<vmem>> -> memref<32x64xf32, #tpu.memory_space<vmem>>
        %dma_wait3A_1194 = arith.constant 0 : i32
        %dma_wait3A_1195 = tpu.memref_slice %arg10[%dma_wait3A_1188, %dma_wait3A_1194] : memref<8x32xi32, #tpu.memory_space<vmem>> -> memref<1x32xi32, #tpu.memory_space<vmem>>
        %dma_wait3A_1196 = tpu.memref_squeeze %dma_wait3A_1195 : memref<1x32xi32, #tpu.memory_space<vmem>> -> memref<32xi32, #tpu.memory_space<vmem>>
        %dma_wait3A_1197 = arith.constant 0 : i32
        %dma_wait3A_1198 = arith.constant 0 : i32
        %dma_wait3A_1199 = tpu.memref_slice %arg12[%dma_wait3A_1197, %dma_wait3A_1198] : memref<30000x64xf32, #tpu.memory_space<vmem_shared>> -> memref<30000x64xf32, #tpu.memory_space<vmem_shared>>
        %dma_wait3A_1200 = tpu.memref_slice %arg14[%dma_wait3A_1189] : memref<4x!tpu.dma_semaphore, #tpu.memory_space<semaphore_mem>> -> memref<1x!tpu.dma_semaphore, #tpu.memory_space<semaphore_mem>>
        %dma_wait3A_1201 = tpu.memref_squeeze %dma_wait3A_1200 : memref<1x!tpu.dma_semaphore, #tpu.memory_space<semaphore_mem>> -> memref<!tpu.dma_semaphore, #tpu.memory_space<semaphore_mem>>
        tpu.wait_indirect_dma semaphore(%dma_wait3A_1201 : memref<!tpu.dma_semaphore, #tpu.memory_space<semaphore_mem>>) src(%dma_wait3A_1193 : memref<32x64xf32, #tpu.memory_space<vmem>>) dst(%dma_wait3A_1199 : memref<30000x64xf32, #tpu.memory_space<vmem_shared>>)
      } else {
      }
      %dma_start3A_788 = arith.constant 1 : i32
      %dma_start3A_789 = arith.constant 1 : i32
      %dma_start3A_790 = arith.constant 1 : i32
      %dma_start3A_791 = arith.constant 0 : i32
      %dma_start3A_792 = arith.constant 0 : i32
      %dma_start3A_793 = tpu.memref_slice %arg11[%dma_start3A_789, %dma_start3A_791, %dma_start3A_792] : memref<4x32x64xf32, #tpu.memory_space<vmem>> -> memref<1x32x64xf32, #tpu.memory_space<vmem>>
      %dma_start3A_794 = tpu.memref_squeeze %dma_start3A_793 : memref<1x32x64xf32, #tpu.memory_space<vmem>> -> memref<32x64xf32, #tpu.memory_space<vmem>>
      %dma_start3A_795 = arith.constant 0 : i32
      %dma_start3A_796 = tpu.memref_slice %arg9[%dma_start3A_788, %dma_start3A_795] : memref<8x32xi32, #tpu.memory_space<vmem>> -> memref<1x32xi32, #tpu.memory_space<vmem>>
      %dma_start3A_797 = tpu.memref_squeeze %dma_start3A_796 : memref<1x32xi32, #tpu.memory_space<vmem>> -> memref<32xi32, #tpu.memory_space<vmem>>
      %dma_start3A_798 = arith.constant 0 : i32
      %dma_start3A_799 = arith.constant 0 : i32
      %dma_start3A_800 = tpu.memref_slice %arg2[%dma_start3A_798, %dma_start3A_799] : memref<20000x64xf32, #tpu.memory_space<hbm>> -> memref<20000x64xf32, #tpu.memory_space<hbm>>
      %dma_start3A_801 = tpu.memref_slice %arg13[%dma_start3A_790] : memref<4x!tpu.dma_semaphore, #tpu.memory_space<semaphore_mem>> -> memref<1x!tpu.dma_semaphore, #tpu.memory_space<semaphore_mem>>
      %dma_start3A_802 = tpu.memref_squeeze %dma_start3A_801 : memref<1x!tpu.dma_semaphore, #tpu.memory_space<semaphore_mem>> -> memref<!tpu.dma_semaphore, #tpu.memory_space<semaphore_mem>>
      tpu.enqueue_indirect_dma source(%dma_start3A_800 : memref<20000x64xf32, #tpu.memory_space<hbm>>) target(%dma_start3A_794 : memref<32x64xf32, #tpu.memory_space<vmem>>) offsets(%dma_start3A_797 : memref<32xi32, #tpu.memory_space<vmem>>) semaphore(%dma_start3A_802 : memref<!tpu.dma_semaphore, #tpu.memory_space<semaphore_mem>>)
      %mul3A_803 = arith.constant 8 : i32
      %mul3A_804 = arith.muli %while3A_108, %mul3A_803 : i32
      %add3A_805 = arith.constant 2 : i32
      %add3A_806 = arith.addi %mul3A_804, %add3A_805 : i32
      %ge3A_807 = arith.constant 4 : i32
      %ge3A_808 = arith.cmpi sge, %add3A_806, %ge3A_807 : i32
      %convert_element_type3A_809 = arith.extui %ge3A_808 : i1 to i32
      %cond3A_810 = arith.constant 0 : i32
      %cond3A_811 = arith.cmpi ne, %convert_element_type3A_809, %cond3A_810 : i32
      scf.if %cond3A_811 {
        %dma_wait3A_1187 = arith.constant 2 : i32
        %dma_wait3A_1188 = arith.constant 0 : i32
        %dma_wait3A_1189 = arith.constant 2 : i32
        %dma_wait3A_1190 = arith.constant 0 : i32
        %dma_wait3A_1191 = arith.constant 0 : i32
        %dma_wait3A_1192 = tpu.memref_slice %arg11[%dma_wait3A_1187, %dma_wait3A_1190, %dma_wait3A_1191] : memref<4x32x64xf32, #tpu.memory_space<vmem>> -> memref<1x32x64xf32, #tpu.memory_space<vmem>>
        %dma_wait3A_1193 = tpu.memref_squeeze %dma_wait3A_1192 : memref<1x32x64xf32, #tpu.memory_space<vmem>> -> memref<32x64xf32, #tpu.memory_space<vmem>>
        %dma_wait3A_1194 = arith.constant 0 : i32
        %dma_wait3A_1195 = tpu.memref_slice %arg10[%dma_wait3A_1188, %dma_wait3A_1194] : memref<8x32xi32, #tpu.memory_space<vmem>> -> memref<1x32xi32, #tpu.memory_space<vmem>>
        %dma_wait3A_1196 = tpu.memref_squeeze %dma_wait3A_1195 : memref<1x32xi32, #tpu.memory_space<vmem>> -> memref<32xi32, #tpu.memory_space<vmem>>
        %dma_wait3A_1197 = arith.constant 0 : i32
        %dma_wait3A_1198 = arith.constant 0 : i32
        %dma_wait3A_1199 = tpu.memref_slice %arg12[%dma_wait3A_1197, %dma_wait3A_1198] : memref<30000x64xf32, #tpu.memory_space<vmem_shared>> -> memref<30000x64xf32, #tpu.memory_space<vmem_shared>>
        %dma_wait3A_1200 = tpu.memref_slice %arg14[%dma_wait3A_1189] : memref<4x!tpu.dma_semaphore, #tpu.memory_space<semaphore_mem>> -> memref<1x!tpu.dma_semaphore, #tpu.memory_space<semaphore_mem>>
        %dma_wait3A_1201 = tpu.memref_squeeze %dma_wait3A_1200 : memref<1x!tpu.dma_semaphore, #tpu.memory_space<semaphore_mem>> -> memref<!tpu.dma_semaphore, #tpu.memory_space<semaphore_mem>>
        tpu.wait_indirect_dma semaphore(%dma_wait3A_1201 : memref<!tpu.dma_semaphore, #tpu.memory_space<semaphore_mem>>) src(%dma_wait3A_1193 : memref<32x64xf32, #tpu.memory_space<vmem>>) dst(%dma_wait3A_1199 : memref<30000x64xf32, #tpu.memory_space<vmem_shared>>)
      } else {
      }
      %dma_start3A_812 = arith.constant 2 : i32
      %dma_start3A_813 = arith.constant 2 : i32
      %dma_start3A_814 = arith.constant 2 : i32
      %dma_start3A_815 = arith.constant 0 : i32
      %dma_start3A_816 = arith.constant 0 : i32
      %dma_start3A_817 = tpu.memref_slice %arg11[%dma_start3A_813, %dma_start3A_815, %dma_start3A_816] : memref<4x32x64xf32, #tpu.memory_space<vmem>> -> memref<1x32x64xf32, #tpu.memory_space<vmem>>
      %dma_start3A_818 = tpu.memref_squeeze %dma_start3A_817 : memref<1x32x64xf32, #tpu.memory_space<vmem>> -> memref<32x64xf32, #tpu.memory_space<vmem>>
      %dma_start3A_819 = arith.constant 0 : i32
      %dma_start3A_820 = tpu.memref_slice %arg9[%dma_start3A_812, %dma_start3A_819] : memref<8x32xi32, #tpu.memory_space<vmem>> -> memref<1x32xi32, #tpu.memory_space<vmem>>
      %dma_start3A_821 = tpu.memref_squeeze %dma_start3A_820 : memref<1x32xi32, #tpu.memory_space<vmem>> -> memref<32xi32, #tpu.memory_space<vmem>>
      %dma_start3A_822 = arith.constant 0 : i32
      %dma_start3A_823 = arith.constant 0 : i32
      %dma_start3A_824 = tpu.memref_slice %arg2[%dma_start3A_822, %dma_start3A_823] : memref<20000x64xf32, #tpu.memory_space<hbm>> -> memref<20000x64xf32, #tpu.memory_space<hbm>>
      %dma_start3A_825 = tpu.memref_slice %arg13[%dma_start3A_814] : memref<4x!tpu.dma_semaphore, #tpu.memory_space<semaphore_mem>> -> memref<1x!tpu.dma_semaphore, #tpu.memory_space<semaphore_mem>>
      %dma_start3A_826 = tpu.memref_squeeze %dma_start3A_825 : memref<1x!tpu.dma_semaphore, #tpu.memory_space<semaphore_mem>> -> memref<!tpu.dma_semaphore, #tpu.memory_space<semaphore_mem>>
      tpu.enqueue_indirect_dma source(%dma_start3A_824 : memref<20000x64xf32, #tpu.memory_space<hbm>>) target(%dma_start3A_818 : memref<32x64xf32, #tpu.memory_space<vmem>>) offsets(%dma_start3A_821 : memref<32xi32, #tpu.memory_space<vmem>>) semaphore(%dma_start3A_826 : memref<!tpu.dma_semaphore, #tpu.memory_space<semaphore_mem>>)
      %mul3A_827 = arith.constant 8 : i32
      %mul3A_828 = arith.muli %while3A_108, %mul3A_827 : i32
      %add3A_829 = arith.constant 3 : i32
      %add3A_830 = arith.addi %mul3A_828, %add3A_829 : i32
      %ge3A_831 = arith.constant 4 : i32
      %ge3A_832 = arith.cmpi sge, %add3A_830, %ge3A_831 : i32
      %convert_element_type3A_833 = arith.extui %ge3A_832 : i1 to i32
      %cond3A_834 = arith.constant 0 : i32
      %cond3A_835 = arith.cmpi ne, %convert_element_type3A_833, %cond3A_834 : i32
      scf.if %cond3A_835 {
        %dma_wait3A_1187 = arith.constant 3 : i32
        %dma_wait3A_1188 = arith.constant 0 : i32
        %dma_wait3A_1189 = arith.constant 3 : i32
        %dma_wait3A_1190 = arith.constant 0 : i32
        %dma_wait3A_1191 = arith.constant 0 : i32
        %dma_wait3A_1192 = tpu.memref_slice %arg11[%dma_wait3A_1187, %dma_wait3A_1190, %dma_wait3A_1191] : memref<4x32x64xf32, #tpu.memory_space<vmem>> -> memref<1x32x64xf32, #tpu.memory_space<vmem>>
        %dma_wait3A_1193 = tpu.memref_squeeze %dma_wait3A_1192 : memref<1x32x64xf32, #tpu.memory_space<vmem>> -> memref<32x64xf32, #tpu.memory_space<vmem>>
        %dma_wait3A_1194 = arith.constant 0 : i32
        %dma_wait3A_1195 = tpu.memref_slice %arg10[%dma_wait3A_1188, %dma_wait3A_1194] : memref<8x32xi32, #tpu.memory_space<vmem>> -> memref<1x32xi32, #tpu.memory_space<vmem>>
        %dma_wait3A_1196 = tpu.memref_squeeze %dma_wait3A_1195 : memref<1x32xi32, #tpu.memory_space<vmem>> -> memref<32xi32, #tpu.memory_space<vmem>>
        %dma_wait3A_1197 = arith.constant 0 : i32
        %dma_wait3A_1198 = arith.constant 0 : i32
        %dma_wait3A_1199 = tpu.memref_slice %arg12[%dma_wait3A_1197, %dma_wait3A_1198] : memref<30000x64xf32, #tpu.memory_space<vmem_shared>> -> memref<30000x64xf32, #tpu.memory_space<vmem_shared>>
        %dma_wait3A_1200 = tpu.memref_slice %arg14[%dma_wait3A_1189] : memref<4x!tpu.dma_semaphore, #tpu.memory_space<semaphore_mem>> -> memref<1x!tpu.dma_semaphore, #tpu.memory_space<semaphore_mem>>
        %dma_wait3A_1201 = tpu.memref_squeeze %dma_wait3A_1200 : memref<1x!tpu.dma_semaphore, #tpu.memory_space<semaphore_mem>> -> memref<!tpu.dma_semaphore, #tpu.memory_space<semaphore_mem>>
        tpu.wait_indirect_dma semaphore(%dma_wait3A_1201 : memref<!tpu.dma_semaphore, #tpu.memory_space<semaphore_mem>>) src(%dma_wait3A_1193 : memref<32x64xf32, #tpu.memory_space<vmem>>) dst(%dma_wait3A_1199 : memref<30000x64xf32, #tpu.memory_space<vmem_shared>>)
      } else {
      }
      %dma_start3A_836 = arith.constant 3 : i32
      %dma_start3A_837 = arith.constant 3 : i32
      %dma_start3A_838 = arith.constant 3 : i32
      %dma_start3A_839 = arith.constant 0 : i32
      %dma_start3A_840 = arith.constant 0 : i32
      %dma_start3A_841 = tpu.memref_slice %arg11[%dma_start3A_837, %dma_start3A_839, %dma_start3A_840] : memref<4x32x64xf32, #tpu.memory_space<vmem>> -> memref<1x32x64xf32, #tpu.memory_space<vmem>>
      %dma_start3A_842 = tpu.memref_squeeze %dma_start3A_841 : memref<1x32x64xf32, #tpu.memory_space<vmem>> -> memref<32x64xf32, #tpu.memory_space<vmem>>
      %dma_start3A_843 = arith.constant 0 : i32
      %dma_start3A_844 = tpu.memref_slice %arg9[%dma_start3A_836, %dma_start3A_843] : memref<8x32xi32, #tpu.memory_space<vmem>> -> memref<1x32xi32, #tpu.memory_space<vmem>>
      %dma_start3A_845 = tpu.memref_squeeze %dma_start3A_844 : memref<1x32xi32, #tpu.memory_space<vmem>> -> memref<32xi32, #tpu.memory_space<vmem>>
      %dma_start3A_846 = arith.constant 0 : i32
      %dma_start3A_847 = arith.constant 0 : i32
      %dma_start3A_848 = tpu.memref_slice %arg2[%dma_start3A_846, %dma_start3A_847] : memref<20000x64xf32, #tpu.memory_space<hbm>> -> memref<20000x64xf32, #tpu.memory_space<hbm>>
      %dma_start3A_849 = tpu.memref_slice %arg13[%dma_start3A_838] : memref<4x!tpu.dma_semaphore, #tpu.memory_space<semaphore_mem>> -> memref<1x!tpu.dma_semaphore, #tpu.memory_space<semaphore_mem>>
      %dma_start3A_850 = tpu.memref_squeeze %dma_start3A_849 : memref<1x!tpu.dma_semaphore, #tpu.memory_space<semaphore_mem>> -> memref<!tpu.dma_semaphore, #tpu.memory_space<semaphore_mem>>
      tpu.enqueue_indirect_dma source(%dma_start3A_848 : memref<20000x64xf32, #tpu.memory_space<hbm>>) target(%dma_start3A_842 : memref<32x64xf32, #tpu.memory_space<vmem>>) offsets(%dma_start3A_845 : memref<32xi32, #tpu.memory_space<vmem>>) semaphore(%dma_start3A_850 : memref<!tpu.dma_semaphore, #tpu.memory_space<semaphore_mem>>)
      %dma_wait3A_851 = arith.constant 0 : i32
      %dma_wait3A_852 = arith.constant 0 : i32
      %dma_wait3A_853 = arith.constant 0 : i32
      %dma_wait3A_854 = arith.constant 0 : i32
      %dma_wait3A_855 = arith.constant 0 : i32
      %dma_wait3A_856 = tpu.memref_slice %arg11[%dma_wait3A_852, %dma_wait3A_854, %dma_wait3A_855] : memref<4x32x64xf32, #tpu.memory_space<vmem>> -> memref<1x32x64xf32, #tpu.memory_space<vmem>>
      %dma_wait3A_857 = tpu.memref_squeeze %dma_wait3A_856 : memref<1x32x64xf32, #tpu.memory_space<vmem>> -> memref<32x64xf32, #tpu.memory_space<vmem>>
      %dma_wait3A_858 = arith.constant 0 : i32
      %dma_wait3A_859 = tpu.memref_slice %arg9[%dma_wait3A_851, %dma_wait3A_858] : memref<8x32xi32, #tpu.memory_space<vmem>> -> memref<1x32xi32, #tpu.memory_space<vmem>>
      %dma_wait3A_860 = tpu.memref_squeeze %dma_wait3A_859 : memref<1x32xi32, #tpu.memory_space<vmem>> -> memref<32xi32, #tpu.memory_space<vmem>>
      %dma_wait3A_861 = arith.constant 0 : i32
      %dma_wait3A_862 = arith.constant 0 : i32
      %dma_wait3A_863 = tpu.memref_slice %arg2[%dma_wait3A_861, %dma_wait3A_862] : memref<20000x64xf32, #tpu.memory_space<hbm>> -> memref<20000x64xf32, #tpu.memory_space<hbm>>
      %dma_wait3A_864 = tpu.memref_slice %arg13[%dma_wait3A_853] : memref<4x!tpu.dma_semaphore, #tpu.memory_space<semaphore_mem>> -> memref<1x!tpu.dma_semaphore, #tpu.memory_space<semaphore_mem>>
      %dma_wait3A_865 = tpu.memref_squeeze %dma_wait3A_864 : memref<1x!tpu.dma_semaphore, #tpu.memory_space<semaphore_mem>> -> memref<!tpu.dma_semaphore, #tpu.memory_space<semaphore_mem>>
      tpu.wait_indirect_dma semaphore(%dma_wait3A_865 : memref<!tpu.dma_semaphore, #tpu.memory_space<semaphore_mem>>) src(%dma_wait3A_863 : memref<20000x64xf32, #tpu.memory_space<hbm>>) dst(%dma_wait3A_857 : memref<32x64xf32, #tpu.memory_space<vmem>>)
      %dma_start3A_866 = arith.constant 0 : i32
      %dma_start3A_867 = arith.constant 0 : i32
      %dma_start3A_868 = arith.constant 0 : i32
      %dma_start3A_869 = arith.constant 0 : i32
      %dma_start3A_870 = arith.constant 0 : i32
      %dma_start3A_871 = tpu.memref_slice %arg11[%dma_start3A_866, %dma_start3A_869, %dma_start3A_870] : memref<4x32x64xf32, #tpu.memory_space<vmem>> -> memref<1x32x64xf32, #tpu.memory_space<vmem>>
      %dma_start3A_872 = tpu.memref_squeeze %dma_start3A_871 : memref<1x32x64xf32, #tpu.memory_space<vmem>> -> memref<32x64xf32, #tpu.memory_space<vmem>>
      %dma_start3A_873 = arith.constant 0 : i32
      %dma_start3A_874 = tpu.memref_slice %arg10[%dma_start3A_867, %dma_start3A_873] : memref<8x32xi32, #tpu.memory_space<vmem>> -> memref<1x32xi32, #tpu.memory_space<vmem>>
      %dma_start3A_875 = tpu.memref_squeeze %dma_start3A_874 : memref<1x32xi32, #tpu.memory_space<vmem>> -> memref<32xi32, #tpu.memory_space<vmem>>
      %dma_start3A_876 = arith.constant 0 : i32
      %dma_start3A_877 = arith.constant 0 : i32
      %dma_start3A_878 = tpu.memref_slice %arg12[%dma_start3A_876, %dma_start3A_877] : memref<30000x64xf32, #tpu.memory_space<vmem_shared>> -> memref<30000x64xf32, #tpu.memory_space<vmem_shared>>
      %dma_start3A_879 = tpu.memref_slice %arg14[%dma_start3A_868] : memref<4x!tpu.dma_semaphore, #tpu.memory_space<semaphore_mem>> -> memref<1x!tpu.dma_semaphore, #tpu.memory_space<semaphore_mem>>
      %dma_start3A_880 = tpu.memref_squeeze %dma_start3A_879 : memref<1x!tpu.dma_semaphore, #tpu.memory_space<semaphore_mem>> -> memref<!tpu.dma_semaphore, #tpu.memory_space<semaphore_mem>>
      tpu.enqueue_indirect_dma source(%dma_start3A_872 : memref<32x64xf32, #tpu.memory_space<vmem>>) target(%dma_start3A_878 : memref<30000x64xf32, #tpu.memory_space<vmem_shared>>) offsets(%dma_start3A_875 : memref<32xi32, #tpu.memory_space<vmem>>) semaphore(%dma_start3A_880 : memref<!tpu.dma_semaphore, #tpu.memory_space<semaphore_mem>>) {add = true}
      %dma_wait3A_881 = arith.constant 1 : i32
      %dma_wait3A_882 = arith.constant 1 : i32
      %dma_wait3A_883 = arith.constant 1 : i32
      %dma_wait3A_884 = arith.constant 0 : i32
      %dma_wait3A_885 = arith.constant 0 : i32
      %dma_wait3A_886 = tpu.memref_slice %arg11[%dma_wait3A_882, %dma_wait3A_884, %dma_wait3A_885] : memref<4x32x64xf32, #tpu.memory_space<vmem>> -> memref<1x32x64xf32, #tpu.memory_space<vmem>>
      %dma_wait3A_887 = tpu.memref_squeeze %dma_wait3A_886 : memref<1x32x64xf32, #tpu.memory_space<vmem>> -> memref<32x64xf32, #tpu.memory_space<vmem>>
      %dma_wait3A_888 = arith.constant 0 : i32
      %dma_wait3A_889 = tpu.memref_slice %arg9[%dma_wait3A_881, %dma_wait3A_888] : memref<8x32xi32, #tpu.memory_space<vmem>> -> memref<1x32xi32, #tpu.memory_space<vmem>>
      %dma_wait3A_890 = tpu.memref_squeeze %dma_wait3A_889 : memref<1x32xi32, #tpu.memory_space<vmem>> -> memref<32xi32, #tpu.memory_space<vmem>>
      %dma_wait3A_891 = arith.constant 0 : i32
      %dma_wait3A_892 = arith.constant 0 : i32
      %dma_wait3A_893 = tpu.memref_slice %arg2[%dma_wait3A_891, %dma_wait3A_892] : memref<20000x64xf32, #tpu.memory_space<hbm>> -> memref<20000x64xf32, #tpu.memory_space<hbm>>
      %dma_wait3A_894 = tpu.memref_slice %arg13[%dma_wait3A_883] : memref<4x!tpu.dma_semaphore, #tpu.memory_space<semaphore_mem>> -> memref<1x!tpu.dma_semaphore, #tpu.memory_space<semaphore_mem>>
      %dma_wait3A_895 = tpu.memref_squeeze %dma_wait3A_894 : memref<1x!tpu.dma_semaphore, #tpu.memory_space<semaphore_mem>> -> memref<!tpu.dma_semaphore, #tpu.memory_space<semaphore_mem>>
      tpu.wait_indirect_dma semaphore(%dma_wait3A_895 : memref<!tpu.dma_semaphore, #tpu.memory_space<semaphore_mem>>) src(%dma_wait3A_893 : memref<20000x64xf32, #tpu.memory_space<hbm>>) dst(%dma_wait3A_887 : memref<32x64xf32, #tpu.memory_space<vmem>>)
      %dma_start3A_896 = arith.constant 1 : i32
      %dma_start3A_897 = arith.constant 1 : i32
      %dma_start3A_898 = arith.constant 1 : i32
      %dma_start3A_899 = arith.constant 0 : i32
      %dma_start3A_900 = arith.constant 0 : i32
      %dma_start3A_901 = tpu.memref_slice %arg11[%dma_start3A_896, %dma_start3A_899, %dma_start3A_900] : memref<4x32x64xf32, #tpu.memory_space<vmem>> -> memref<1x32x64xf32, #tpu.memory_space<vmem>>
      %dma_start3A_902 = tpu.memref_squeeze %dma_start3A_901 : memref<1x32x64xf32, #tpu.memory_space<vmem>> -> memref<32x64xf32, #tpu.memory_space<vmem>>
      %dma_start3A_903 = arith.constant 0 : i32
      %dma_start3A_904 = tpu.memref_slice %arg10[%dma_start3A_897, %dma_start3A_903] : memref<8x32xi32, #tpu.memory_space<vmem>> -> memref<1x32xi32, #tpu.memory_space<vmem>>
      %dma_start3A_905 = tpu.memref_squeeze %dma_start3A_904 : memref<1x32xi32, #tpu.memory_space<vmem>> -> memref<32xi32, #tpu.memory_space<vmem>>
      %dma_start3A_906 = arith.constant 0 : i32
      %dma_start3A_907 = arith.constant 0 : i32
      %dma_start3A_908 = tpu.memref_slice %arg12[%dma_start3A_906, %dma_start3A_907] : memref<30000x64xf32, #tpu.memory_space<vmem_shared>> -> memref<30000x64xf32, #tpu.memory_space<vmem_shared>>
      %dma_start3A_909 = tpu.memref_slice %arg14[%dma_start3A_898] : memref<4x!tpu.dma_semaphore, #tpu.memory_space<semaphore_mem>> -> memref<1x!tpu.dma_semaphore, #tpu.memory_space<semaphore_mem>>
      %dma_start3A_910 = tpu.memref_squeeze %dma_start3A_909 : memref<1x!tpu.dma_semaphore, #tpu.memory_space<semaphore_mem>> -> memref<!tpu.dma_semaphore, #tpu.memory_space<semaphore_mem>>
      tpu.enqueue_indirect_dma source(%dma_start3A_902 : memref<32x64xf32, #tpu.memory_space<vmem>>) target(%dma_start3A_908 : memref<30000x64xf32, #tpu.memory_space<vmem_shared>>) offsets(%dma_start3A_905 : memref<32xi32, #tpu.memory_space<vmem>>) semaphore(%dma_start3A_910 : memref<!tpu.dma_semaphore, #tpu.memory_space<semaphore_mem>>) {add = true}
      %dma_wait3A_911 = arith.constant 2 : i32
      %dma_wait3A_912 = arith.constant 2 : i32
      %dma_wait3A_913 = arith.constant 2 : i32
      %dma_wait3A_914 = arith.constant 0 : i32
      %dma_wait3A_915 = arith.constant 0 : i32
      %dma_wait3A_916 = tpu.memref_slice %arg11[%dma_wait3A_912, %dma_wait3A_914, %dma_wait3A_915] : memref<4x32x64xf32, #tpu.memory_space<vmem>> -> memref<1x32x64xf32, #tpu.memory_space<vmem>>
      %dma_wait3A_917 = tpu.memref_squeeze %dma_wait3A_916 : memref<1x32x64xf32, #tpu.memory_space<vmem>> -> memref<32x64xf32, #tpu.memory_space<vmem>>
      %dma_wait3A_918 = arith.constant 0 : i32
      %dma_wait3A_919 = tpu.memref_slice %arg9[%dma_wait3A_911, %dma_wait3A_918] : memref<8x32xi32, #tpu.memory_space<vmem>> -> memref<1x32xi32, #tpu.memory_space<vmem>>
      %dma_wait3A_920 = tpu.memref_squeeze %dma_wait3A_919 : memref<1x32xi32, #tpu.memory_space<vmem>> -> memref<32xi32, #tpu.memory_space<vmem>>
      %dma_wait3A_921 = arith.constant 0 : i32
      %dma_wait3A_922 = arith.constant 0 : i32
      %dma_wait3A_923 = tpu.memref_slice %arg2[%dma_wait3A_921, %dma_wait3A_922] : memref<20000x64xf32, #tpu.memory_space<hbm>> -> memref<20000x64xf32, #tpu.memory_space<hbm>>
      %dma_wait3A_924 = tpu.memref_slice %arg13[%dma_wait3A_913] : memref<4x!tpu.dma_semaphore, #tpu.memory_space<semaphore_mem>> -> memref<1x!tpu.dma_semaphore, #tpu.memory_space<semaphore_mem>>
      %dma_wait3A_925 = tpu.memref_squeeze %dma_wait3A_924 : memref<1x!tpu.dma_semaphore, #tpu.memory_space<semaphore_mem>> -> memref<!tpu.dma_semaphore, #tpu.memory_space<semaphore_mem>>
      tpu.wait_indirect_dma semaphore(%dma_wait3A_925 : memref<!tpu.dma_semaphore, #tpu.memory_space<semaphore_mem>>) src(%dma_wait3A_923 : memref<20000x64xf32, #tpu.memory_space<hbm>>) dst(%dma_wait3A_917 : memref<32x64xf32, #tpu.memory_space<vmem>>)
      %dma_start3A_926 = arith.constant 2 : i32
      %dma_start3A_927 = arith.constant 2 : i32
      %dma_start3A_928 = arith.constant 2 : i32
      %dma_start3A_929 = arith.constant 0 : i32
      %dma_start3A_930 = arith.constant 0 : i32
      %dma_start3A_931 = tpu.memref_slice %arg11[%dma_start3A_926, %dma_start3A_929, %dma_start3A_930] : memref<4x32x64xf32, #tpu.memory_space<vmem>> -> memref<1x32x64xf32, #tpu.memory_space<vmem>>
      %dma_start3A_932 = tpu.memref_squeeze %dma_start3A_931 : memref<1x32x64xf32, #tpu.memory_space<vmem>> -> memref<32x64xf32, #tpu.memory_space<vmem>>
      %dma_start3A_933 = arith.constant 0 : i32
      %dma_start3A_934 = tpu.memref_slice %arg10[%dma_start3A_927, %dma_start3A_933] : memref<8x32xi32, #tpu.memory_space<vmem>> -> memref<1x32xi32, #tpu.memory_space<vmem>>
      %dma_start3A_935 = tpu.memref_squeeze %dma_start3A_934 : memref<1x32xi32, #tpu.memory_space<vmem>> -> memref<32xi32, #tpu.memory_space<vmem>>
      %dma_start3A_936 = arith.constant 0 : i32
      %dma_start3A_937 = arith.constant 0 : i32
      %dma_start3A_938 = tpu.memref_slice %arg12[%dma_start3A_936, %dma_start3A_937] : memref<30000x64xf32, #tpu.memory_space<vmem_shared>> -> memref<30000x64xf32, #tpu.memory_space<vmem_shared>>
      %dma_start3A_939 = tpu.memref_slice %arg14[%dma_start3A_928] : memref<4x!tpu.dma_semaphore, #tpu.memory_space<semaphore_mem>> -> memref<1x!tpu.dma_semaphore, #tpu.memory_space<semaphore_mem>>
      %dma_start3A_940 = tpu.memref_squeeze %dma_start3A_939 : memref<1x!tpu.dma_semaphore, #tpu.memory_space<semaphore_mem>> -> memref<!tpu.dma_semaphore, #tpu.memory_space<semaphore_mem>>
      tpu.enqueue_indirect_dma source(%dma_start3A_932 : memref<32x64xf32, #tpu.memory_space<vmem>>) target(%dma_start3A_938 : memref<30000x64xf32, #tpu.memory_space<vmem_shared>>) offsets(%dma_start3A_935 : memref<32xi32, #tpu.memory_space<vmem>>) semaphore(%dma_start3A_940 : memref<!tpu.dma_semaphore, #tpu.memory_space<semaphore_mem>>) {add = true}
      %dma_wait3A_941 = arith.constant 3 : i32
      %dma_wait3A_942 = arith.constant 3 : i32
      %dma_wait3A_943 = arith.constant 3 : i32
      %dma_wait3A_944 = arith.constant 0 : i32
      %dma_wait3A_945 = arith.constant 0 : i32
      %dma_wait3A_946 = tpu.memref_slice %arg11[%dma_wait3A_942, %dma_wait3A_944, %dma_wait3A_945] : memref<4x32x64xf32, #tpu.memory_space<vmem>> -> memref<1x32x64xf32, #tpu.memory_space<vmem>>
      %dma_wait3A_947 = tpu.memref_squeeze %dma_wait3A_946 : memref<1x32x64xf32, #tpu.memory_space<vmem>> -> memref<32x64xf32, #tpu.memory_space<vmem>>
      %dma_wait3A_948 = arith.constant 0 : i32
      %dma_wait3A_949 = tpu.memref_slice %arg9[%dma_wait3A_941, %dma_wait3A_948] : memref<8x32xi32, #tpu.memory_space<vmem>> -> memref<1x32xi32, #tpu.memory_space<vmem>>
      %dma_wait3A_950 = tpu.memref_squeeze %dma_wait3A_949 : memref<1x32xi32, #tpu.memory_space<vmem>> -> memref<32xi32, #tpu.memory_space<vmem>>
      %dma_wait3A_951 = arith.constant 0 : i32
      %dma_wait3A_952 = arith.constant 0 : i32
      %dma_wait3A_953 = tpu.memref_slice %arg2[%dma_wait3A_951, %dma_wait3A_952] : memref<20000x64xf32, #tpu.memory_space<hbm>> -> memref<20000x64xf32, #tpu.memory_space<hbm>>
      %dma_wait3A_954 = tpu.memref_slice %arg13[%dma_wait3A_943] : memref<4x!tpu.dma_semaphore, #tpu.memory_space<semaphore_mem>> -> memref<1x!tpu.dma_semaphore, #tpu.memory_space<semaphore_mem>>
      %dma_wait3A_955 = tpu.memref_squeeze %dma_wait3A_954 : memref<1x!tpu.dma_semaphore, #tpu.memory_space<semaphore_mem>> -> memref<!tpu.dma_semaphore, #tpu.memory_space<semaphore_mem>>
      tpu.wait_indirect_dma semaphore(%dma_wait3A_955 : memref<!tpu.dma_semaphore, #tpu.memory_space<semaphore_mem>>) src(%dma_wait3A_953 : memref<20000x64xf32, #tpu.memory_space<hbm>>) dst(%dma_wait3A_947 : memref<32x64xf32, #tpu.memory_space<vmem>>)
      %dma_start3A_956 = arith.constant 3 : i32
      %dma_start3A_957 = arith.constant 3 : i32
      %dma_start3A_958 = arith.constant 3 : i32
      %dma_start3A_959 = arith.constant 0 : i32
      %dma_start3A_960 = arith.constant 0 : i32
      %dma_start3A_961 = tpu.memref_slice %arg11[%dma_start3A_956, %dma_start3A_959, %dma_start3A_960] : memref<4x32x64xf32, #tpu.memory_space<vmem>> -> memref<1x32x64xf32, #tpu.memory_space<vmem>>
      %dma_start3A_962 = tpu.memref_squeeze %dma_start3A_961 : memref<1x32x64xf32, #tpu.memory_space<vmem>> -> memref<32x64xf32, #tpu.memory_space<vmem>>
      %dma_start3A_963 = arith.constant 0 : i32
      %dma_start3A_964 = tpu.memref_slice %arg10[%dma_start3A_957, %dma_start3A_963] : memref<8x32xi32, #tpu.memory_space<vmem>> -> memref<1x32xi32, #tpu.memory_space<vmem>>
      %dma_start3A_965 = tpu.memref_squeeze %dma_start3A_964 : memref<1x32xi32, #tpu.memory_space<vmem>> -> memref<32xi32, #tpu.memory_space<vmem>>
      %dma_start3A_966 = arith.constant 0 : i32
      %dma_start3A_967 = arith.constant 0 : i32
      %dma_start3A_968 = tpu.memref_slice %arg12[%dma_start3A_966, %dma_start3A_967] : memref<30000x64xf32, #tpu.memory_space<vmem_shared>> -> memref<30000x64xf32, #tpu.memory_space<vmem_shared>>
      %dma_start3A_969 = tpu.memref_slice %arg14[%dma_start3A_958] : memref<4x!tpu.dma_semaphore, #tpu.memory_space<semaphore_mem>> -> memref<1x!tpu.dma_semaphore, #tpu.memory_space<semaphore_mem>>
      %dma_start3A_970 = tpu.memref_squeeze %dma_start3A_969 : memref<1x!tpu.dma_semaphore, #tpu.memory_space<semaphore_mem>> -> memref<!tpu.dma_semaphore, #tpu.memory_space<semaphore_mem>>
      tpu.enqueue_indirect_dma source(%dma_start3A_962 : memref<32x64xf32, #tpu.memory_space<vmem>>) target(%dma_start3A_968 : memref<30000x64xf32, #tpu.memory_space<vmem_shared>>) offsets(%dma_start3A_965 : memref<32xi32, #tpu.memory_space<vmem>>) semaphore(%dma_start3A_970 : memref<!tpu.dma_semaphore, #tpu.memory_space<semaphore_mem>>) {add = true}
      %mul3A_971 = arith.constant 8 : i32
      %mul3A_972 = arith.muli %while3A_108, %mul3A_971 : i32
      %add3A_973 = arith.constant 4 : i32
      %add3A_974 = arith.addi %mul3A_972, %add3A_973 : i32
      %ge3A_975 = arith.constant 4 : i32
      %ge3A_976 = arith.cmpi sge, %add3A_974, %ge3A_975 : i32
      %convert_element_type3A_977 = arith.extui %ge3A_976 : i1 to i32
      %cond3A_978 = arith.constant 0 : i32
      %cond3A_979 = arith.cmpi ne, %convert_element_type3A_977, %cond3A_978 : i32
      scf.if %cond3A_979 {
        %dma_wait3A_1187 = arith.constant 0 : i32
        %dma_wait3A_1188 = arith.constant 0 : i32
        %dma_wait3A_1189 = arith.constant 0 : i32
        %dma_wait3A_1190 = arith.constant 0 : i32
        %dma_wait3A_1191 = arith.constant 0 : i32
        %dma_wait3A_1192 = tpu.memref_slice %arg11[%dma_wait3A_1187, %dma_wait3A_1190, %dma_wait3A_1191] : memref<4x32x64xf32, #tpu.memory_space<vmem>> -> memref<1x32x64xf32, #tpu.memory_space<vmem>>
        %dma_wait3A_1193 = tpu.memref_squeeze %dma_wait3A_1192 : memref<1x32x64xf32, #tpu.memory_space<vmem>> -> memref<32x64xf32, #tpu.memory_space<vmem>>
        %dma_wait3A_1194 = arith.constant 0 : i32
        %dma_wait3A_1195 = tpu.memref_slice %arg10[%dma_wait3A_1188, %dma_wait3A_1194] : memref<8x32xi32, #tpu.memory_space<vmem>> -> memref<1x32xi32, #tpu.memory_space<vmem>>
        %dma_wait3A_1196 = tpu.memref_squeeze %dma_wait3A_1195 : memref<1x32xi32, #tpu.memory_space<vmem>> -> memref<32xi32, #tpu.memory_space<vmem>>
        %dma_wait3A_1197 = arith.constant 0 : i32
        %dma_wait3A_1198 = arith.constant 0 : i32
        %dma_wait3A_1199 = tpu.memref_slice %arg12[%dma_wait3A_1197, %dma_wait3A_1198] : memref<30000x64xf32, #tpu.memory_space<vmem_shared>> -> memref<30000x64xf32, #tpu.memory_space<vmem_shared>>
        %dma_wait3A_1200 = tpu.memref_slice %arg14[%dma_wait3A_1189] : memref<4x!tpu.dma_semaphore, #tpu.memory_space<semaphore_mem>> -> memref<1x!tpu.dma_semaphore, #tpu.memory_space<semaphore_mem>>
        %dma_wait3A_1201 = tpu.memref_squeeze %dma_wait3A_1200 : memref<1x!tpu.dma_semaphore, #tpu.memory_space<semaphore_mem>> -> memref<!tpu.dma_semaphore, #tpu.memory_space<semaphore_mem>>
        tpu.wait_indirect_dma semaphore(%dma_wait3A_1201 : memref<!tpu.dma_semaphore, #tpu.memory_space<semaphore_mem>>) src(%dma_wait3A_1193 : memref<32x64xf32, #tpu.memory_space<vmem>>) dst(%dma_wait3A_1199 : memref<30000x64xf32, #tpu.memory_space<vmem_shared>>)
      } else {
      }
      %dma_start3A_980 = arith.constant 4 : i32
      %dma_start3A_981 = arith.constant 0 : i32
      %dma_start3A_982 = arith.constant 0 : i32
      %dma_start3A_983 = arith.constant 0 : i32
      %dma_start3A_984 = arith.constant 0 : i32
      %dma_start3A_985 = tpu.memref_slice %arg11[%dma_start3A_981, %dma_start3A_983, %dma_start3A_984] : memref<4x32x64xf32, #tpu.memory_space<vmem>> -> memref<1x32x64xf32, #tpu.memory_space<vmem>>
      %dma_start3A_986 = tpu.memref_squeeze %dma_start3A_985 : memref<1x32x64xf32, #tpu.memory_space<vmem>> -> memref<32x64xf32, #tpu.memory_space<vmem>>
      %dma_start3A_987 = arith.constant 0 : i32
      %dma_start3A_988 = tpu.memref_slice %arg9[%dma_start3A_980, %dma_start3A_987] : memref<8x32xi32, #tpu.memory_space<vmem>> -> memref<1x32xi32, #tpu.memory_space<vmem>>
      %dma_start3A_989 = tpu.memref_squeeze %dma_start3A_988 : memref<1x32xi32, #tpu.memory_space<vmem>> -> memref<32xi32, #tpu.memory_space<vmem>>
      %dma_start3A_990 = arith.constant 0 : i32
      %dma_start3A_991 = arith.constant 0 : i32
      %dma_start3A_992 = tpu.memref_slice %arg2[%dma_start3A_990, %dma_start3A_991] : memref<20000x64xf32, #tpu.memory_space<hbm>> -> memref<20000x64xf32, #tpu.memory_space<hbm>>
      %dma_start3A_993 = tpu.memref_slice %arg13[%dma_start3A_982] : memref<4x!tpu.dma_semaphore, #tpu.memory_space<semaphore_mem>> -> memref<1x!tpu.dma_semaphore, #tpu.memory_space<semaphore_mem>>
      %dma_start3A_994 = tpu.memref_squeeze %dma_start3A_993 : memref<1x!tpu.dma_semaphore, #tpu.memory_space<semaphore_mem>> -> memref<!tpu.dma_semaphore, #tpu.memory_space<semaphore_mem>>
      tpu.enqueue_indirect_dma source(%dma_start3A_992 : memref<20000x64xf32, #tpu.memory_space<hbm>>) target(%dma_start3A_986 : memref<32x64xf32, #tpu.memory_space<vmem>>) offsets(%dma_start3A_989 : memref<32xi32, #tpu.memory_space<vmem>>) semaphore(%dma_start3A_994 : memref<!tpu.dma_semaphore, #tpu.memory_space<semaphore_mem>>)
      %mul3A_995 = arith.constant 8 : i32
      %mul3A_996 = arith.muli %while3A_108, %mul3A_995 : i32
      %add3A_997 = arith.constant 5 : i32
      %add3A_998 = arith.addi %mul3A_996, %add3A_997 : i32
      %ge3A_999 = arith.constant 4 : i32
      %ge3A_1000 = arith.cmpi sge, %add3A_998, %ge3A_999 : i32
      %convert_element_type3A_1001 = arith.extui %ge3A_1000 : i1 to i32
      %cond3A_1002 = arith.constant 0 : i32
      %cond3A_1003 = arith.cmpi ne, %convert_element_type3A_1001, %cond3A_1002 : i32
      scf.if %cond3A_1003 {
        %dma_wait3A_1187 = arith.constant 1 : i32
        %dma_wait3A_1188 = arith.constant 0 : i32
        %dma_wait3A_1189 = arith.constant 1 : i32
        %dma_wait3A_1190 = arith.constant 0 : i32
        %dma_wait3A_1191 = arith.constant 0 : i32
        %dma_wait3A_1192 = tpu.memref_slice %arg11[%dma_wait3A_1187, %dma_wait3A_1190, %dma_wait3A_1191] : memref<4x32x64xf32, #tpu.memory_space<vmem>> -> memref<1x32x64xf32, #tpu.memory_space<vmem>>
        %dma_wait3A_1193 = tpu.memref_squeeze %dma_wait3A_1192 : memref<1x32x64xf32, #tpu.memory_space<vmem>> -> memref<32x64xf32, #tpu.memory_space<vmem>>
        %dma_wait3A_1194 = arith.constant 0 : i32
        %dma_wait3A_1195 = tpu.memref_slice %arg10[%dma_wait3A_1188, %dma_wait3A_1194] : memref<8x32xi32, #tpu.memory_space<vmem>> -> memref<1x32xi32, #tpu.memory_space<vmem>>
        %dma_wait3A_1196 = tpu.memref_squeeze %dma_wait3A_1195 : memref<1x32xi32, #tpu.memory_space<vmem>> -> memref<32xi32, #tpu.memory_space<vmem>>
        %dma_wait3A_1197 = arith.constant 0 : i32
        %dma_wait3A_1198 = arith.constant 0 : i32
        %dma_wait3A_1199 = tpu.memref_slice %arg12[%dma_wait3A_1197, %dma_wait3A_1198] : memref<30000x64xf32, #tpu.memory_space<vmem_shared>> -> memref<30000x64xf32, #tpu.memory_space<vmem_shared>>
        %dma_wait3A_1200 = tpu.memref_slice %arg14[%dma_wait3A_1189] : memref<4x!tpu.dma_semaphore, #tpu.memory_space<semaphore_mem>> -> memref<1x!tpu.dma_semaphore, #tpu.memory_space<semaphore_mem>>
        %dma_wait3A_1201 = tpu.memref_squeeze %dma_wait3A_1200 : memref<1x!tpu.dma_semaphore, #tpu.memory_space<semaphore_mem>> -> memref<!tpu.dma_semaphore, #tpu.memory_space<semaphore_mem>>
        tpu.wait_indirect_dma semaphore(%dma_wait3A_1201 : memref<!tpu.dma_semaphore, #tpu.memory_space<semaphore_mem>>) src(%dma_wait3A_1193 : memref<32x64xf32, #tpu.memory_space<vmem>>) dst(%dma_wait3A_1199 : memref<30000x64xf32, #tpu.memory_space<vmem_shared>>)
      } else {
      }
      %dma_start3A_1004 = arith.constant 5 : i32
      %dma_start3A_1005 = arith.constant 1 : i32
      %dma_start3A_1006 = arith.constant 1 : i32
      %dma_start3A_1007 = arith.constant 0 : i32
      %dma_start3A_1008 = arith.constant 0 : i32
      %dma_start3A_1009 = tpu.memref_slice %arg11[%dma_start3A_1005, %dma_start3A_1007, %dma_start3A_1008] : memref<4x32x64xf32, #tpu.memory_space<vmem>> -> memref<1x32x64xf32, #tpu.memory_space<vmem>>
      %dma_start3A_1010 = tpu.memref_squeeze %dma_start3A_1009 : memref<1x32x64xf32, #tpu.memory_space<vmem>> -> memref<32x64xf32, #tpu.memory_space<vmem>>
      %dma_start3A_1011 = arith.constant 0 : i32
      %dma_start3A_1012 = tpu.memref_slice %arg9[%dma_start3A_1004, %dma_start3A_1011] : memref<8x32xi32, #tpu.memory_space<vmem>> -> memref<1x32xi32, #tpu.memory_space<vmem>>
      %dma_start3A_1013 = tpu.memref_squeeze %dma_start3A_1012 : memref<1x32xi32, #tpu.memory_space<vmem>> -> memref<32xi32, #tpu.memory_space<vmem>>
      %dma_start3A_1014 = arith.constant 0 : i32
      %dma_start3A_1015 = arith.constant 0 : i32
      %dma_start3A_1016 = tpu.memref_slice %arg2[%dma_start3A_1014, %dma_start3A_1015] : memref<20000x64xf32, #tpu.memory_space<hbm>> -> memref<20000x64xf32, #tpu.memory_space<hbm>>
      %dma_start3A_1017 = tpu.memref_slice %arg13[%dma_start3A_1006] : memref<4x!tpu.dma_semaphore, #tpu.memory_space<semaphore_mem>> -> memref<1x!tpu.dma_semaphore, #tpu.memory_space<semaphore_mem>>
      %dma_start3A_1018 = tpu.memref_squeeze %dma_start3A_1017 : memref<1x!tpu.dma_semaphore, #tpu.memory_space<semaphore_mem>> -> memref<!tpu.dma_semaphore, #tpu.memory_space<semaphore_mem>>
      tpu.enqueue_indirect_dma source(%dma_start3A_1016 : memref<20000x64xf32, #tpu.memory_space<hbm>>) target(%dma_start3A_1010 : memref<32x64xf32, #tpu.memory_space<vmem>>) offsets(%dma_start3A_1013 : memref<32xi32, #tpu.memory_space<vmem>>) semaphore(%dma_start3A_1018 : memref<!tpu.dma_semaphore, #tpu.memory_space<semaphore_mem>>)
      %mul3A_1019 = arith.constant 8 : i32
      %mul3A_1020 = arith.muli %while3A_108, %mul3A_1019 : i32
      %add3A_1021 = arith.constant 6 : i32
      %add3A_1022 = arith.addi %mul3A_1020, %add3A_1021 : i32
      %ge3A_1023 = arith.constant 4 : i32
      %ge3A_1024 = arith.cmpi sge, %add3A_1022, %ge3A_1023 : i32
      %convert_element_type3A_1025 = arith.extui %ge3A_1024 : i1 to i32
      %cond3A_1026 = arith.constant 0 : i32
      %cond3A_1027 = arith.cmpi ne, %convert_element_type3A_1025, %cond3A_1026 : i32
      scf.if %cond3A_1027 {
        %dma_wait3A_1187 = arith.constant 2 : i32
        %dma_wait3A_1188 = arith.constant 0 : i32
        %dma_wait3A_1189 = arith.constant 2 : i32
        %dma_wait3A_1190 = arith.constant 0 : i32
        %dma_wait3A_1191 = arith.constant 0 : i32
        %dma_wait3A_1192 = tpu.memref_slice %arg11[%dma_wait3A_1187, %dma_wait3A_1190, %dma_wait3A_1191] : memref<4x32x64xf32, #tpu.memory_space<vmem>> -> memref<1x32x64xf32, #tpu.memory_space<vmem>>
        %dma_wait3A_1193 = tpu.memref_squeeze %dma_wait3A_1192 : memref<1x32x64xf32, #tpu.memory_space<vmem>> -> memref<32x64xf32, #tpu.memory_space<vmem>>
        %dma_wait3A_1194 = arith.constant 0 : i32
        %dma_wait3A_1195 = tpu.memref_slice %arg10[%dma_wait3A_1188, %dma_wait3A_1194] : memref<8x32xi32, #tpu.memory_space<vmem>> -> memref<1x32xi32, #tpu.memory_space<vmem>>
        %dma_wait3A_1196 = tpu.memref_squeeze %dma_wait3A_1195 : memref<1x32xi32, #tpu.memory_space<vmem>> -> memref<32xi32, #tpu.memory_space<vmem>>
        %dma_wait3A_1197 = arith.constant 0 : i32
        %dma_wait3A_1198 = arith.constant 0 : i32
        %dma_wait3A_1199 = tpu.memref_slice %arg12[%dma_wait3A_1197, %dma_wait3A_1198] : memref<30000x64xf32, #tpu.memory_space<vmem_shared>> -> memref<30000x64xf32, #tpu.memory_space<vmem_shared>>
        %dma_wait3A_1200 = tpu.memref_slice %arg14[%dma_wait3A_1189] : memref<4x!tpu.dma_semaphore, #tpu.memory_space<semaphore_mem>> -> memref<1x!tpu.dma_semaphore, #tpu.memory_space<semaphore_mem>>
        %dma_wait3A_1201 = tpu.memref_squeeze %dma_wait3A_1200 : memref<1x!tpu.dma_semaphore, #tpu.memory_space<semaphore_mem>> -> memref<!tpu.dma_semaphore, #tpu.memory_space<semaphore_mem>>
        tpu.wait_indirect_dma semaphore(%dma_wait3A_1201 : memref<!tpu.dma_semaphore, #tpu.memory_space<semaphore_mem>>) src(%dma_wait3A_1193 : memref<32x64xf32, #tpu.memory_space<vmem>>) dst(%dma_wait3A_1199 : memref<30000x64xf32, #tpu.memory_space<vmem_shared>>)
      } else {
      }
      %dma_start3A_1028 = arith.constant 6 : i32
      %dma_start3A_1029 = arith.constant 2 : i32
      %dma_start3A_1030 = arith.constant 2 : i32
      %dma_start3A_1031 = arith.constant 0 : i32
      %dma_start3A_1032 = arith.constant 0 : i32
      %dma_start3A_1033 = tpu.memref_slice %arg11[%dma_start3A_1029, %dma_start3A_1031, %dma_start3A_1032] : memref<4x32x64xf32, #tpu.memory_space<vmem>> -> memref<1x32x64xf32, #tpu.memory_space<vmem>>
      %dma_start3A_1034 = tpu.memref_squeeze %dma_start3A_1033 : memref<1x32x64xf32, #tpu.memory_space<vmem>> -> memref<32x64xf32, #tpu.memory_space<vmem>>
      %dma_start3A_1035 = arith.constant 0 : i32
      %dma_start3A_1036 = tpu.memref_slice %arg9[%dma_start3A_1028, %dma_start3A_1035] : memref<8x32xi32, #tpu.memory_space<vmem>> -> memref<1x32xi32, #tpu.memory_space<vmem>>
      %dma_start3A_1037 = tpu.memref_squeeze %dma_start3A_1036 : memref<1x32xi32, #tpu.memory_space<vmem>> -> memref<32xi32, #tpu.memory_space<vmem>>
      %dma_start3A_1038 = arith.constant 0 : i32
      %dma_start3A_1039 = arith.constant 0 : i32
      %dma_start3A_1040 = tpu.memref_slice %arg2[%dma_start3A_1038, %dma_start3A_1039] : memref<20000x64xf32, #tpu.memory_space<hbm>> -> memref<20000x64xf32, #tpu.memory_space<hbm>>
      %dma_start3A_1041 = tpu.memref_slice %arg13[%dma_start3A_1030] : memref<4x!tpu.dma_semaphore, #tpu.memory_space<semaphore_mem>> -> memref<1x!tpu.dma_semaphore, #tpu.memory_space<semaphore_mem>>
      %dma_start3A_1042 = tpu.memref_squeeze %dma_start3A_1041 : memref<1x!tpu.dma_semaphore, #tpu.memory_space<semaphore_mem>> -> memref<!tpu.dma_semaphore, #tpu.memory_space<semaphore_mem>>
      tpu.enqueue_indirect_dma source(%dma_start3A_1040 : memref<20000x64xf32, #tpu.memory_space<hbm>>) target(%dma_start3A_1034 : memref<32x64xf32, #tpu.memory_space<vmem>>) offsets(%dma_start3A_1037 : memref<32xi32, #tpu.memory_space<vmem>>) semaphore(%dma_start3A_1042 : memref<!tpu.dma_semaphore, #tpu.memory_space<semaphore_mem>>)
      %mul3A_1043 = arith.constant 8 : i32
      %mul3A_1044 = arith.muli %while3A_108, %mul3A_1043 : i32
      %add3A_1045 = arith.constant 7 : i32
      %add3A_1046 = arith.addi %mul3A_1044, %add3A_1045 : i32
      %ge3A_1047 = arith.constant 4 : i32
      %ge3A_1048 = arith.cmpi sge, %add3A_1046, %ge3A_1047 : i32
      %convert_element_type3A_1049 = arith.extui %ge3A_1048 : i1 to i32
      %cond3A_1050 = arith.constant 0 : i32
      %cond3A_1051 = arith.cmpi ne, %convert_element_type3A_1049, %cond3A_1050 : i32
      scf.if %cond3A_1051 {
        %dma_wait3A_1187 = arith.constant 3 : i32
        %dma_wait3A_1188 = arith.constant 0 : i32
        %dma_wait3A_1189 = arith.constant 3 : i32
        %dma_wait3A_1190 = arith.constant 0 : i32
        %dma_wait3A_1191 = arith.constant 0 : i32
        %dma_wait3A_1192 = tpu.memref_slice %arg11[%dma_wait3A_1187, %dma_wait3A_1190, %dma_wait3A_1191] : memref<4x32x64xf32, #tpu.memory_space<vmem>> -> memref<1x32x64xf32, #tpu.memory_space<vmem>>
        %dma_wait3A_1193 = tpu.memref_squeeze %dma_wait3A_1192 : memref<1x32x64xf32, #tpu.memory_space<vmem>> -> memref<32x64xf32, #tpu.memory_space<vmem>>
        %dma_wait3A_1194 = arith.constant 0 : i32
        %dma_wait3A_1195 = tpu.memref_slice %arg10[%dma_wait3A_1188, %dma_wait3A_1194] : memref<8x32xi32, #tpu.memory_space<vmem>> -> memref<1x32xi32, #tpu.memory_space<vmem>>
        %dma_wait3A_1196 = tpu.memref_squeeze %dma_wait3A_1195 : memref<1x32xi32, #tpu.memory_space<vmem>> -> memref<32xi32, #tpu.memory_space<vmem>>
        %dma_wait3A_1197 = arith.constant 0 : i32
        %dma_wait3A_1198 = arith.constant 0 : i32
        %dma_wait3A_1199 = tpu.memref_slice %arg12[%dma_wait3A_1197, %dma_wait3A_1198] : memref<30000x64xf32, #tpu.memory_space<vmem_shared>> -> memref<30000x64xf32, #tpu.memory_space<vmem_shared>>
        %dma_wait3A_1200 = tpu.memref_slice %arg14[%dma_wait3A_1189] : memref<4x!tpu.dma_semaphore, #tpu.memory_space<semaphore_mem>> -> memref<1x!tpu.dma_semaphore, #tpu.memory_space<semaphore_mem>>
        %dma_wait3A_1201 = tpu.memref_squeeze %dma_wait3A_1200 : memref<1x!tpu.dma_semaphore, #tpu.memory_space<semaphore_mem>> -> memref<!tpu.dma_semaphore, #tpu.memory_space<semaphore_mem>>
        tpu.wait_indirect_dma semaphore(%dma_wait3A_1201 : memref<!tpu.dma_semaphore, #tpu.memory_space<semaphore_mem>>) src(%dma_wait3A_1193 : memref<32x64xf32, #tpu.memory_space<vmem>>) dst(%dma_wait3A_1199 : memref<30000x64xf32, #tpu.memory_space<vmem_shared>>)
      } else {
      }
      %dma_start3A_1052 = arith.constant 7 : i32
      %dma_start3A_1053 = arith.constant 3 : i32
      %dma_start3A_1054 = arith.constant 3 : i32
      %dma_start3A_1055 = arith.constant 0 : i32
      %dma_start3A_1056 = arith.constant 0 : i32
      %dma_start3A_1057 = tpu.memref_slice %arg11[%dma_start3A_1053, %dma_start3A_1055, %dma_start3A_1056] : memref<4x32x64xf32, #tpu.memory_space<vmem>> -> memref<1x32x64xf32, #tpu.memory_space<vmem>>
      %dma_start3A_1058 = tpu.memref_squeeze %dma_start3A_1057 : memref<1x32x64xf32, #tpu.memory_space<vmem>> -> memref<32x64xf32, #tpu.memory_space<vmem>>
      %dma_start3A_1059 = arith.constant 0 : i32
      %dma_start3A_1060 = tpu.memref_slice %arg9[%dma_start3A_1052, %dma_start3A_1059] : memref<8x32xi32, #tpu.memory_space<vmem>> -> memref<1x32xi32, #tpu.memory_space<vmem>>
      %dma_start3A_1061 = tpu.memref_squeeze %dma_start3A_1060 : memref<1x32xi32, #tpu.memory_space<vmem>> -> memref<32xi32, #tpu.memory_space<vmem>>
      %dma_start3A_1062 = arith.constant 0 : i32
      %dma_start3A_1063 = arith.constant 0 : i32
      %dma_start3A_1064 = tpu.memref_slice %arg2[%dma_start3A_1062, %dma_start3A_1063] : memref<20000x64xf32, #tpu.memory_space<hbm>> -> memref<20000x64xf32, #tpu.memory_space<hbm>>
      %dma_start3A_1065 = tpu.memref_slice %arg13[%dma_start3A_1054] : memref<4x!tpu.dma_semaphore, #tpu.memory_space<semaphore_mem>> -> memref<1x!tpu.dma_semaphore, #tpu.memory_space<semaphore_mem>>
      %dma_start3A_1066 = tpu.memref_squeeze %dma_start3A_1065 : memref<1x!tpu.dma_semaphore, #tpu.memory_space<semaphore_mem>> -> memref<!tpu.dma_semaphore, #tpu.memory_space<semaphore_mem>>
      tpu.enqueue_indirect_dma source(%dma_start3A_1064 : memref<20000x64xf32, #tpu.memory_space<hbm>>) target(%dma_start3A_1058 : memref<32x64xf32, #tpu.memory_space<vmem>>) offsets(%dma_start3A_1061 : memref<32xi32, #tpu.memory_space<vmem>>) semaphore(%dma_start3A_1066 : memref<!tpu.dma_semaphore, #tpu.memory_space<semaphore_mem>>)
      %dma_wait3A_1067 = arith.constant 4 : i32
      %dma_wait3A_1068 = arith.constant 0 : i32
      %dma_wait3A_1069 = arith.constant 0 : i32
      %dma_wait3A_1070 = arith.constant 0 : i32
      %dma_wait3A_1071 = arith.constant 0 : i32
      %dma_wait3A_1072 = tpu.memref_slice %arg11[%dma_wait3A_1068, %dma_wait3A_1070, %dma_wait3A_1071] : memref<4x32x64xf32, #tpu.memory_space<vmem>> -> memref<1x32x64xf32, #tpu.memory_space<vmem>>
      %dma_wait3A_1073 = tpu.memref_squeeze %dma_wait3A_1072 : memref<1x32x64xf32, #tpu.memory_space<vmem>> -> memref<32x64xf32, #tpu.memory_space<vmem>>
      %dma_wait3A_1074 = arith.constant 0 : i32
      %dma_wait3A_1075 = tpu.memref_slice %arg9[%dma_wait3A_1067, %dma_wait3A_1074] : memref<8x32xi32, #tpu.memory_space<vmem>> -> memref<1x32xi32, #tpu.memory_space<vmem>>
      %dma_wait3A_1076 = tpu.memref_squeeze %dma_wait3A_1075 : memref<1x32xi32, #tpu.memory_space<vmem>> -> memref<32xi32, #tpu.memory_space<vmem>>
      %dma_wait3A_1077 = arith.constant 0 : i32
      %dma_wait3A_1078 = arith.constant 0 : i32
      %dma_wait3A_1079 = tpu.memref_slice %arg2[%dma_wait3A_1077, %dma_wait3A_1078] : memref<20000x64xf32, #tpu.memory_space<hbm>> -> memref<20000x64xf32, #tpu.memory_space<hbm>>
      %dma_wait3A_1080 = tpu.memref_slice %arg13[%dma_wait3A_1069] : memref<4x!tpu.dma_semaphore, #tpu.memory_space<semaphore_mem>> -> memref<1x!tpu.dma_semaphore, #tpu.memory_space<semaphore_mem>>
      %dma_wait3A_1081 = tpu.memref_squeeze %dma_wait3A_1080 : memref<1x!tpu.dma_semaphore, #tpu.memory_space<semaphore_mem>> -> memref<!tpu.dma_semaphore, #tpu.memory_space<semaphore_mem>>
      tpu.wait_indirect_dma semaphore(%dma_wait3A_1081 : memref<!tpu.dma_semaphore, #tpu.memory_space<semaphore_mem>>) src(%dma_wait3A_1079 : memref<20000x64xf32, #tpu.memory_space<hbm>>) dst(%dma_wait3A_1073 : memref<32x64xf32, #tpu.memory_space<vmem>>)
      %dma_start3A_1082 = arith.constant 0 : i32
      %dma_start3A_1083 = arith.constant 4 : i32
      %dma_start3A_1084 = arith.constant 0 : i32
      %dma_start3A_1085 = arith.constant 0 : i32
      %dma_start3A_1086 = arith.constant 0 : i32
      %dma_start3A_1087 = tpu.memref_slice %arg11[%dma_start3A_1082, %dma_start3A_1085, %dma_start3A_1086] : memref<4x32x64xf32, #tpu.memory_space<vmem>> -> memref<1x32x64xf32, #tpu.memory_space<vmem>>
      %dma_start3A_1088 = tpu.memref_squeeze %dma_start3A_1087 : memref<1x32x64xf32, #tpu.memory_space<vmem>> -> memref<32x64xf32, #tpu.memory_space<vmem>>
      %dma_start3A_1089 = arith.constant 0 : i32
      %dma_start3A_1090 = tpu.memref_slice %arg10[%dma_start3A_1083, %dma_start3A_1089] : memref<8x32xi32, #tpu.memory_space<vmem>> -> memref<1x32xi32, #tpu.memory_space<vmem>>
      %dma_start3A_1091 = tpu.memref_squeeze %dma_start3A_1090 : memref<1x32xi32, #tpu.memory_space<vmem>> -> memref<32xi32, #tpu.memory_space<vmem>>
      %dma_start3A_1092 = arith.constant 0 : i32
      %dma_start3A_1093 = arith.constant 0 : i32
      %dma_start3A_1094 = tpu.memref_slice %arg12[%dma_start3A_1092, %dma_start3A_1093] : memref<30000x64xf32, #tpu.memory_space<vmem_shared>> -> memref<30000x64xf32, #tpu.memory_space<vmem_shared>>
      %dma_start3A_1095 = tpu.memref_slice %arg14[%dma_start3A_1084] : memref<4x!tpu.dma_semaphore, #tpu.memory_space<semaphore_mem>> -> memref<1x!tpu.dma_semaphore, #tpu.memory_space<semaphore_mem>>
      %dma_start3A_1096 = tpu.memref_squeeze %dma_start3A_1095 : memref<1x!tpu.dma_semaphore, #tpu.memory_space<semaphore_mem>> -> memref<!tpu.dma_semaphore, #tpu.memory_space<semaphore_mem>>
      tpu.enqueue_indirect_dma source(%dma_start3A_1088 : memref<32x64xf32, #tpu.memory_space<vmem>>) target(%dma_start3A_1094 : memref<30000x64xf32, #tpu.memory_space<vmem_shared>>) offsets(%dma_start3A_1091 : memref<32xi32, #tpu.memory_space<vmem>>) semaphore(%dma_start3A_1096 : memref<!tpu.dma_semaphore, #tpu.memory_space<semaphore_mem>>) {add = true}
      %dma_wait3A_1097 = arith.constant 5 : i32
      %dma_wait3A_1098 = arith.constant 1 : i32
      %dma_wait3A_1099 = arith.constant 1 : i32
      %dma_wait3A_1100 = arith.constant 0 : i32
      %dma_wait3A_1101 = arith.constant 0 : i32
      %dma_wait3A_1102 = tpu.memref_slice %arg11[%dma_wait3A_1098, %dma_wait3A_1100, %dma_wait3A_1101] : memref<4x32x64xf32, #tpu.memory_space<vmem>> -> memref<1x32x64xf32, #tpu.memory_space<vmem>>
      %dma_wait3A_1103 = tpu.memref_squeeze %dma_wait3A_1102 : memref<1x32x64xf32, #tpu.memory_space<vmem>> -> memref<32x64xf32, #tpu.memory_space<vmem>>
      %dma_wait3A_1104 = arith.constant 0 : i32
      %dma_wait3A_1105 = tpu.memref_slice %arg9[%dma_wait3A_1097, %dma_wait3A_1104] : memref<8x32xi32, #tpu.memory_space<vmem>> -> memref<1x32xi32, #tpu.memory_space<vmem>>
      %dma_wait3A_1106 = tpu.memref_squeeze %dma_wait3A_1105 : memref<1x32xi32, #tpu.memory_space<vmem>> -> memref<32xi32, #tpu.memory_space<vmem>>
      %dma_wait3A_1107 = arith.constant 0 : i32
      %dma_wait3A_1108 = arith.constant 0 : i32
      %dma_wait3A_1109 = tpu.memref_slice %arg2[%dma_wait3A_1107, %dma_wait3A_1108] : memref<20000x64xf32, #tpu.memory_space<hbm>> -> memref<20000x64xf32, #tpu.memory_space<hbm>>
      %dma_wait3A_1110 = tpu.memref_slice %arg13[%dma_wait3A_1099] : memref<4x!tpu.dma_semaphore, #tpu.memory_space<semaphore_mem>> -> memref<1x!tpu.dma_semaphore, #tpu.memory_space<semaphore_mem>>
      %dma_wait3A_1111 = tpu.memref_squeeze %dma_wait3A_1110 : memref<1x!tpu.dma_semaphore, #tpu.memory_space<semaphore_mem>> -> memref<!tpu.dma_semaphore, #tpu.memory_space<semaphore_mem>>
      tpu.wait_indirect_dma semaphore(%dma_wait3A_1111 : memref<!tpu.dma_semaphore, #tpu.memory_space<semaphore_mem>>) src(%dma_wait3A_1109 : memref<20000x64xf32, #tpu.memory_space<hbm>>) dst(%dma_wait3A_1103 : memref<32x64xf32, #tpu.memory_space<vmem>>)
      %dma_start3A_1112 = arith.constant 1 : i32
      %dma_start3A_1113 = arith.constant 5 : i32
      %dma_start3A_1114 = arith.constant 1 : i32
      %dma_start3A_1115 = arith.constant 0 : i32
      %dma_start3A_1116 = arith.constant 0 : i32
      %dma_start3A_1117 = tpu.memref_slice %arg11[%dma_start3A_1112, %dma_start3A_1115, %dma_start3A_1116] : memref<4x32x64xf32, #tpu.memory_space<vmem>> -> memref<1x32x64xf32, #tpu.memory_space<vmem>>
      %dma_start3A_1118 = tpu.memref_squeeze %dma_start3A_1117 : memref<1x32x64xf32, #tpu.memory_space<vmem>> -> memref<32x64xf32, #tpu.memory_space<vmem>>
      %dma_start3A_1119 = arith.constant 0 : i32
      %dma_start3A_1120 = tpu.memref_slice %arg10[%dma_start3A_1113, %dma_start3A_1119] : memref<8x32xi32, #tpu.memory_space<vmem>> -> memref<1x32xi32, #tpu.memory_space<vmem>>
      %dma_start3A_1121 = tpu.memref_squeeze %dma_start3A_1120 : memref<1x32xi32, #tpu.memory_space<vmem>> -> memref<32xi32, #tpu.memory_space<vmem>>
      %dma_start3A_1122 = arith.constant 0 : i32
      %dma_start3A_1123 = arith.constant 0 : i32
      %dma_start3A_1124 = tpu.memref_slice %arg12[%dma_start3A_1122, %dma_start3A_1123] : memref<30000x64xf32, #tpu.memory_space<vmem_shared>> -> memref<30000x64xf32, #tpu.memory_space<vmem_shared>>
      %dma_start3A_1125 = tpu.memref_slice %arg14[%dma_start3A_1114] : memref<4x!tpu.dma_semaphore, #tpu.memory_space<semaphore_mem>> -> memref<1x!tpu.dma_semaphore, #tpu.memory_space<semaphore_mem>>
      %dma_start3A_1126 = tpu.memref_squeeze %dma_start3A_1125 : memref<1x!tpu.dma_semaphore, #tpu.memory_space<semaphore_mem>> -> memref<!tpu.dma_semaphore, #tpu.memory_space<semaphore_mem>>
      tpu.enqueue_indirect_dma source(%dma_start3A_1118 : memref<32x64xf32, #tpu.memory_space<vmem>>) target(%dma_start3A_1124 : memref<30000x64xf32, #tpu.memory_space<vmem_shared>>) offsets(%dma_start3A_1121 : memref<32xi32, #tpu.memory_space<vmem>>) semaphore(%dma_start3A_1126 : memref<!tpu.dma_semaphore, #tpu.memory_space<semaphore_mem>>) {add = true}
      %dma_wait3A_1127 = arith.constant 6 : i32
      %dma_wait3A_1128 = arith.constant 2 : i32
      %dma_wait3A_1129 = arith.constant 2 : i32
      %dma_wait3A_1130 = arith.constant 0 : i32
      %dma_wait3A_1131 = arith.constant 0 : i32
      %dma_wait3A_1132 = tpu.memref_slice %arg11[%dma_wait3A_1128, %dma_wait3A_1130, %dma_wait3A_1131] : memref<4x32x64xf32, #tpu.memory_space<vmem>> -> memref<1x32x64xf32, #tpu.memory_space<vmem>>
      %dma_wait3A_1133 = tpu.memref_squeeze %dma_wait3A_1132 : memref<1x32x64xf32, #tpu.memory_space<vmem>> -> memref<32x64xf32, #tpu.memory_space<vmem>>
      %dma_wait3A_1134 = arith.constant 0 : i32
      %dma_wait3A_1135 = tpu.memref_slice %arg9[%dma_wait3A_1127, %dma_wait3A_1134] : memref<8x32xi32, #tpu.memory_space<vmem>> -> memref<1x32xi32, #tpu.memory_space<vmem>>
      %dma_wait3A_1136 = tpu.memref_squeeze %dma_wait3A_1135 : memref<1x32xi32, #tpu.memory_space<vmem>> -> memref<32xi32, #tpu.memory_space<vmem>>
      %dma_wait3A_1137 = arith.constant 0 : i32
      %dma_wait3A_1138 = arith.constant 0 : i32
      %dma_wait3A_1139 = tpu.memref_slice %arg2[%dma_wait3A_1137, %dma_wait3A_1138] : memref<20000x64xf32, #tpu.memory_space<hbm>> -> memref<20000x64xf32, #tpu.memory_space<hbm>>
      %dma_wait3A_1140 = tpu.memref_slice %arg13[%dma_wait3A_1129] : memref<4x!tpu.dma_semaphore, #tpu.memory_space<semaphore_mem>> -> memref<1x!tpu.dma_semaphore, #tpu.memory_space<semaphore_mem>>
      %dma_wait3A_1141 = tpu.memref_squeeze %dma_wait3A_1140 : memref<1x!tpu.dma_semaphore, #tpu.memory_space<semaphore_mem>> -> memref<!tpu.dma_semaphore, #tpu.memory_space<semaphore_mem>>
      tpu.wait_indirect_dma semaphore(%dma_wait3A_1141 : memref<!tpu.dma_semaphore, #tpu.memory_space<semaphore_mem>>) src(%dma_wait3A_1139 : memref<20000x64xf32, #tpu.memory_space<hbm>>) dst(%dma_wait3A_1133 : memref<32x64xf32, #tpu.memory_space<vmem>>)
      %dma_start3A_1142 = arith.constant 2 : i32
      %dma_start3A_1143 = arith.constant 6 : i32
      %dma_start3A_1144 = arith.constant 2 : i32
      %dma_start3A_1145 = arith.constant 0 : i32
      %dma_start3A_1146 = arith.constant 0 : i32
      %dma_start3A_1147 = tpu.memref_slice %arg11[%dma_start3A_1142, %dma_start3A_1145, %dma_start3A_1146] : memref<4x32x64xf32, #tpu.memory_space<vmem>> -> memref<1x32x64xf32, #tpu.memory_space<vmem>>
      %dma_start3A_1148 = tpu.memref_squeeze %dma_start3A_1147 : memref<1x32x64xf32, #tpu.memory_space<vmem>> -> memref<32x64xf32, #tpu.memory_space<vmem>>
      %dma_start3A_1149 = arith.constant 0 : i32
      %dma_start3A_1150 = tpu.memref_slice %arg10[%dma_start3A_1143, %dma_start3A_1149] : memref<8x32xi32, #tpu.memory_space<vmem>> -> memref<1x32xi32, #tpu.memory_space<vmem>>
      %dma_start3A_1151 = tpu.memref_squeeze %dma_start3A_1150 : memref<1x32xi32, #tpu.memory_space<vmem>> -> memref<32xi32, #tpu.memory_space<vmem>>
      %dma_start3A_1152 = arith.constant 0 : i32
      %dma_start3A_1153 = arith.constant 0 : i32
      %dma_start3A_1154 = tpu.memref_slice %arg12[%dma_start3A_1152, %dma_start3A_1153] : memref<30000x64xf32, #tpu.memory_space<vmem_shared>> -> memref<30000x64xf32, #tpu.memory_space<vmem_shared>>
      %dma_start3A_1155 = tpu.memref_slice %arg14[%dma_start3A_1144] : memref<4x!tpu.dma_semaphore, #tpu.memory_space<semaphore_mem>> -> memref<1x!tpu.dma_semaphore, #tpu.memory_space<semaphore_mem>>
      %dma_start3A_1156 = tpu.memref_squeeze %dma_start3A_1155 : memref<1x!tpu.dma_semaphore, #tpu.memory_space<semaphore_mem>> -> memref<!tpu.dma_semaphore, #tpu.memory_space<semaphore_mem>>
      tpu.enqueue_indirect_dma source(%dma_start3A_1148 : memref<32x64xf32, #tpu.memory_space<vmem>>) target(%dma_start3A_1154 : memref<30000x64xf32, #tpu.memory_space<vmem_shared>>) offsets(%dma_start3A_1151 : memref<32xi32, #tpu.memory_space<vmem>>) semaphore(%dma_start3A_1156 : memref<!tpu.dma_semaphore, #tpu.memory_space<semaphore_mem>>) {add = true}
      %dma_wait3A_1157 = arith.constant 7 : i32
      %dma_wait3A_1158 = arith.constant 3 : i32
      %dma_wait3A_1159 = arith.constant 3 : i32
      %dma_wait3A_1160 = arith.constant 0 : i32
      %dma_wait3A_1161 = arith.constant 0 : i32
      %dma_wait3A_1162 = tpu.memref_slice %arg11[%dma_wait3A_1158, %dma_wait3A_1160, %dma_wait3A_1161] : memref<4x32x64xf32, #tpu.memory_space<vmem>> -> memref<1x32x64xf32, #tpu.memory_space<vmem>>
      %dma_wait3A_1163 = tpu.memref_squeeze %dma_wait3A_1162 : memref<1x32x64xf32, #tpu.memory_space<vmem>> -> memref<32x64xf32, #tpu.memory_space<vmem>>
      %dma_wait3A_1164 = arith.constant 0 : i32
      %dma_wait3A_1165 = tpu.memref_slice %arg9[%dma_wait3A_1157, %dma_wait3A_1164] : memref<8x32xi32, #tpu.memory_space<vmem>> -> memref<1x32xi32, #tpu.memory_space<vmem>>
      %dma_wait3A_1166 = tpu.memref_squeeze %dma_wait3A_1165 : memref<1x32xi32, #tpu.memory_space<vmem>> -> memref<32xi32, #tpu.memory_space<vmem>>
      %dma_wait3A_1167 = arith.constant 0 : i32
      %dma_wait3A_1168 = arith.constant 0 : i32
      %dma_wait3A_1169 = tpu.memref_slice %arg2[%dma_wait3A_1167, %dma_wait3A_1168] : memref<20000x64xf32, #tpu.memory_space<hbm>> -> memref<20000x64xf32, #tpu.memory_space<hbm>>
      %dma_wait3A_1170 = tpu.memref_slice %arg13[%dma_wait3A_1159] : memref<4x!tpu.dma_semaphore, #tpu.memory_space<semaphore_mem>> -> memref<1x!tpu.dma_semaphore, #tpu.memory_space<semaphore_mem>>
      %dma_wait3A_1171 = tpu.memref_squeeze %dma_wait3A_1170 : memref<1x!tpu.dma_semaphore, #tpu.memory_space<semaphore_mem>> -> memref<!tpu.dma_semaphore, #tpu.memory_space<semaphore_mem>>
      tpu.wait_indirect_dma semaphore(%dma_wait3A_1171 : memref<!tpu.dma_semaphore, #tpu.memory_space<semaphore_mem>>) src(%dma_wait3A_1169 : memref<20000x64xf32, #tpu.memory_space<hbm>>) dst(%dma_wait3A_1163 : memref<32x64xf32, #tpu.memory_space<vmem>>)
      %dma_start3A_1172 = arith.constant 3 : i32
      %dma_start3A_1173 = arith.constant 7 : i32
      %dma_start3A_1174 = arith.constant 3 : i32
      %dma_start3A_1175 = arith.constant 0 : i32
      %dma_start3A_1176 = arith.constant 0 : i32
      %dma_start3A_1177 = tpu.memref_slice %arg11[%dma_start3A_1172, %dma_start3A_1175, %dma_start3A_1176] : memref<4x32x64xf32, #tpu.memory_space<vmem>> -> memref<1x32x64xf32, #tpu.memory_space<vmem>>
      %dma_start3A_1178 = tpu.memref_squeeze %dma_start3A_1177 : memref<1x32x64xf32, #tpu.memory_space<vmem>> -> memref<32x64xf32, #tpu.memory_space<vmem>>
      %dma_start3A_1179 = arith.constant 0 : i32
      %dma_start3A_1180 = tpu.memref_slice %arg10[%dma_start3A_1173, %dma_start3A_1179] : memref<8x32xi32, #tpu.memory_space<vmem>> -> memref<1x32xi32, #tpu.memory_space<vmem>>
      %dma_start3A_1181 = tpu.memref_squeeze %dma_start3A_1180 : memref<1x32xi32, #tpu.memory_space<vmem>> -> memref<32xi32, #tpu.memory_space<vmem>>
      %dma_start3A_1182 = arith.constant 0 : i32
      %dma_start3A_1183 = arith.constant 0 : i32
      %dma_start3A_1184 = tpu.memref_slice %arg12[%dma_start3A_1182, %dma_start3A_1183] : memref<30000x64xf32, #tpu.memory_space<vmem_shared>> -> memref<30000x64xf32, #tpu.memory_space<vmem_shared>>
      %dma_start3A_1185 = tpu.memref_slice %arg14[%dma_start3A_1174] : memref<4x!tpu.dma_semaphore, #tpu.memory_space<semaphore_mem>> -> memref<1x!tpu.dma_semaphore, #tpu.memory_space<semaphore_mem>>
      %dma_start3A_1186 = tpu.memref_squeeze %dma_start3A_1185 : memref<1x!tpu.dma_semaphore, #tpu.memory_space<semaphore_mem>> -> memref<!tpu.dma_semaphore, #tpu.memory_space<semaphore_mem>>
      tpu.enqueue_indirect_dma source(%dma_start3A_1178 : memref<32x64xf32, #tpu.memory_space<vmem>>) target(%dma_start3A_1184 : memref<30000x64xf32, #tpu.memory_space<vmem_shared>>) offsets(%dma_start3A_1181 : memref<32xi32, #tpu.memory_space<vmem>>) semaphore(%dma_start3A_1186 : memref<!tpu.dma_semaphore, #tpu.memory_space<semaphore_mem>>) {add = true}
    }
    %while3A_37 = arith.constant 1 : i32
    scf.for %while3A_108 = %while3A_35 to %while3A_31 step %while3A_37  : i32 {
      %rem3A = arith.constant 2 : i32
      %rem3A_109 = arith.remsi %while3A_108, %rem3A : i32
      %dma_wait3A_110 = arith.constant 0 : i32
      %dma_wait3A_111 = tpu.memref_slice %arg7[%rem3A_109, %dma_wait3A_110] : memref<2x256xi32, #tpu.memory_space<vmem>> -> memref<1x256xi32, #tpu.memory_space<vmem>>
      %dma_wait3A_112 = tpu.memref_squeeze %dma_wait3A_111 : memref<1x256xi32, #tpu.memory_space<vmem>> -> memref<256xi32, #tpu.memory_space<vmem>>
      %dma_wait3A_113 = arith.constant 0 : i32
      %dma_wait3A_114 = tpu.memref_slice %arg3[%dma_wait3A_113] : memref<320000xi32, #tpu.memory_space<hbm>> -> memref<256xi32, #tpu.memory_space<hbm>>
      %dma_wait3A_115 = arith.constant 0 : i32
      %dma_wait3A_116 = tpu.memref_slice %arg7[%rem3A_109, %dma_wait3A_115] : memref<2x256xi32, #tpu.memory_space<vmem>> -> memref<1x256xi32, #tpu.memory_space<vmem>>
      %dma_wait3A_117 = tpu.memref_squeeze %dma_wait3A_116 : memref<1x256xi32, #tpu.memory_space<vmem>> -> memref<256xi32, #tpu.memory_space<vmem>>
      %dma_wait3A_118 = arith.constant 0 : i32
      %dma_wait3A_119 = tpu.memref_slice %arg3[%dma_wait3A_118] : memref<320000xi32, #tpu.memory_space<hbm>> -> memref<256xi32, #tpu.memory_space<hbm>>
      tpu.wait_dma2 semaphore(%arg15 : memref<!tpu.dma_semaphore, #tpu.memory_space<semaphore_mem>>) src(%dma_wait3A_119 : memref<256xi32, #tpu.memory_space<hbm>>) dst(%dma_wait3A_117 : memref<256xi32, #tpu.memory_space<vmem>>)
      %dma_wait3A_120 = arith.constant 0 : i32
      %dma_wait3A_121 = tpu.memref_slice %arg8[%rem3A_109, %dma_wait3A_120] : memref<2x256xi32, #tpu.memory_space<vmem>> -> memref<1x256xi32, #tpu.memory_space<vmem>>
      %dma_wait3A_122 = tpu.memref_squeeze %dma_wait3A_121 : memref<1x256xi32, #tpu.memory_space<vmem>> -> memref<256xi32, #tpu.memory_space<vmem>>
      %dma_wait3A_123 = arith.constant 0 : i32
      %dma_wait3A_124 = tpu.memref_slice %arg4[%dma_wait3A_123] : memref<320000xi32, #tpu.memory_space<hbm>> -> memref<256xi32, #tpu.memory_space<hbm>>
      %dma_wait3A_125 = arith.constant 0 : i32
      %dma_wait3A_126 = tpu.memref_slice %arg8[%rem3A_109, %dma_wait3A_125] : memref<2x256xi32, #tpu.memory_space<vmem>> -> memref<1x256xi32, #tpu.memory_space<vmem>>
      %dma_wait3A_127 = tpu.memref_squeeze %dma_wait3A_126 : memref<1x256xi32, #tpu.memory_space<vmem>> -> memref<256xi32, #tpu.memory_space<vmem>>
      %dma_wait3A_128 = arith.constant 0 : i32
      %dma_wait3A_129 = tpu.memref_slice %arg4[%dma_wait3A_128] : memref<320000xi32, #tpu.memory_space<hbm>> -> memref<256xi32, #tpu.memory_space<hbm>>
      tpu.wait_dma2 semaphore(%arg15 : memref<!tpu.dma_semaphore, #tpu.memory_space<semaphore_mem>>) src(%dma_wait3A_129 : memref<256xi32, #tpu.memory_space<hbm>>) dst(%dma_wait3A_127 : memref<256xi32, #tpu.memory_space<vmem>>)
      %add3A = arith.constant 1 : i32
      %add3A_130 = arith.addi %while3A_108, %add3A : i32
      %lt3A_131 = arith.cmpi slt, %add3A_130, %select_n3A : i32
      %convert_element_type3A_132 = arith.extui %lt3A_131 : i1 to i32
      %cond3A_133 = arith.constant 0 : i32
      %cond3A_134 = arith.cmpi ne, %convert_element_type3A_132, %cond3A_133 : i32
      scf.if %cond3A_134 {
        %add3A_1187 = arith.constant 1 : i32
        %add3A_1188 = arith.addi %while3A_108, %add3A_1187 : i32
        %mul3A_1189 = arith.constant 8 : i32
        %mul3A_1190 = arith.muli %add3A_1188, %mul3A_1189 : i32
        %mul3A_1191 = arith.constant 32 : i32
        %mul3A_1192 = arith.muli %mul3A_1190, %mul3A_1191 : i32
        %add3A_1193 = arith.addi %mul3A_11, %mul3A_1192 : i32
        %sub3A_1194 = arith.constant 1 : i32
        %sub3A_1195 = arith.subi %sub3A_1194, %rem3A_109 : i32
        %dma_start3A_1196 = arith.constant 0 : i32
        %dma_start3A_1197 = tpu.memref_slice %arg7[%sub3A_1195, %dma_start3A_1196] : memref<2x256xi32, #tpu.memory_space<vmem>> -> memref<1x256xi32, #tpu.memory_space<vmem>>
        %dma_start3A_1198 = tpu.memref_squeeze %dma_start3A_1197 : memref<1x256xi32, #tpu.memory_space<vmem>> -> memref<256xi32, #tpu.memory_space<vmem>>
        %dma_start3A_1199 = tpu.memref_slice %arg3[%add3A_1193] : memref<320000xi32, #tpu.memory_space<hbm>> -> memref<256xi32, #tpu.memory_space<hbm>>
        %dma_start3A_1200 = arith.constant 0 : i32
        %dma_start3A_1201 = tpu.memref_slice %arg7[%sub3A_1195, %dma_start3A_1200] : memref<2x256xi32, #tpu.memory_space<vmem>> -> memref<1x256xi32, #tpu.memory_space<vmem>>
        %dma_start3A_1202 = tpu.memref_squeeze %dma_start3A_1201 : memref<1x256xi32, #tpu.memory_space<vmem>> -> memref<256xi32, #tpu.memory_space<vmem>>
        %dma_start3A_1203 = tpu.memref_slice %arg3[%add3A_1193] : memref<320000xi32, #tpu.memory_space<hbm>> -> memref<256xi32, #tpu.memory_space<hbm>>
        tpu.enqueue_dma source(%dma_start3A_1203 : memref<256xi32, #tpu.memory_space<hbm>>) target(%dma_start3A_1202 : memref<256xi32, #tpu.memory_space<vmem>>) target_semaphore(%arg15 : memref<!tpu.dma_semaphore, #tpu.memory_space<semaphore_mem>>)
        %sub3A_1204 = arith.constant 1 : i32
        %sub3A_1205 = arith.subi %sub3A_1204, %rem3A_109 : i32
        %dma_start3A_1206 = arith.constant 0 : i32
        %dma_start3A_1207 = tpu.memref_slice %arg8[%sub3A_1205, %dma_start3A_1206] : memref<2x256xi32, #tpu.memory_space<vmem>> -> memref<1x256xi32, #tpu.memory_space<vmem>>
        %dma_start3A_1208 = tpu.memref_squeeze %dma_start3A_1207 : memref<1x256xi32, #tpu.memory_space<vmem>> -> memref<256xi32, #tpu.memory_space<vmem>>
        %dma_start3A_1209 = tpu.memref_slice %arg4[%add3A_1193] : memref<320000xi32, #tpu.memory_space<hbm>> -> memref<256xi32, #tpu.memory_space<hbm>>
        %dma_start3A_1210 = arith.constant 0 : i32
        %dma_start3A_1211 = tpu.memref_slice %arg8[%sub3A_1205, %dma_start3A_1210] : memref<2x256xi32, #tpu.memory_space<vmem>> -> memref<1x256xi32, #tpu.memory_space<vmem>>
        %dma_start3A_1212 = tpu.memref_squeeze %dma_start3A_1211 : memref<1x256xi32, #tpu.memory_space<vmem>> -> memref<256xi32, #tpu.memory_space<vmem>>
        %dma_start3A_1213 = tpu.memref_slice %arg4[%add3A_1193] : memref<320000xi32, #tpu.memory_space<hbm>> -> memref<256xi32, #tpu.memory_space<hbm>>
        tpu.enqueue_dma source(%dma_start3A_1213 : memref<256xi32, #tpu.memory_space<hbm>>) target(%dma_start3A_1212 : memref<256xi32, #tpu.memory_space<vmem>>) target_semaphore(%arg15 : memref<!tpu.dma_semaphore, #tpu.memory_space<semaphore_mem>>)
      } else {
      }
      %get3A = arith.index_cast %rem3A_109 : i32 to index
      %get3A_135 = arith.constant 0 : index
      %get3A_136 = tpu.vector_load %arg7[%get3A, %get3A_135] {strides = array<i32>} : memref<2x256xi32, #tpu.memory_space<vmem>>, vector<1x16xi32>,
      %get3A_137 = vector.shape_cast %get3A_136 : vector<1x16xi32> to vector<16xi32>
      %ge3A = arith.constant 20000 : i32
      %ge3A_138 = vector.broadcast %ge3A : i32 to vector<16xi32>
      %ge3A_139 = arith.cmpi sge, %get3A_137, %ge3A_138 : vector<16xi32>
      %sub3A = arith.constant 20000 : i32
      %sub3A_140 = vector.broadcast %sub3A : i32 to vector<16xi32>
      %sub3A_141 = arith.subi %get3A_137, %sub3A_140 : vector<16xi32>
      %select_n3A_142 = arith.select %ge3A_139, %sub3A_141, %get3A_137 : vector<16xi1>, vector<16xi32>
      %ge3A_143 = arith.constant 10000 : i32
      %ge3A_144 = vector.broadcast %ge3A_143 : i32 to vector<16xi32>
      %ge3A_145 = arith.cmpi sge, %select_n3A_142, %ge3A_144 : vector<16xi32>
      %sub3A_146 = arith.constant 10000 : i32
      %sub3A_147 = vector.broadcast %sub3A_146 : i32 to vector<16xi32>
      %sub3A_148 = arith.subi %select_n3A_142, %sub3A_147 : vector<16xi32>
      %select_n3A_149 = arith.select %ge3A_145, %sub3A_148, %select_n3A_142 : vector<16xi1>, vector<16xi32>
      %mul3A_150 = arith.constant 2 : i32
      %mul3A_151 = vector.broadcast %mul3A_150 : i32 to vector<16xi32>
      %mul3A_152 = arith.muli %select_n3A_149, %mul3A_151 : vector<16xi32>
      %add3A_153 = vector.broadcast %arg0 : i32 to vector<16xi32>
      %add3A_154 = arith.addi %mul3A_152, %add3A_153 : vector<16xi32>
      %swap3A = arith.constant 0 : i32
      %swap3A_155 = arith.index_cast %swap3A : i32 to index
      %swap3A_156 = arith.constant 0 : index
      %swap3A_157 = tpu.vector_load %arg9[%swap3A_155, %swap3A_156] {strides = array<i32>} : memref<8x32xi32, #tpu.memory_space<vmem>>, vector<1x16xi32>,
      %swap3A_158 = vector.shape_cast %swap3A_157 : vector<1x16xi32> to vector<16xi32>
      %swap3A_159 = vector.shape_cast %add3A_154 : vector<16xi32> to vector<1x16xi32>
      tpu.vector_store %arg9[%swap3A_155, %swap3A_156], %swap3A_159 {strides = array<i32>} : memref<8x32xi32, #tpu.memory_space<vmem>>, vector<1x16xi32>,
      %get3A_160 = arith.index_cast %rem3A_109 : i32 to index
      %get3A_161 = arith.constant 0 : index
      %get3A_162 = tpu.vector_load %arg8[%get3A_160, %get3A_161] {strides = array<i32>} : memref<2x256xi32, #tpu.memory_space<vmem>>, vector<1x16xi32>,
      %get3A_163 = vector.shape_cast %get3A_162 : vector<1x16xi32> to vector<16xi32>
      %swap3A_164 = arith.constant 0 : i32
      %swap3A_165 = arith.index_cast %swap3A_164 : i32 to index
      %swap3A_166 = arith.constant 0 : index
      %swap3A_167 = tpu.vector_load %arg10[%swap3A_165, %swap3A_166] {strides = array<i32>} : memref<8x32xi32, #tpu.memory_space<vmem>>, vector<1x16xi32>,
      %swap3A_168 = vector.shape_cast %swap3A_167 : vector<1x16xi32> to vector<16xi32>
      %swap3A_169 = vector.shape_cast %get3A_163 : vector<16xi32> to vector<1x16xi32>
      tpu.vector_store %arg10[%swap3A_165, %swap3A_166], %swap3A_169 {strides = array<i32>} : memref<8x32xi32, #tpu.memory_space<vmem>>, vector<1x16xi32>,
      %get3A_170 = arith.index_cast %rem3A_109 : i32 to index
      %get3A_171 = arith.constant 16 : index
      %get3A_172 = tpu.vector_load %arg7[%get3A_170, %get3A_171] {strides = array<i32>} : memref<2x256xi32, #tpu.memory_space<vmem>>, vector<1x16xi32>,
      %get3A_173 = vector.shape_cast %get3A_172 : vector<1x16xi32> to vector<16xi32>
      %ge3A_174 = arith.constant 20000 : i32
      %ge3A_175 = vector.broadcast %ge3A_174 : i32 to vector<16xi32>
      %ge3A_176 = arith.cmpi sge, %get3A_173, %ge3A_175 : vector<16xi32>
      %sub3A_177 = arith.constant 20000 : i32
      %sub3A_178 = vector.broadcast %sub3A_177 : i32 to vector<16xi32>
      %sub3A_179 = arith.subi %get3A_173, %sub3A_178 : vector<16xi32>
      %select_n3A_180 = arith.select %ge3A_176, %sub3A_179, %get3A_173 : vector<16xi1>, vector<16xi32>
      %ge3A_181 = arith.constant 10000 : i32
      %ge3A_182 = vector.broadcast %ge3A_181 : i32 to vector<16xi32>
      %ge3A_183 = arith.cmpi sge, %select_n3A_180, %ge3A_182 : vector<16xi32>
      %sub3A_184 = arith.constant 10000 : i32
      %sub3A_185 = vector.broadcast %sub3A_184 : i32 to vector<16xi32>
      %sub3A_186 = arith.subi %select_n3A_180, %sub3A_185 : vector<16xi32>
      %select_n3A_187 = arith.select %ge3A_183, %sub3A_186, %select_n3A_180 : vector<16xi1>, vector<16xi32>
      %mul3A_188 = arith.constant 2 : i32
      %mul3A_189 = vector.broadcast %mul3A_188 : i32 to vector<16xi32>
      %mul3A_190 = arith.muli %select_n3A_187, %mul3A_189 : vector<16xi32>
      %add3A_191 = vector.broadcast %arg0 : i32 to vector<16xi32>
      %add3A_192 = arith.addi %mul3A_190, %add3A_191 : vector<16xi32>
      %swap3A_193 = arith.constant 0 : i32
      %swap3A_194 = arith.index_cast %swap3A_193 : i32 to index
      %swap3A_195 = arith.constant 16 : index
      %swap3A_196 = tpu.vector_load %arg9[%swap3A_194, %swap3A_195] {strides = array<i32>} : memref<8x32xi32, #tpu.memory_space<vmem>>, vector<1x16xi32>,
      %swap3A_197 = vector.shape_cast %swap3A_196 : vector<1x16xi32> to vector<16xi32>
      %swap3A_198 = vector.shape_cast %add3A_192 : vector<16xi32> to vector<1x16xi32>
      tpu.vector_store %arg9[%swap3A_194, %swap3A_195], %swap3A_198 {strides = array<i32>} : memref<8x32xi32, #tpu.memory_space<vmem>>, vector<1x16xi32>,
      %get3A_199 = arith.index_cast %rem3A_109 : i32 to index
      %get3A_200 = arith.constant 16 : index
      %get3A_201 = tpu.vector_load %arg8[%get3A_199, %get3A_200] {strides = array<i32>} : memref<2x256xi32, #tpu.memory_space<vmem>>, vector<1x16xi32>,
      %get3A_202 = vector.shape_cast %get3A_201 : vector<1x16xi32> to vector<16xi32>
      %swap3A_203 = arith.constant 0 : i32
      %swap3A_204 = arith.index_cast %swap3A_203 : i32 to index
      %swap3A_205 = arith.constant 16 : index
      %swap3A_206 = tpu.vector_load %arg10[%swap3A_204, %swap3A_205] {strides = array<i32>} : memref<8x32xi32, #tpu.memory_space<vmem>>, vector<1x16xi32>,
      %swap3A_207 = vector.shape_cast %swap3A_206 : vector<1x16xi32> to vector<16xi32>
      %swap3A_208 = vector.shape_cast %get3A_202 : vector<16xi32> to vector<1x16xi32>
      tpu.vector_store %arg10[%swap3A_204, %swap3A_205], %swap3A_208 {strides = array<i32>} : memref<8x32xi32, #tpu.memory_space<vmem>>, vector<1x16xi32>,
      %get3A_209 = arith.index_cast %rem3A_109 : i32 to index
      %get3A_210 = arith.constant 32 : index
      %get3A_211 = tpu.vector_load %arg7[%get3A_209, %get3A_210] {strides = array<i32>} : memref<2x256xi32, #tpu.memory_space<vmem>>, vector<1x16xi32>,
      %get3A_212 = vector.shape_cast %get3A_211 : vector<1x16xi32> to vector<16xi32>
      %ge3A_213 = arith.constant 20000 : i32
      %ge3A_214 = vector.broadcast %ge3A_213 : i32 to vector<16xi32>
      %ge3A_215 = arith.cmpi sge, %get3A_212, %ge3A_214 : vector<16xi32>
      %sub3A_216 = arith.constant 20000 : i32
      %sub3A_217 = vector.broadcast %sub3A_216 : i32 to vector<16xi32>
      %sub3A_218 = arith.subi %get3A_212, %sub3A_217 : vector<16xi32>
      %select_n3A_219 = arith.select %ge3A_215, %sub3A_218, %get3A_212 : vector<16xi1>, vector<16xi32>
      %ge3A_220 = arith.constant 10000 : i32
      %ge3A_221 = vector.broadcast %ge3A_220 : i32 to vector<16xi32>
      %ge3A_222 = arith.cmpi sge, %select_n3A_219, %ge3A_221 : vector<16xi32>
      %sub3A_223 = arith.constant 10000 : i32
      %sub3A_224 = vector.broadcast %sub3A_223 : i32 to vector<16xi32>
      %sub3A_225 = arith.subi %select_n3A_219, %sub3A_224 : vector<16xi32>
      %select_n3A_226 = arith.select %ge3A_222, %sub3A_225, %select_n3A_219 : vector<16xi1>, vector<16xi32>
      %mul3A_227 = arith.constant 2 : i32
      %mul3A_228 = vector.broadcast %mul3A_227 : i32 to vector<16xi32>
      %mul3A_229 = arith.muli %select_n3A_226, %mul3A_228 : vector<16xi32>
      %add3A_230 = vector.broadcast %arg0 : i32 to vector<16xi32>
      %add3A_231 = arith.addi %mul3A_229, %add3A_230 : vector<16xi32>
      %swap3A_232 = arith.constant 1 : i32
      %swap3A_233 = arith.index_cast %swap3A_232 : i32 to index
      %swap3A_234 = arith.constant 0 : index
      %swap3A_235 = tpu.vector_load %arg9[%swap3A_233, %swap3A_234] {strides = array<i32>} : memref<8x32xi32, #tpu.memory_space<vmem>>, vector<1x16xi32>,
      %swap3A_236 = vector.shape_cast %swap3A_235 : vector<1x16xi32> to vector<16xi32>
      %swap3A_237 = vector.shape_cast %add3A_231 : vector<16xi32> to vector<1x16xi32>
      tpu.vector_store %arg9[%swap3A_233, %swap3A_234], %swap3A_237 {strides = array<i32>} : memref<8x32xi32, #tpu.memory_space<vmem>>, vector<1x16xi32>,
      %get3A_238 = arith.index_cast %rem3A_109 : i32 to index
      %get3A_239 = arith.constant 32 : index
      %get3A_240 = tpu.vector_load %arg8[%get3A_238, %get3A_239] {strides = array<i32>} : memref<2x256xi32, #tpu.memory_space<vmem>>, vector<1x16xi32>,
      %get3A_241 = vector.shape_cast %get3A_240 : vector<1x16xi32> to vector<16xi32>
      %swap3A_242 = arith.constant 1 : i32
      %swap3A_243 = arith.index_cast %swap3A_242 : i32 to index
      %swap3A_244 = arith.constant 0 : index
      %swap3A_245 = tpu.vector_load %arg10[%swap3A_243, %swap3A_244] {strides = array<i32>} : memref<8x32xi32, #tpu.memory_space<vmem>>, vector<1x16xi32>,
      %swap3A_246 = vector.shape_cast %swap3A_245 : vector<1x16xi32> to vector<16xi32>
      %swap3A_247 = vector.shape_cast %get3A_241 : vector<16xi32> to vector<1x16xi32>
      tpu.vector_store %arg10[%swap3A_243, %swap3A_244], %swap3A_247 {strides = array<i32>} : memref<8x32xi32, #tpu.memory_space<vmem>>, vector<1x16xi32>,
      %get3A_248 = arith.index_cast %rem3A_109 : i32 to index
      %get3A_249 = arith.constant 48 : index
      %get3A_250 = tpu.vector_load %arg7[%get3A_248, %get3A_249] {strides = array<i32>} : memref<2x256xi32, #tpu.memory_space<vmem>>, vector<1x16xi32>,
      %get3A_251 = vector.shape_cast %get3A_250 : vector<1x16xi32> to vector<16xi32>
      %ge3A_252 = arith.constant 20000 : i32
      %ge3A_253 = vector.broadcast %ge3A_252 : i32 to vector<16xi32>
      %ge3A_254 = arith.cmpi sge, %get3A_251, %ge3A_253 : vector<16xi32>
      %sub3A_255 = arith.constant 20000 : i32
      %sub3A_256 = vector.broadcast %sub3A_255 : i32 to vector<16xi32>
      %sub3A_257 = arith.subi %get3A_251, %sub3A_256 : vector<16xi32>
      %select_n3A_258 = arith.select %ge3A_254, %sub3A_257, %get3A_251 : vector<16xi1>, vector<16xi32>
      %ge3A_259 = arith.constant 10000 : i32
      %ge3A_260 = vector.broadcast %ge3A_259 : i32 to vector<16xi32>
      %ge3A_261 = arith.cmpi sge, %select_n3A_258, %ge3A_260 : vector<16xi32>
      %sub3A_262 = arith.constant 10000 : i32
      %sub3A_263 = vector.broadcast %sub3A_262 : i32 to vector<16xi32>
      %sub3A_264 = arith.subi %select_n3A_258, %sub3A_263 : vector<16xi32>
      %select_n3A_265 = arith.select %ge3A_261, %sub3A_264, %select_n3A_258 : vector<16xi1>, vector<16xi32>
      %mul3A_266 = arith.constant 2 : i32
      %mul3A_267 = vector.broadcast %mul3A_266 : i32 to vector<16xi32>
      %mul3A_268 = arith.muli %select_n3A_265, %mul3A_267 : vector<16xi32>
      %add3A_269 = vector.broadcast %arg0 : i32 to vector<16xi32>
      %add3A_270 = arith.addi %mul3A_268, %add3A_269 : vector<16xi32>
      %swap3A_271 = arith.constant 1 : i32
      %swap3A_272 = arith.index_cast %swap3A_271 : i32 to index
      %swap3A_273 = arith.constant 16 : index
      %swap3A_274 = tpu.vector_load %arg9[%swap3A_272, %swap3A_273] {strides = array<i32>} : memref<8x32xi32, #tpu.memory_space<vmem>>, vector<1x16xi32>,
      %swap3A_275 = vector.shape_cast %swap3A_274 : vector<1x16xi32> to vector<16xi32>
      %swap3A_276 = vector.shape_cast %add3A_270 : vector<16xi32> to vector<1x16xi32>
      tpu.vector_store %arg9[%swap3A_272, %swap3A_273], %swap3A_276 {strides = array<i32>} : memref<8x32xi32, #tpu.memory_space<vmem>>, vector<1x16xi32>,
      %get3A_277 = arith.index_cast %rem3A_109 : i32 to index
      %get3A_278 = arith.constant 48 : index
      %get3A_279 = tpu.vector_load %arg8[%get3A_277, %get3A_278] {strides = array<i32>} : memref<2x256xi32, #tpu.memory_space<vmem>>, vector<1x16xi32>,
      %get3A_280 = vector.shape_cast %get3A_279 : vector<1x16xi32> to vector<16xi32>
      %swap3A_281 = arith.constant 1 : i32
      %swap3A_282 = arith.index_cast %swap3A_281 : i32 to index
      %swap3A_283 = arith.constant 16 : index
      %swap3A_284 = tpu.vector_load %arg10[%swap3A_282, %swap3A_283] {strides = array<i32>} : memref<8x32xi32, #tpu.memory_space<vmem>>, vector<1x16xi32>,
      %swap3A_285 = vector.shape_cast %swap3A_284 : vector<1x16xi32> to vector<16xi32>
      %swap3A_286 = vector.shape_cast %get3A_280 : vector<16xi32> to vector<1x16xi32>
      tpu.vector_store %arg10[%swap3A_282, %swap3A_283], %swap3A_286 {strides = array<i32>} : memref<8x32xi32, #tpu.memory_space<vmem>>, vector<1x16xi32>,
      %get3A_287 = arith.index_cast %rem3A_109 : i32 to index
      %get3A_288 = arith.constant 64 : index
      %get3A_289 = tpu.vector_load %arg7[%get3A_287, %get3A_288] {strides = array<i32>} : memref<2x256xi32, #tpu.memory_space<vmem>>, vector<1x16xi32>,
      %get3A_290 = vector.shape_cast %get3A_289 : vector<1x16xi32> to vector<16xi32>
      %ge3A_291 = arith.constant 20000 : i32
      %ge3A_292 = vector.broadcast %ge3A_291 : i32 to vector<16xi32>
      %ge3A_293 = arith.cmpi sge, %get3A_290, %ge3A_292 : vector<16xi32>
      %sub3A_294 = arith.constant 20000 : i32
      %sub3A_295 = vector.broadcast %sub3A_294 : i32 to vector<16xi32>
      %sub3A_296 = arith.subi %get3A_290, %sub3A_295 : vector<16xi32>
      %select_n3A_297 = arith.select %ge3A_293, %sub3A_296, %get3A_290 : vector<16xi1>, vector<16xi32>
      %ge3A_298 = arith.constant 10000 : i32
      %ge3A_299 = vector.broadcast %ge3A_298 : i32 to vector<16xi32>
      %ge3A_300 = arith.cmpi sge, %select_n3A_297, %ge3A_299 : vector<16xi32>
      %sub3A_301 = arith.constant 10000 : i32
      %sub3A_302 = vector.broadcast %sub3A_301 : i32 to vector<16xi32>
      %sub3A_303 = arith.subi %select_n3A_297, %sub3A_302 : vector<16xi32>
      %select_n3A_304 = arith.select %ge3A_300, %sub3A_303, %select_n3A_297 : vector<16xi1>, vector<16xi32>
      %mul3A_305 = arith.constant 2 : i32
      %mul3A_306 = vector.broadcast %mul3A_305 : i32 to vector<16xi32>
      %mul3A_307 = arith.muli %select_n3A_304, %mul3A_306 : vector<16xi32>
      %add3A_308 = vector.broadcast %arg0 : i32 to vector<16xi32>
      %add3A_309 = arith.addi %mul3A_307, %add3A_308 : vector<16xi32>
      %swap3A_310 = arith.constant 2 : i32
      %swap3A_311 = arith.index_cast %swap3A_310 : i32 to index
      %swap3A_312 = arith.constant 0 : index
      %swap3A_313 = tpu.vector_load %arg9[%swap3A_311, %swap3A_312] {strides = array<i32>} : memref<8x32xi32, #tpu.memory_space<vmem>>, vector<1x16xi32>,
      %swap3A_314 = vector.shape_cast %swap3A_313 : vector<1x16xi32> to vector<16xi32>
      %swap3A_315 = vector.shape_cast %add3A_309 : vector<16xi32> to vector<1x16xi32>
      tpu.vector_store %arg9[%swap3A_311, %swap3A_312], %swap3A_315 {strides = array<i32>} : memref<8x32xi32, #tpu.memory_space<vmem>>, vector<1x16xi32>,
      %get3A_316 = arith.index_cast %rem3A_109 : i32 to index
      %get3A_317 = arith.constant 64 : index
      %get3A_318 = tpu.vector_load %arg8[%get3A_316, %get3A_317] {strides = array<i32>} : memref<2x256xi32, #tpu.memory_space<vmem>>, vector<1x16xi32>,
      %get3A_319 = vector.shape_cast %get3A_318 : vector<1x16xi32> to vector<16xi32>
      %swap3A_320 = arith.constant 2 : i32
      %swap3A_321 = arith.index_cast %swap3A_320 : i32 to index
      %swap3A_322 = arith.constant 0 : index
      %swap3A_323 = tpu.vector_load %arg10[%swap3A_321, %swap3A_322] {strides = array<i32>} : memref<8x32xi32, #tpu.memory_space<vmem>>, vector<1x16xi32>,
      %swap3A_324 = vector.shape_cast %swap3A_323 : vector<1x16xi32> to vector<16xi32>
      %swap3A_325 = vector.shape_cast %get3A_319 : vector<16xi32> to vector<1x16xi32>
      tpu.vector_store %arg10[%swap3A_321, %swap3A_322], %swap3A_325 {strides = array<i32>} : memref<8x32xi32, #tpu.memory_space<vmem>>, vector<1x16xi32>,
      %get3A_326 = arith.index_cast %rem3A_109 : i32 to index
      %get3A_327 = arith.constant 80 : index
      %get3A_328 = tpu.vector_load %arg7[%get3A_326, %get3A_327] {strides = array<i32>} : memref<2x256xi32, #tpu.memory_space<vmem>>, vector<1x16xi32>,
      %get3A_329 = vector.shape_cast %get3A_328 : vector<1x16xi32> to vector<16xi32>
      %ge3A_330 = arith.constant 20000 : i32
      %ge3A_331 = vector.broadcast %ge3A_330 : i32 to vector<16xi32>
      %ge3A_332 = arith.cmpi sge, %get3A_329, %ge3A_331 : vector<16xi32>
      %sub3A_333 = arith.constant 20000 : i32
      %sub3A_334 = vector.broadcast %sub3A_333 : i32 to vector<16xi32>
      %sub3A_335 = arith.subi %get3A_329, %sub3A_334 : vector<16xi32>
      %select_n3A_336 = arith.select %ge3A_332, %sub3A_335, %get3A_329 : vector<16xi1>, vector<16xi32>
      %ge3A_337 = arith.constant 10000 : i32
      %ge3A_338 = vector.broadcast %ge3A_337 : i32 to vector<16xi32>
      %ge3A_339 = arith.cmpi sge, %select_n3A_336, %ge3A_338 : vector<16xi32>
      %sub3A_340 = arith.constant 10000 : i32
      %sub3A_341 = vector.broadcast %sub3A_340 : i32 to vector<16xi32>
      %sub3A_342 = arith.subi %select_n3A_336, %sub3A_341 : vector<16xi32>
      %select_n3A_343 = arith.select %ge3A_339, %sub3A_342, %select_n3A_336 : vector<16xi1>, vector<16xi32>
      %mul3A_344 = arith.constant 2 : i32
      %mul3A_345 = vector.broadcast %mul3A_344 : i32 to vector<16xi32>
      %mul3A_346 = arith.muli %select_n3A_343, %mul3A_345 : vector<16xi32>
      %add3A_347 = vector.broadcast %arg0 : i32 to vector<16xi32>
      %add3A_348 = arith.addi %mul3A_346, %add3A_347 : vector<16xi32>
      %swap3A_349 = arith.constant 2 : i32
      %swap3A_350 = arith.index_cast %swap3A_349 : i32 to index
      %swap3A_351 = arith.constant 16 : index
      %swap3A_352 = tpu.vector_load %arg9[%swap3A_350, %swap3A_351] {strides = array<i32>} : memref<8x32xi32, #tpu.memory_space<vmem>>, vector<1x16xi32>,
      %swap3A_353 = vector.shape_cast %swap3A_352 : vector<1x16xi32> to vector<16xi32>
      %swap3A_354 = vector.shape_cast %add3A_348 : vector<16xi32> to vector<1x16xi32>
      tpu.vector_store %arg9[%swap3A_350, %swap3A_351], %swap3A_354 {strides = array<i32>} : memref<8x32xi32, #tpu.memory_space<vmem>>, vector<1x16xi32>,
      %get3A_355 = arith.index_cast %rem3A_109 : i32 to index
      %get3A_356 = arith.constant 80 : index
      %get3A_357 = tpu.vector_load %arg8[%get3A_355, %get3A_356] {strides = array<i32>} : memref<2x256xi32, #tpu.memory_space<vmem>>, vector<1x16xi32>,
      %get3A_358 = vector.shape_cast %get3A_357 : vector<1x16xi32> to vector<16xi32>
      %swap3A_359 = arith.constant 2 : i32
      %swap3A_360 = arith.index_cast %swap3A_359 : i32 to index
      %swap3A_361 = arith.constant 16 : index
      %swap3A_362 = tpu.vector_load %arg10[%swap3A_360, %swap3A_361] {strides = array<i32>} : memref<8x32xi32, #tpu.memory_space<vmem>>, vector<1x16xi32>,
      %swap3A_363 = vector.shape_cast %swap3A_362 : vector<1x16xi32> to vector<16xi32>
      %swap3A_364 = vector.shape_cast %get3A_358 : vector<16xi32> to vector<1x16xi32>
      tpu.vector_store %arg10[%swap3A_360, %swap3A_361], %swap3A_364 {strides = array<i32>} : memref<8x32xi32, #tpu.memory_space<vmem>>, vector<1x16xi32>,
      %get3A_365 = arith.index_cast %rem3A_109 : i32 to index
      %get3A_366 = arith.constant 96 : index
      %get3A_367 = tpu.vector_load %arg7[%get3A_365, %get3A_366] {strides = array<i32>} : memref<2x256xi32, #tpu.memory_space<vmem>>, vector<1x16xi32>,
      %get3A_368 = vector.shape_cast %get3A_367 : vector<1x16xi32> to vector<16xi32>
      %ge3A_369 = arith.constant 20000 : i32
      %ge3A_370 = vector.broadcast %ge3A_369 : i32 to vector<16xi32>
      %ge3A_371 = arith.cmpi sge, %get3A_368, %ge3A_370 : vector<16xi32>
      %sub3A_372 = arith.constant 20000 : i32
      %sub3A_373 = vector.broadcast %sub3A_372 : i32 to vector<16xi32>
      %sub3A_374 = arith.subi %get3A_368, %sub3A_373 : vector<16xi32>
      %select_n3A_375 = arith.select %ge3A_371, %sub3A_374, %get3A_368 : vector<16xi1>, vector<16xi32>
      %ge3A_376 = arith.constant 10000 : i32
      %ge3A_377 = vector.broadcast %ge3A_376 : i32 to vector<16xi32>
      %ge3A_378 = arith.cmpi sge, %select_n3A_375, %ge3A_377 : vector<16xi32>
      %sub3A_379 = arith.constant 10000 : i32
      %sub3A_380 = vector.broadcast %sub3A_379 : i32 to vector<16xi32>
      %sub3A_381 = arith.subi %select_n3A_375, %sub3A_380 : vector<16xi32>
      %select_n3A_382 = arith.select %ge3A_378, %sub3A_381, %select_n3A_375 : vector<16xi1>, vector<16xi32>
      %mul3A_383 = arith.constant 2 : i32
      %mul3A_384 = vector.broadcast %mul3A_383 : i32 to vector<16xi32>
      %mul3A_385 = arith.muli %select_n3A_382, %mul3A_384 : vector<16xi32>
      %add3A_386 = vector.broadcast %arg0 : i32 to vector<16xi32>
      %add3A_387 = arith.addi %mul3A_385, %add3A_386 : vector<16xi32>
      %swap3A_388 = arith.constant 3 : i32
      %swap3A_389 = arith.index_cast %swap3A_388 : i32 to index
      %swap3A_390 = arith.constant 0 : index
      %swap3A_391 = tpu.vector_load %arg9[%swap3A_389, %swap3A_390] {strides = array<i32>} : memref<8x32xi32, #tpu.memory_space<vmem>>, vector<1x16xi32>,
      %swap3A_392 = vector.shape_cast %swap3A_391 : vector<1x16xi32> to vector<16xi32>
      %swap3A_393 = vector.shape_cast %add3A_387 : vector<16xi32> to vector<1x16xi32>
      tpu.vector_store %arg9[%swap3A_389, %swap3A_390], %swap3A_393 {strides = array<i32>} : memref<8x32xi32, #tpu.memory_space<vmem>>, vector<1x16xi32>,
      %get3A_394 = arith.index_cast %rem3A_109 : i32 to index
      %get3A_395 = arith.constant 96 : index
      %get3A_396 = tpu.vector_load %arg8[%get3A_394, %get3A_395] {strides = array<i32>} : memref<2x256xi32, #tpu.memory_space<vmem>>, vector<1x16xi32>,
      %get3A_397 = vector.shape_cast %get3A_396 : vector<1x16xi32> to vector<16xi32>
      %swap3A_398 = arith.constant 3 : i32
      %swap3A_399 = arith.index_cast %swap3A_398 : i32 to index
      %swap3A_400 = arith.constant 0 : index
      %swap3A_401 = tpu.vector_load %arg10[%swap3A_399, %swap3A_400] {strides = array<i32>} : memref<8x32xi32, #tpu.memory_space<vmem>>, vector<1x16xi32>,
      %swap3A_402 = vector.shape_cast %swap3A_401 : vector<1x16xi32> to vector<16xi32>
      %swap3A_403 = vector.shape_cast %get3A_397 : vector<16xi32> to vector<1x16xi32>
      tpu.vector_store %arg10[%swap3A_399, %swap3A_400], %swap3A_403 {strides = array<i32>} : memref<8x32xi32, #tpu.memory_space<vmem>>, vector<1x16xi32>,
      %get3A_404 = arith.index_cast %rem3A_109 : i32 to index
      %get3A_405 = arith.constant 112 : index
      %get3A_406 = tpu.vector_load %arg7[%get3A_404, %get3A_405] {strides = array<i32>} : memref<2x256xi32, #tpu.memory_space<vmem>>, vector<1x16xi32>,
      %get3A_407 = vector.shape_cast %get3A_406 : vector<1x16xi32> to vector<16xi32>
      %ge3A_408 = arith.constant 20000 : i32
      %ge3A_409 = vector.broadcast %ge3A_408 : i32 to vector<16xi32>
      %ge3A_410 = arith.cmpi sge, %get3A_407, %ge3A_409 : vector<16xi32>
      %sub3A_411 = arith.constant 20000 : i32
      %sub3A_412 = vector.broadcast %sub3A_411 : i32 to vector<16xi32>
      %sub3A_413 = arith.subi %get3A_407, %sub3A_412 : vector<16xi32>
      %select_n3A_414 = arith.select %ge3A_410, %sub3A_413, %get3A_407 : vector<16xi1>, vector<16xi32>
      %ge3A_415 = arith.constant 10000 : i32
      %ge3A_416 = vector.broadcast %ge3A_415 : i32 to vector<16xi32>
      %ge3A_417 = arith.cmpi sge, %select_n3A_414, %ge3A_416 : vector<16xi32>
      %sub3A_418 = arith.constant 10000 : i32
      %sub3A_419 = vector.broadcast %sub3A_418 : i32 to vector<16xi32>
      %sub3A_420 = arith.subi %select_n3A_414, %sub3A_419 : vector<16xi32>
      %select_n3A_421 = arith.select %ge3A_417, %sub3A_420, %select_n3A_414 : vector<16xi1>, vector<16xi32>
      %mul3A_422 = arith.constant 2 : i32
      %mul3A_423 = vector.broadcast %mul3A_422 : i32 to vector<16xi32>
      %mul3A_424 = arith.muli %select_n3A_421, %mul3A_423 : vector<16xi32>
      %add3A_425 = vector.broadcast %arg0 : i32 to vector<16xi32>
      %add3A_426 = arith.addi %mul3A_424, %add3A_425 : vector<16xi32>
      %swap3A_427 = arith.constant 3 : i32
      %swap3A_428 = arith.index_cast %swap3A_427 : i32 to index
      %swap3A_429 = arith.constant 16 : index
      %swap3A_430 = tpu.vector_load %arg9[%swap3A_428, %swap3A_429] {strides = array<i32>} : memref<8x32xi32, #tpu.memory_space<vmem>>, vector<1x16xi32>,
      %swap3A_431 = vector.shape_cast %swap3A_430 : vector<1x16xi32> to vector<16xi32>
      %swap3A_432 = vector.shape_cast %add3A_426 : vector<16xi32> to vector<1x16xi32>
      tpu.vector_store %arg9[%swap3A_428, %swap3A_429], %swap3A_432 {strides = array<i32>} : memref<8x32xi32, #tpu.memory_space<vmem>>, vector<1x16xi32>,
      %get3A_433 = arith.index_cast %rem3A_109 : i32 to index
      %get3A_434 = arith.constant 112 : index
      %get3A_435 = tpu.vector_load %arg8[%get3A_433, %get3A_434] {strides = array<i32>} : memref<2x256xi32, #tpu.memory_space<vmem>>, vector<1x16xi32>,
      %get3A_436 = vector.shape_cast %get3A_435 : vector<1x16xi32> to vector<16xi32>
      %swap3A_437 = arith.constant 3 : i32
      %swap3A_438 = arith.index_cast %swap3A_437 : i32 to index
      %swap3A_439 = arith.constant 16 : index
      %swap3A_440 = tpu.vector_load %arg10[%swap3A_438, %swap3A_439] {strides = array<i32>} : memref<8x32xi32, #tpu.memory_space<vmem>>, vector<1x16xi32>,
      %swap3A_441 = vector.shape_cast %swap3A_440 : vector<1x16xi32> to vector<16xi32>
      %swap3A_442 = vector.shape_cast %get3A_436 : vector<16xi32> to vector<1x16xi32>
      tpu.vector_store %arg10[%swap3A_438, %swap3A_439], %swap3A_442 {strides = array<i32>} : memref<8x32xi32, #tpu.memory_space<vmem>>, vector<1x16xi32>,
      %get3A_443 = arith.index_cast %rem3A_109 : i32 to index
      %get3A_444 = arith.constant 128 : index
      %get3A_445 = tpu.vector_load %arg7[%get3A_443, %get3A_444] {strides = array<i32>} : memref<2x256xi32, #tpu.memory_space<vmem>>, vector<1x16xi32>,
      %get3A_446 = vector.shape_cast %get3A_445 : vector<1x16xi32> to vector<16xi32>
      %ge3A_447 = arith.constant 20000 : i32
      %ge3A_448 = vector.broadcast %ge3A_447 : i32 to vector<16xi32>
      %ge3A_449 = arith.cmpi sge, %get3A_446, %ge3A_448 : vector<16xi32>
      %sub3A_450 = arith.constant 20000 : i32
      %sub3A_451 = vector.broadcast %sub3A_450 : i32 to vector<16xi32>
      %sub3A_452 = arith.subi %get3A_446, %sub3A_451 : vector<16xi32>
      %select_n3A_453 = arith.select %ge3A_449, %sub3A_452, %get3A_446 : vector<16xi1>, vector<16xi32>
      %ge3A_454 = arith.constant 10000 : i32
      %ge3A_455 = vector.broadcast %ge3A_454 : i32 to vector<16xi32>
      %ge3A_456 = arith.cmpi sge, %select_n3A_453, %ge3A_455 : vector<16xi32>
      %sub3A_457 = arith.constant 10000 : i32
      %sub3A_458 = vector.broadcast %sub3A_457 : i32 to vector<16xi32>
      %sub3A_459 = arith.subi %select_n3A_453, %sub3A_458 : vector<16xi32>
      %select_n3A_460 = arith.select %ge3A_456, %sub3A_459, %select_n3A_453 : vector<16xi1>, vector<16xi32>
      %mul3A_461 = arith.constant 2 : i32
      %mul3A_462 = vector.broadcast %mul3A_461 : i32 to vector<16xi32>
      %mul3A_463 = arith.muli %select_n3A_460, %mul3A_462 : vector<16xi32>
      %add3A_464 = vector.broadcast %arg0 : i32 to vector<16xi32>
      %add3A_465 = arith.addi %mul3A_463, %add3A_464 : vector<16xi32>
      %swap3A_466 = arith.constant 4 : i32
      %swap3A_467 = arith.index_cast %swap3A_466 : i32 to index
      %swap3A_468 = arith.constant 0 : index
      %swap3A_469 = tpu.vector_load %arg9[%swap3A_467, %swap3A_468] {strides = array<i32>} : memref<8x32xi32, #tpu.memory_space<vmem>>, vector<1x16xi32>,
      %swap3A_470 = vector.shape_cast %swap3A_469 : vector<1x16xi32> to vector<16xi32>
      %swap3A_471 = vector.shape_cast %add3A_465 : vector<16xi32> to vector<1x16xi32>
      tpu.vector_store %arg9[%swap3A_467, %swap3A_468], %swap3A_471 {strides = array<i32>} : memref<8x32xi32, #tpu.memory_space<vmem>>, vector<1x16xi32>,
      %get3A_472 = arith.index_cast %rem3A_109 : i32 to index
      %get3A_473 = arith.constant 128 : index
      %get3A_474 = tpu.vector_load %arg8[%get3A_472, %get3A_473] {strides = array<i32>} : memref<2x256xi32, #tpu.memory_space<vmem>>, vector<1x16xi32>,
      %get3A_475 = vector.shape_cast %get3A_474 : vector<1x16xi32> to vector<16xi32>
      %swap3A_476 = arith.constant 4 : i32
      %swap3A_477 = arith.index_cast %swap3A_476 : i32 to index
      %swap3A_478 = arith.constant 0 : index
      %swap3A_479 = tpu.vector_load %arg10[%swap3A_477, %swap3A_478] {strides = array<i32>} : memref<8x32xi32, #tpu.memory_space<vmem>>, vector<1x16xi32>,
      %swap3A_480 = vector.shape_cast %swap3A_479 : vector<1x16xi32> to vector<16xi32>
      %swap3A_481 = vector.shape_cast %get3A_475 : vector<16xi32> to vector<1x16xi32>
      tpu.vector_store %arg10[%swap3A_477, %swap3A_478], %swap3A_481 {strides = array<i32>} : memref<8x32xi32, #tpu.memory_space<vmem>>, vector<1x16xi32>,
      %get3A_482 = arith.index_cast %rem3A_109 : i32 to index
      %get3A_483 = arith.constant 144 : index
      %get3A_484 = tpu.vector_load %arg7[%get3A_482, %get3A_483] {strides = array<i32>} : memref<2x256xi32, #tpu.memory_space<vmem>>, vector<1x16xi32>,
      %get3A_485 = vector.shape_cast %get3A_484 : vector<1x16xi32> to vector<16xi32>
      %ge3A_486 = arith.constant 20000 : i32
      %ge3A_487 = vector.broadcast %ge3A_486 : i32 to vector<16xi32>
      %ge3A_488 = arith.cmpi sge, %get3A_485, %ge3A_487 : vector<16xi32>
      %sub3A_489 = arith.constant 20000 : i32
      %sub3A_490 = vector.broadcast %sub3A_489 : i32 to vector<16xi32>
      %sub3A_491 = arith.subi %get3A_485, %sub3A_490 : vector<16xi32>
      %select_n3A_492 = arith.select %ge3A_488, %sub3A_491, %get3A_485 : vector<16xi1>, vector<16xi32>
      %ge3A_493 = arith.constant 10000 : i32
      %ge3A_494 = vector.broadcast %ge3A_493 : i32 to vector<16xi32>
      %ge3A_495 = arith.cmpi sge, %select_n3A_492, %ge3A_494 : vector<16xi32>
      %sub3A_496 = arith.constant 10000 : i32
      %sub3A_497 = vector.broadcast %sub3A_496 : i32 to vector<16xi32>
      %sub3A_498 = arith.subi %select_n3A_492, %sub3A_497 : vector<16xi32>
      %select_n3A_499 = arith.select %ge3A_495, %sub3A_498, %select_n3A_492 : vector<16xi1>, vector<16xi32>
      %mul3A_500 = arith.constant 2 : i32
      %mul3A_501 = vector.broadcast %mul3A_500 : i32 to vector<16xi32>
      %mul3A_502 = arith.muli %select_n3A_499, %mul3A_501 : vector<16xi32>
      %add3A_503 = vector.broadcast %arg0 : i32 to vector<16xi32>
      %add3A_504 = arith.addi %mul3A_502, %add3A_503 : vector<16xi32>
      %swap3A_505 = arith.constant 4 : i32
      %swap3A_506 = arith.index_cast %swap3A_505 : i32 to index
      %swap3A_507 = arith.constant 16 : index
      %swap3A_508 = tpu.vector_load %arg9[%swap3A_506, %swap3A_507] {strides = array<i32>} : memref<8x32xi32, #tpu.memory_space<vmem>>, vector<1x16xi32>,
      %swap3A_509 = vector.shape_cast %swap3A_508 : vector<1x16xi32> to vector<16xi32>
      %swap3A_510 = vector.shape_cast %add3A_504 : vector<16xi32> to vector<1x16xi32>
      tpu.vector_store %arg9[%swap3A_506, %swap3A_507], %swap3A_510 {strides = array<i32>} : memref<8x32xi32, #tpu.memory_space<vmem>>, vector<1x16xi32>,
      %get3A_511 = arith.index_cast %rem3A_109 : i32 to index
      %get3A_512 = arith.constant 144 : index
      %get3A_513 = tpu.vector_load %arg8[%get3A_511, %get3A_512] {strides = array<i32>} : memref<2x256xi32, #tpu.memory_space<vmem>>, vector<1x16xi32>,
      %get3A_514 = vector.shape_cast %get3A_513 : vector<1x16xi32> to vector<16xi32>
      %swap3A_515 = arith.constant 4 : i32
      %swap3A_516 = arith.index_cast %swap3A_515 : i32 to index
      %swap3A_517 = arith.constant 16 : index
      %swap3A_518 = tpu.vector_load %arg10[%swap3A_516, %swap3A_517] {strides = array<i32>} : memref<8x32xi32, #tpu.memory_space<vmem>>, vector<1x16xi32>,
      %swap3A_519 = vector.shape_cast %swap3A_518 : vector<1x16xi32> to vector<16xi32>
      %swap3A_520 = vector.shape_cast %get3A_514 : vector<16xi32> to vector<1x16xi32>
      tpu.vector_store %arg10[%swap3A_516, %swap3A_517], %swap3A_520 {strides = array<i32>} : memref<8x32xi32, #tpu.memory_space<vmem>>, vector<1x16xi32>,
      %get3A_521 = arith.index_cast %rem3A_109 : i32 to index
      %get3A_522 = arith.constant 160 : index
      %get3A_523 = tpu.vector_load %arg7[%get3A_521, %get3A_522] {strides = array<i32>} : memref<2x256xi32, #tpu.memory_space<vmem>>, vector<1x16xi32>,
      %get3A_524 = vector.shape_cast %get3A_523 : vector<1x16xi32> to vector<16xi32>
      %ge3A_525 = arith.constant 20000 : i32
      %ge3A_526 = vector.broadcast %ge3A_525 : i32 to vector<16xi32>
      %ge3A_527 = arith.cmpi sge, %get3A_524, %ge3A_526 : vector<16xi32>
      %sub3A_528 = arith.constant 20000 : i32
      %sub3A_529 = vector.broadcast %sub3A_528 : i32 to vector<16xi32>
      %sub3A_530 = arith.subi %get3A_524, %sub3A_529 : vector<16xi32>
      %select_n3A_531 = arith.select %ge3A_527, %sub3A_530, %get3A_524 : vector<16xi1>, vector<16xi32>
      %ge3A_532 = arith.constant 10000 : i32
      %ge3A_533 = vector.broadcast %ge3A_532 : i32 to vector<16xi32>
      %ge3A_534 = arith.cmpi sge, %select_n3A_531, %ge3A_533 : vector<16xi32>
      %sub3A_535 = arith.constant 10000 : i32
      %sub3A_536 = vector.broadcast %sub3A_535 : i32 to vector<16xi32>
      %sub3A_537 = arith.subi %select_n3A_531, %sub3A_536 : vector<16xi32>
      %select_n3A_538 = arith.select %ge3A_534, %sub3A_537, %select_n3A_531 : vector<16xi1>, vector<16xi32>
      %mul3A_539 = arith.constant 2 : i32
      %mul3A_540 = vector.broadcast %mul3A_539 : i32 to vector<16xi32>
      %mul3A_541 = arith.muli %select_n3A_538, %mul3A_540 : vector<16xi32>
      %add3A_542 = vector.broadcast %arg0 : i32 to vector<16xi32>
      %add3A_543 = arith.addi %mul3A_541, %add3A_542 : vector<16xi32>
      %swap3A_544 = arith.constant 5 : i32
      %swap3A_545 = arith.index_cast %swap3A_544 : i32 to index
      %swap3A_546 = arith.constant 0 : index
      %swap3A_547 = tpu.vector_load %arg9[%swap3A_545, %swap3A_546] {strides = array<i32>} : memref<8x32xi32, #tpu.memory_space<vmem>>, vector<1x16xi32>,
      %swap3A_548 = vector.shape_cast %swap3A_547 : vector<1x16xi32> to vector<16xi32>
      %swap3A_549 = vector.shape_cast %add3A_543 : vector<16xi32> to vector<1x16xi32>
      tpu.vector_store %arg9[%swap3A_545, %swap3A_546], %swap3A_549 {strides = array<i32>} : memref<8x32xi32, #tpu.memory_space<vmem>>, vector<1x16xi32>,
      %get3A_550 = arith.index_cast %rem3A_109 : i32 to index
      %get3A_551 = arith.constant 160 : index
      %get3A_552 = tpu.vector_load %arg8[%get3A_550, %get3A_551] {strides = array<i32>} : memref<2x256xi32, #tpu.memory_space<vmem>>, vector<1x16xi32>,
      %get3A_553 = vector.shape_cast %get3A_552 : vector<1x16xi32> to vector<16xi32>
      %swap3A_554 = arith.constant 5 : i32
      %swap3A_555 = arith.index_cast %swap3A_554 : i32 to index
      %swap3A_556 = arith.constant 0 : index
      %swap3A_557 = tpu.vector_load %arg10[%swap3A_555, %swap3A_556] {strides = array<i32>} : memref<8x32xi32, #tpu.memory_space<vmem>>, vector<1x16xi32>,
      %swap3A_558 = vector.shape_cast %swap3A_557 : vector<1x16xi32> to vector<16xi32>
      %swap3A_559 = vector.shape_cast %get3A_553 : vector<16xi32> to vector<1x16xi32>
      tpu.vector_store %arg10[%swap3A_555, %swap3A_556], %swap3A_559 {strides = array<i32>} : memref<8x32xi32, #tpu.memory_space<vmem>>, vector<1x16xi32>,
      %get3A_560 = arith.index_cast %rem3A_109 : i32 to index
      %get3A_561 = arith.constant 176 : index
      %get3A_562 = tpu.vector_load %arg7[%get3A_560, %get3A_561] {strides = array<i32>} : memref<2x256xi32, #tpu.memory_space<vmem>>, vector<1x16xi32>,
      %get3A_563 = vector.shape_cast %get3A_562 : vector<1x16xi32> to vector<16xi32>
      %ge3A_564 = arith.constant 20000 : i32
      %ge3A_565 = vector.broadcast %ge3A_564 : i32 to vector<16xi32>
      %ge3A_566 = arith.cmpi sge, %get3A_563, %ge3A_565 : vector<16xi32>
      %sub3A_567 = arith.constant 20000 : i32
      %sub3A_568 = vector.broadcast %sub3A_567 : i32 to vector<16xi32>
      %sub3A_569 = arith.subi %get3A_563, %sub3A_568 : vector<16xi32>
      %select_n3A_570 = arith.select %ge3A_566, %sub3A_569, %get3A_563 : vector<16xi1>, vector<16xi32>
      %ge3A_571 = arith.constant 10000 : i32
      %ge3A_572 = vector.broadcast %ge3A_571 : i32 to vector<16xi32>
      %ge3A_573 = arith.cmpi sge, %select_n3A_570, %ge3A_572 : vector<16xi32>
      %sub3A_574 = arith.constant 10000 : i32
      %sub3A_575 = vector.broadcast %sub3A_574 : i32 to vector<16xi32>
      %sub3A_576 = arith.subi %select_n3A_570, %sub3A_575 : vector<16xi32>
      %select_n3A_577 = arith.select %ge3A_573, %sub3A_576, %select_n3A_570 : vector<16xi1>, vector<16xi32>
      %mul3A_578 = arith.constant 2 : i32
      %mul3A_579 = vector.broadcast %mul3A_578 : i32 to vector<16xi32>
      %mul3A_580 = arith.muli %select_n3A_577, %mul3A_579 : vector<16xi32>
      %add3A_581 = vector.broadcast %arg0 : i32 to vector<16xi32>
      %add3A_582 = arith.addi %mul3A_580, %add3A_581 : vector<16xi32>
      %swap3A_583 = arith.constant 5 : i32
      %swap3A_584 = arith.index_cast %swap3A_583 : i32 to index
      %swap3A_585 = arith.constant 16 : index
      %swap3A_586 = tpu.vector_load %arg9[%swap3A_584, %swap3A_585] {strides = array<i32>} : memref<8x32xi32, #tpu.memory_space<vmem>>, vector<1x16xi32>,
      %swap3A_587 = vector.shape_cast %swap3A_586 : vector<1x16xi32> to vector<16xi32>
      %swap3A_588 = vector.shape_cast %add3A_582 : vector<16xi32> to vector<1x16xi32>
      tpu.vector_store %arg9[%swap3A_584, %swap3A_585], %swap3A_588 {strides = array<i32>} : memref<8x32xi32, #tpu.memory_space<vmem>>, vector<1x16xi32>,
      %get3A_589 = arith.index_cast %rem3A_109 : i32 to index
      %get3A_590 = arith.constant 176 : index
      %get3A_591 = tpu.vector_load %arg8[%get3A_589, %get3A_590] {strides = array<i32>} : memref<2x256xi32, #tpu.memory_space<vmem>>, vector<1x16xi32>,
      %get3A_592 = vector.shape_cast %get3A_591 : vector<1x16xi32> to vector<16xi32>
      %swap3A_593 = arith.constant 5 : i32
      %swap3A_594 = arith.index_cast %swap3A_593 : i32 to index
      %swap3A_595 = arith.constant 16 : index
      %swap3A_596 = tpu.vector_load %arg10[%swap3A_594, %swap3A_595] {strides = array<i32>} : memref<8x32xi32, #tpu.memory_space<vmem>>, vector<1x16xi32>,
      %swap3A_597 = vector.shape_cast %swap3A_596 : vector<1x16xi32> to vector<16xi32>
      %swap3A_598 = vector.shape_cast %get3A_592 : vector<16xi32> to vector<1x16xi32>
      tpu.vector_store %arg10[%swap3A_594, %swap3A_595], %swap3A_598 {strides = array<i32>} : memref<8x32xi32, #tpu.memory_space<vmem>>, vector<1x16xi32>,
      %get3A_599 = arith.index_cast %rem3A_109 : i32 to index
      %get3A_600 = arith.constant 192 : index
      %get3A_601 = tpu.vector_load %arg7[%get3A_599, %get3A_600] {strides = array<i32>} : memref<2x256xi32, #tpu.memory_space<vmem>>, vector<1x16xi32>,
      %get3A_602 = vector.shape_cast %get3A_601 : vector<1x16xi32> to vector<16xi32>
      %ge3A_603 = arith.constant 20000 : i32
      %ge3A_604 = vector.broadcast %ge3A_603 : i32 to vector<16xi32>
      %ge3A_605 = arith.cmpi sge, %get3A_602, %ge3A_604 : vector<16xi32>
      %sub3A_606 = arith.constant 20000 : i32
      %sub3A_607 = vector.broadcast %sub3A_606 : i32 to vector<16xi32>
      %sub3A_608 = arith.subi %get3A_602, %sub3A_607 : vector<16xi32>
      %select_n3A_609 = arith.select %ge3A_605, %sub3A_608, %get3A_602 : vector<16xi1>, vector<16xi32>
      %ge3A_610 = arith.constant 10000 : i32
      %ge3A_611 = vector.broadcast %ge3A_610 : i32 to vector<16xi32>
      %ge3A_612 = arith.cmpi sge, %select_n3A_609, %ge3A_611 : vector<16xi32>
      %sub3A_613 = arith.constant 10000 : i32
      %sub3A_614 = vector.broadcast %sub3A_613 : i32 to vector<16xi32>
      %sub3A_615 = arith.subi %select_n3A_609, %sub3A_614 : vector<16xi32>
      %select_n3A_616 = arith.select %ge3A_612, %sub3A_615, %select_n3A_609 : vector<16xi1>, vector<16xi32>
      %mul3A_617 = arith.constant 2 : i32
      %mul3A_618 = vector.broadcast %mul3A_617 : i32 to vector<16xi32>
      %mul3A_619 = arith.muli %select_n3A_616, %mul3A_618 : vector<16xi32>
      %add3A_620 = vector.broadcast %arg0 : i32 to vector<16xi32>
      %add3A_621 = arith.addi %mul3A_619, %add3A_620 : vector<16xi32>
      %swap3A_622 = arith.constant 6 : i32
      %swap3A_623 = arith.index_cast %swap3A_622 : i32 to index
      %swap3A_624 = arith.constant 0 : index
      %swap3A_625 = tpu.vector_load %arg9[%swap3A_623, %swap3A_624] {strides = array<i32>} : memref<8x32xi32, #tpu.memory_space<vmem>>, vector<1x16xi32>,
      %swap3A_626 = vector.shape_cast %swap3A_625 : vector<1x16xi32> to vector<16xi32>
      %swap3A_627 = vector.shape_cast %add3A_621 : vector<16xi32> to vector<1x16xi32>
      tpu.vector_store %arg9[%swap3A_623, %swap3A_624], %swap3A_627 {strides = array<i32>} : memref<8x32xi32, #tpu.memory_space<vmem>>, vector<1x16xi32>,
      %get3A_628 = arith.index_cast %rem3A_109 : i32 to index
      %get3A_629 = arith.constant 192 : index
      %get3A_630 = tpu.vector_load %arg8[%get3A_628, %get3A_629] {strides = array<i32>} : memref<2x256xi32, #tpu.memory_space<vmem>>, vector<1x16xi32>,
      %get3A_631 = vector.shape_cast %get3A_630 : vector<1x16xi32> to vector<16xi32>
      %swap3A_632 = arith.constant 6 : i32
      %swap3A_633 = arith.index_cast %swap3A_632 : i32 to index
      %swap3A_634 = arith.constant 0 : index
      %swap3A_635 = tpu.vector_load %arg10[%swap3A_633, %swap3A_634] {strides = array<i32>} : memref<8x32xi32, #tpu.memory_space<vmem>>, vector<1x16xi32>,
      %swap3A_636 = vector.shape_cast %swap3A_635 : vector<1x16xi32> to vector<16xi32>
      %swap3A_637 = vector.shape_cast %get3A_631 : vector<16xi32> to vector<1x16xi32>
      tpu.vector_store %arg10[%swap3A_633, %swap3A_634], %swap3A_637 {strides = array<i32>} : memref<8x32xi32, #tpu.memory_space<vmem>>, vector<1x16xi32>,
      %get3A_638 = arith.index_cast %rem3A_109 : i32 to index
      %get3A_639 = arith.constant 208 : index
      %get3A_640 = tpu.vector_load %arg7[%get3A_638, %get3A_639] {strides = array<i32>} : memref<2x256xi32, #tpu.memory_space<vmem>>, vector<1x16xi32>,
      %get3A_641 = vector.shape_cast %get3A_640 : vector<1x16xi32> to vector<16xi32>
      %ge3A_642 = arith.constant 20000 : i32
      %ge3A_643 = vector.broadcast %ge3A_642 : i32 to vector<16xi32>
      %ge3A_644 = arith.cmpi sge, %get3A_641, %ge3A_643 : vector<16xi32>
      %sub3A_645 = arith.constant 20000 : i32
      %sub3A_646 = vector.broadcast %sub3A_645 : i32 to vector<16xi32>
      %sub3A_647 = arith.subi %get3A_641, %sub3A_646 : vector<16xi32>
      %select_n3A_648 = arith.select %ge3A_644, %sub3A_647, %get3A_641 : vector<16xi1>, vector<16xi32>
      %ge3A_649 = arith.constant 10000 : i32
      %ge3A_650 = vector.broadcast %ge3A_649 : i32 to vector<16xi32>
      %ge3A_651 = arith.cmpi sge, %select_n3A_648, %ge3A_650 : vector<16xi32>
      %sub3A_652 = arith.constant 10000 : i32
      %sub3A_653 = vector.broadcast %sub3A_652 : i32 to vector<16xi32>
      %sub3A_654 = arith.subi %select_n3A_648, %sub3A_653 : vector<16xi32>
      %select_n3A_655 = arith.select %ge3A_651, %sub3A_654, %select_n3A_648 : vector<16xi1>, vector<16xi32>
      %mul3A_656 = arith.constant 2 : i32
      %mul3A_657 = vector.broadcast %mul3A_656 : i32 to vector<16xi32>
      %mul3A_658 = arith.muli %select_n3A_655, %mul3A_657 : vector<16xi32>
      %add3A_659 = vector.broadcast %arg0 : i32 to vector<16xi32>
      %add3A_660 = arith.addi %mul3A_658, %add3A_659 : vector<16xi32>
      %swap3A_661 = arith.constant 6 : i32
      %swap3A_662 = arith.index_cast %swap3A_661 : i32 to index
      %swap3A_663 = arith.constant 16 : index
      %swap3A_664 = tpu.vector_load %arg9[%swap3A_662, %swap3A_663] {strides = array<i32>} : memref<8x32xi32, #tpu.memory_space<vmem>>, vector<1x16xi32>,
      %swap3A_665 = vector.shape_cast %swap3A_664 : vector<1x16xi32> to vector<16xi32>
      %swap3A_666 = vector.shape_cast %add3A_660 : vector<16xi32> to vector<1x16xi32>
      tpu.vector_store %arg9[%swap3A_662, %swap3A_663], %swap3A_666 {strides = array<i32>} : memref<8x32xi32, #tpu.memory_space<vmem>>, vector<1x16xi32>,
      %get3A_667 = arith.index_cast %rem3A_109 : i32 to index
      %get3A_668 = arith.constant 208 : index
      %get3A_669 = tpu.vector_load %arg8[%get3A_667, %get3A_668] {strides = array<i32>} : memref<2x256xi32, #tpu.memory_space<vmem>>, vector<1x16xi32>,
      %get3A_670 = vector.shape_cast %get3A_669 : vector<1x16xi32> to vector<16xi32>
      %swap3A_671 = arith.constant 6 : i32
      %swap3A_672 = arith.index_cast %swap3A_671 : i32 to index
      %swap3A_673 = arith.constant 16 : index
      %swap3A_674 = tpu.vector_load %arg10[%swap3A_672, %swap3A_673] {strides = array<i32>} : memref<8x32xi32, #tpu.memory_space<vmem>>, vector<1x16xi32>,
      %swap3A_675 = vector.shape_cast %swap3A_674 : vector<1x16xi32> to vector<16xi32>
      %swap3A_676 = vector.shape_cast %get3A_670 : vector<16xi32> to vector<1x16xi32>
      tpu.vector_store %arg10[%swap3A_672, %swap3A_673], %swap3A_676 {strides = array<i32>} : memref<8x32xi32, #tpu.memory_space<vmem>>, vector<1x16xi32>,
      %get3A_677 = arith.index_cast %rem3A_109 : i32 to index
      %get3A_678 = arith.constant 224 : index
      %get3A_679 = tpu.vector_load %arg7[%get3A_677, %get3A_678] {strides = array<i32>} : memref<2x256xi32, #tpu.memory_space<vmem>>, vector<1x16xi32>,
      %get3A_680 = vector.shape_cast %get3A_679 : vector<1x16xi32> to vector<16xi32>
      %ge3A_681 = arith.constant 20000 : i32
      %ge3A_682 = vector.broadcast %ge3A_681 : i32 to vector<16xi32>
      %ge3A_683 = arith.cmpi sge, %get3A_680, %ge3A_682 : vector<16xi32>
      %sub3A_684 = arith.constant 20000 : i32
      %sub3A_685 = vector.broadcast %sub3A_684 : i32 to vector<16xi32>
      %sub3A_686 = arith.subi %get3A_680, %sub3A_685 : vector<16xi32>
      %select_n3A_687 = arith.select %ge3A_683, %sub3A_686, %get3A_680 : vector<16xi1>, vector<16xi32>
      %ge3A_688 = arith.constant 10000 : i32
      %ge3A_689 = vector.broadcast %ge3A_688 : i32 to vector<16xi32>
      %ge3A_690 = arith.cmpi sge, %select_n3A_687, %ge3A_689 : vector<16xi32>
      %sub3A_691 = arith.constant 10000 : i32
      %sub3A_692 = vector.broadcast %sub3A_691 : i32 to vector<16xi32>
      %sub3A_693 = arith.subi %select_n3A_687, %sub3A_692 : vector<16xi32>
      %select_n3A_694 = arith.select %ge3A_690, %sub3A_693, %select_n3A_687 : vector<16xi1>, vector<16xi32>
      %mul3A_695 = arith.constant 2 : i32
      %mul3A_696 = vector.broadcast %mul3A_695 : i32 to vector<16xi32>
      %mul3A_697 = arith.muli %select_n3A_694, %mul3A_696 : vector<16xi32>
      %add3A_698 = vector.broadcast %arg0 : i32 to vector<16xi32>
      %add3A_699 = arith.addi %mul3A_697, %add3A_698 : vector<16xi32>
      %swap3A_700 = arith.constant 7 : i32
      %swap3A_701 = arith.index_cast %swap3A_700 : i32 to index
      %swap3A_702 = arith.constant 0 : index
      %swap3A_703 = tpu.vector_load %arg9[%swap3A_701, %swap3A_702] {strides = array<i32>} : memref<8x32xi32, #tpu.memory_space<vmem>>, vector<1x16xi32>,
      %swap3A_704 = vector.shape_cast %swap3A_703 : vector<1x16xi32> to vector<16xi32>
      %swap3A_705 = vector.shape_cast %add3A_699 : vector<16xi32> to vector<1x16xi32>
      tpu.vector_store %arg9[%swap3A_701, %swap3A_702], %swap3A_705 {strides = array<i32>} : memref<8x32xi32, #tpu.memory_space<vmem>>, vector<1x16xi32>,
      %get3A_706 = arith.index_cast %rem3A_109 : i32 to index
      %get3A_707 = arith.constant 224 : index
      %get3A_708 = tpu.vector_load %arg8[%get3A_706, %get3A_707] {strides = array<i32>} : memref<2x256xi32, #tpu.memory_space<vmem>>, vector<1x16xi32>,
      %get3A_709 = vector.shape_cast %get3A_708 : vector<1x16xi32> to vector<16xi32>
      %swap3A_710 = arith.constant 7 : i32
      %swap3A_711 = arith.index_cast %swap3A_710 : i32 to index
      %swap3A_712 = arith.constant 0 : index
      %swap3A_713 = tpu.vector_load %arg10[%swap3A_711, %swap3A_712] {strides = array<i32>} : memref<8x32xi32, #tpu.memory_space<vmem>>, vector<1x16xi32>,
      %swap3A_714 = vector.shape_cast %swap3A_713 : vector<1x16xi32> to vector<16xi32>
      %swap3A_715 = vector.shape_cast %get3A_709 : vector<16xi32> to vector<1x16xi32>
      tpu.vector_store %arg10[%swap3A_711, %swap3A_712], %swap3A_715 {strides = array<i32>} : memref<8x32xi32, #tpu.memory_space<vmem>>, vector<1x16xi32>,
      %get3A_716 = arith.index_cast %rem3A_109 : i32 to index
      %get3A_717 = arith.constant 240 : index
      %get3A_718 = tpu.vector_load %arg7[%get3A_716, %get3A_717] {strides = array<i32>} : memref<2x256xi32, #tpu.memory_space<vmem>>, vector<1x16xi32>,
      %get3A_719 = vector.shape_cast %get3A_718 : vector<1x16xi32> to vector<16xi32>
      %ge3A_720 = arith.constant 20000 : i32
      %ge3A_721 = vector.broadcast %ge3A_720 : i32 to vector<16xi32>
      %ge3A_722 = arith.cmpi sge, %get3A_719, %ge3A_721 : vector<16xi32>
      %sub3A_723 = arith.constant 20000 : i32
      %sub3A_724 = vector.broadcast %sub3A_723 : i32 to vector<16xi32>
      %sub3A_725 = arith.subi %get3A_719, %sub3A_724 : vector<16xi32>
      %select_n3A_726 = arith.select %ge3A_722, %sub3A_725, %get3A_719 : vector<16xi1>, vector<16xi32>
      %ge3A_727 = arith.constant 10000 : i32
      %ge3A_728 = vector.broadcast %ge3A_727 : i32 to vector<16xi32>
      %ge3A_729 = arith.cmpi sge, %select_n3A_726, %ge3A_728 : vector<16xi32>
      %sub3A_730 = arith.constant 10000 : i32
      %sub3A_731 = vector.broadcast %sub3A_730 : i32 to vector<16xi32>
      %sub3A_732 = arith.subi %select_n3A_726, %sub3A_731 : vector<16xi32>
      %select_n3A_733 = arith.select %ge3A_729, %sub3A_732, %select_n3A_726 : vector<16xi1>, vector<16xi32>
      %mul3A_734 = arith.constant 2 : i32
      %mul3A_735 = vector.broadcast %mul3A_734 : i32 to vector<16xi32>
      %mul3A_736 = arith.muli %select_n3A_733, %mul3A_735 : vector<16xi32>
      %add3A_737 = vector.broadcast %arg0 : i32 to vector<16xi32>
      %add3A_738 = arith.addi %mul3A_736, %add3A_737 : vector<16xi32>
      %swap3A_739 = arith.constant 7 : i32
      %swap3A_740 = arith.index_cast %swap3A_739 : i32 to index
      %swap3A_741 = arith.constant 16 : index
      %swap3A_742 = tpu.vector_load %arg9[%swap3A_740, %swap3A_741] {strides = array<i32>} : memref<8x32xi32, #tpu.memory_space<vmem>>, vector<1x16xi32>,
      %swap3A_743 = vector.shape_cast %swap3A_742 : vector<1x16xi32> to vector<16xi32>
      %swap3A_744 = vector.shape_cast %add3A_738 : vector<16xi32> to vector<1x16xi32>
      tpu.vector_store %arg9[%swap3A_740, %swap3A_741], %swap3A_744 {strides = array<i32>} : memref<8x32xi32, #tpu.memory_space<vmem>>, vector<1x16xi32>,
      %get3A_745 = arith.index_cast %rem3A_109 : i32 to index
      %get3A_746 = arith.constant 240 : index
      %get3A_747 = tpu.vector_load %arg8[%get3A_745, %get3A_746] {strides = array<i32>} : memref<2x256xi32, #tpu.memory_space<vmem>>, vector<1x16xi32>,
      %get3A_748 = vector.shape_cast %get3A_747 : vector<1x16xi32> to vector<16xi32>
      %swap3A_749 = arith.constant 7 : i32
      %swap3A_750 = arith.index_cast %swap3A_749 : i32 to index
      %swap3A_751 = arith.constant 16 : index
      %swap3A_752 = tpu.vector_load %arg10[%swap3A_750, %swap3A_751] {strides = array<i32>} : memref<8x32xi32, #tpu.memory_space<vmem>>, vector<1x16xi32>,
      %swap3A_753 = vector.shape_cast %swap3A_752 : vector<1x16xi32> to vector<16xi32>
      %swap3A_754 = vector.shape_cast %get3A_748 : vector<16xi32> to vector<1x16xi32>
      tpu.vector_store %arg10[%swap3A_750, %swap3A_751], %swap3A_754 {strides = array<i32>} : memref<8x32xi32, #tpu.memory_space<vmem>>, vector<1x16xi32>,
      %mul3A_755 = arith.constant 8 : i32
      %mul3A_756 = arith.muli %while3A_108, %mul3A_755 : i32
      %add3A_757 = arith.constant 0 : i32
      %add3A_758 = arith.addi %mul3A_756, %add3A_757 : i32
      %ge3A_759 = arith.constant 4 : i32
      %ge3A_760 = arith.cmpi sge, %add3A_758, %ge3A_759 : i32
      %convert_element_type3A_761 = arith.extui %ge3A_760 : i1 to i32
      %cond3A_762 = arith.constant 0 : i32
      %cond3A_763 = arith.cmpi ne, %convert_element_type3A_761, %cond3A_762 : i32
      scf.if %cond3A_763 {
        %dma_wait3A_1187 = arith.constant 0 : i32
        %dma_wait3A_1188 = arith.constant 0 : i32
        %dma_wait3A_1189 = arith.constant 0 : i32
        %dma_wait3A_1190 = arith.constant 0 : i32
        %dma_wait3A_1191 = arith.constant 0 : i32
        %dma_wait3A_1192 = tpu.memref_slice %arg11[%dma_wait3A_1187, %dma_wait3A_1190, %dma_wait3A_1191] : memref<4x32x64xf32, #tpu.memory_space<vmem>> -> memref<1x32x64xf32, #tpu.memory_space<vmem>>
        %dma_wait3A_1193 = tpu.memref_squeeze %dma_wait3A_1192 : memref<1x32x64xf32, #tpu.memory_space<vmem>> -> memref<32x64xf32, #tpu.memory_space<vmem>>
        %dma_wait3A_1194 = arith.constant 0 : i32
        %dma_wait3A_1195 = tpu.memref_slice %arg10[%dma_wait3A_1188, %dma_wait3A_1194] : memref<8x32xi32, #tpu.memory_space<vmem>> -> memref<1x32xi32, #tpu.memory_space<vmem>>
        %dma_wait3A_1196 = tpu.memref_squeeze %dma_wait3A_1195 : memref<1x32xi32, #tpu.memory_space<vmem>> -> memref<32xi32, #tpu.memory_space<vmem>>
        %dma_wait3A_1197 = arith.constant 0 : i32
        %dma_wait3A_1198 = arith.constant 0 : i32
        %dma_wait3A_1199 = tpu.memref_slice %arg12[%dma_wait3A_1197, %dma_wait3A_1198] : memref<30000x64xf32, #tpu.memory_space<vmem_shared>> -> memref<30000x64xf32, #tpu.memory_space<vmem_shared>>
        %dma_wait3A_1200 = tpu.memref_slice %arg14[%dma_wait3A_1189] : memref<4x!tpu.dma_semaphore, #tpu.memory_space<semaphore_mem>> -> memref<1x!tpu.dma_semaphore, #tpu.memory_space<semaphore_mem>>
        %dma_wait3A_1201 = tpu.memref_squeeze %dma_wait3A_1200 : memref<1x!tpu.dma_semaphore, #tpu.memory_space<semaphore_mem>> -> memref<!tpu.dma_semaphore, #tpu.memory_space<semaphore_mem>>
        tpu.wait_indirect_dma semaphore(%dma_wait3A_1201 : memref<!tpu.dma_semaphore, #tpu.memory_space<semaphore_mem>>) src(%dma_wait3A_1193 : memref<32x64xf32, #tpu.memory_space<vmem>>) dst(%dma_wait3A_1199 : memref<30000x64xf32, #tpu.memory_space<vmem_shared>>)
      } else {
      }
      %dma_start3A_764 = arith.constant 0 : i32
      %dma_start3A_765 = arith.constant 0 : i32
      %dma_start3A_766 = arith.constant 0 : i32
      %dma_start3A_767 = arith.constant 0 : i32
      %dma_start3A_768 = arith.constant 0 : i32
      %dma_start3A_769 = tpu.memref_slice %arg11[%dma_start3A_765, %dma_start3A_767, %dma_start3A_768] : memref<4x32x64xf32, #tpu.memory_space<vmem>> -> memref<1x32x64xf32, #tpu.memory_space<vmem>>
      %dma_start3A_770 = tpu.memref_squeeze %dma_start3A_769 : memref<1x32x64xf32, #tpu.memory_space<vmem>> -> memref<32x64xf32, #tpu.memory_space<vmem>>
      %dma_start3A_771 = arith.constant 0 : i32
      %dma_start3A_772 = tpu.memref_slice %arg9[%dma_start3A_764, %dma_start3A_771] : memref<8x32xi32, #tpu.memory_space<vmem>> -> memref<1x32xi32, #tpu.memory_space<vmem>>
      %dma_start3A_773 = tpu.memref_squeeze %dma_start3A_772 : memref<1x32xi32, #tpu.memory_space<vmem>> -> memref<32xi32, #tpu.memory_space<vmem>>
      %dma_start3A_774 = arith.constant 0 : i32
      %dma_start3A_775 = arith.constant 0 : i32
      %dma_start3A_776 = tpu.memref_slice %arg2[%dma_start3A_774, %dma_start3A_775] : memref<20000x64xf32, #tpu.memory_space<hbm>> -> memref<20000x64xf32, #tpu.memory_space<hbm>>
      %dma_start3A_777 = tpu.memref_slice %arg13[%dma_start3A_766] : memref<4x!tpu.dma_semaphore, #tpu.memory_space<semaphore_mem>> -> memref<1x!tpu.dma_semaphore, #tpu.memory_space<semaphore_mem>>
      %dma_start3A_778 = tpu.memref_squeeze %dma_start3A_777 : memref<1x!tpu.dma_semaphore, #tpu.memory_space<semaphore_mem>> -> memref<!tpu.dma_semaphore, #tpu.memory_space<semaphore_mem>>
      tpu.enqueue_indirect_dma source(%dma_start3A_776 : memref<20000x64xf32, #tpu.memory_space<hbm>>) target(%dma_start3A_770 : memref<32x64xf32, #tpu.memory_space<vmem>>) offsets(%dma_start3A_773 : memref<32xi32, #tpu.memory_space<vmem>>) semaphore(%dma_start3A_778 : memref<!tpu.dma_semaphore, #tpu.memory_space<semaphore_mem>>)
      %mul3A_779 = arith.constant 8 : i32
      %mul3A_780 = arith.muli %while3A_108, %mul3A_779 : i32
      %add3A_781 = arith.constant 1 : i32
      %add3A_782 = arith.addi %mul3A_780, %add3A_781 : i32
      %ge3A_783 = arith.constant 4 : i32
      %ge3A_784 = arith.cmpi sge, %add3A_782, %ge3A_783 : i32
      %convert_element_type3A_785 = arith.extui %ge3A_784 : i1 to i32
      %cond3A_786 = arith.constant 0 : i32
      %cond3A_787 = arith.cmpi ne, %convert_element_type3A_785, %cond3A_786 : i32
      scf.if %cond3A_787 {
        %dma_wait3A_1187 = arith.constant 1 : i32
        %dma_wait3A_1188 = arith.constant 0 : i32
        %dma_wait3A_1189 = arith.constant 1 : i32
        %dma_wait3A_1190 = arith.constant 0 : i32
        %dma_wait3A_1191 = arith.constant 0 : i32
        %dma_wait3A_1192 = tpu.memref_slice %arg11[%dma_wait3A_1187, %dma_wait3A_1190, %dma_wait3A_1191] : memref<4x32x64xf32, #tpu.memory_space<vmem>> -> memref<1x32x64xf32, #tpu.memory_space<vmem>>
        %dma_wait3A_1193 = tpu.memref_squeeze %dma_wait3A_1192 : memref<1x32x64xf32, #tpu.memory_space<vmem>> -> memref<32x64xf32, #tpu.memory_space<vmem>>
        %dma_wait3A_1194 = arith.constant 0 : i32
        %dma_wait3A_1195 = tpu.memref_slice %arg10[%dma_wait3A_1188, %dma_wait3A_1194] : memref<8x32xi32, #tpu.memory_space<vmem>> -> memref<1x32xi32, #tpu.memory_space<vmem>>
        %dma_wait3A_1196 = tpu.memref_squeeze %dma_wait3A_1195 : memref<1x32xi32, #tpu.memory_space<vmem>> -> memref<32xi32, #tpu.memory_space<vmem>>
        %dma_wait3A_1197 = arith.constant 0 : i32
        %dma_wait3A_1198 = arith.constant 0 : i32
        %dma_wait3A_1199 = tpu.memref_slice %arg12[%dma_wait3A_1197, %dma_wait3A_1198] : memref<30000x64xf32, #tpu.memory_space<vmem_shared>> -> memref<30000x64xf32, #tpu.memory_space<vmem_shared>>
        %dma_wait3A_1200 = tpu.memref_slice %arg14[%dma_wait3A_1189] : memref<4x!tpu.dma_semaphore, #tpu.memory_space<semaphore_mem>> -> memref<1x!tpu.dma_semaphore, #tpu.memory_space<semaphore_mem>>
        %dma_wait3A_1201 = tpu.memref_squeeze %dma_wait3A_1200 : memref<1x!tpu.dma_semaphore, #tpu.memory_space<semaphore_mem>> -> memref<!tpu.dma_semaphore, #tpu.memory_space<semaphore_mem>>
        tpu.wait_indirect_dma semaphore(%dma_wait3A_1201 : memref<!tpu.dma_semaphore, #tpu.memory_space<semaphore_mem>>) src(%dma_wait3A_1193 : memref<32x64xf32, #tpu.memory_space<vmem>>) dst(%dma_wait3A_1199 : memref<30000x64xf32, #tpu.memory_space<vmem_shared>>)
      } else {
      }
      %dma_start3A_788 = arith.constant 1 : i32
      %dma_start3A_789 = arith.constant 1 : i32
      %dma_start3A_790 = arith.constant 1 : i32
      %dma_start3A_791 = arith.constant 0 : i32
      %dma_start3A_792 = arith.constant 0 : i32
      %dma_start3A_793 = tpu.memref_slice %arg11[%dma_start3A_789, %dma_start3A_791, %dma_start3A_792] : memref<4x32x64xf32, #tpu.memory_space<vmem>> -> memref<1x32x64xf32, #tpu.memory_space<vmem>>
      %dma_start3A_794 = tpu.memref_squeeze %dma_start3A_793 : memref<1x32x64xf32, #tpu.memory_space<vmem>> -> memref<32x64xf32, #tpu.memory_space<vmem>>
      %dma_start3A_795 = arith.constant 0 : i32
      %dma_start3A_796 = tpu.memref_slice %arg9[%dma_start3A_788, %dma_start3A_795] : memref<8x32xi32, #tpu.memory_space<vmem>> -> memref<1x32xi32, #tpu.memory_space<vmem>>
      %dma_start3A_797 = tpu.memref_squeeze %dma_start3A_796 : memref<1x32xi32, #tpu.memory_space<vmem>> -> memref<32xi32, #tpu.memory_space<vmem>>
      %dma_start3A_798 = arith.constant 0 : i32
      %dma_start3A_799 = arith.constant 0 : i32
      %dma_start3A_800 = tpu.memref_slice %arg2[%dma_start3A_798, %dma_start3A_799] : memref<20000x64xf32, #tpu.memory_space<hbm>> -> memref<20000x64xf32, #tpu.memory_space<hbm>>
      %dma_start3A_801 = tpu.memref_slice %arg13[%dma_start3A_790] : memref<4x!tpu.dma_semaphore, #tpu.memory_space<semaphore_mem>> -> memref<1x!tpu.dma_semaphore, #tpu.memory_space<semaphore_mem>>
      %dma_start3A_802 = tpu.memref_squeeze %dma_start3A_801 : memref<1x!tpu.dma_semaphore, #tpu.memory_space<semaphore_mem>> -> memref<!tpu.dma_semaphore, #tpu.memory_space<semaphore_mem>>
      tpu.enqueue_indirect_dma source(%dma_start3A_800 : memref<20000x64xf32, #tpu.memory_space<hbm>>) target(%dma_start3A_794 : memref<32x64xf32, #tpu.memory_space<vmem>>) offsets(%dma_start3A_797 : memref<32xi32, #tpu.memory_space<vmem>>) semaphore(%dma_start3A_802 : memref<!tpu.dma_semaphore, #tpu.memory_space<semaphore_mem>>)
      %mul3A_803 = arith.constant 8 : i32
      %mul3A_804 = arith.muli %while3A_108, %mul3A_803 : i32
      %add3A_805 = arith.constant 2 : i32
      %add3A_806 = arith.addi %mul3A_804, %add3A_805 : i32
      %ge3A_807 = arith.constant 4 : i32
      %ge3A_808 = arith.cmpi sge, %add3A_806, %ge3A_807 : i32
      %convert_element_type3A_809 = arith.extui %ge3A_808 : i1 to i32
      %cond3A_810 = arith.constant 0 : i32
      %cond3A_811 = arith.cmpi ne, %convert_element_type3A_809, %cond3A_810 : i32
      scf.if %cond3A_811 {
        %dma_wait3A_1187 = arith.constant 2 : i32
        %dma_wait3A_1188 = arith.constant 0 : i32
        %dma_wait3A_1189 = arith.constant 2 : i32
        %dma_wait3A_1190 = arith.constant 0 : i32
        %dma_wait3A_1191 = arith.constant 0 : i32
        %dma_wait3A_1192 = tpu.memref_slice %arg11[%dma_wait3A_1187, %dma_wait3A_1190, %dma_wait3A_1191] : memref<4x32x64xf32, #tpu.memory_space<vmem>> -> memref<1x32x64xf32, #tpu.memory_space<vmem>>
        %dma_wait3A_1193 = tpu.memref_squeeze %dma_wait3A_1192 : memref<1x32x64xf32, #tpu.memory_space<vmem>> -> memref<32x64xf32, #tpu.memory_space<vmem>>
        %dma_wait3A_1194 = arith.constant 0 : i32
        %dma_wait3A_1195 = tpu.memref_slice %arg10[%dma_wait3A_1188, %dma_wait3A_1194] : memref<8x32xi32, #tpu.memory_space<vmem>> -> memref<1x32xi32, #tpu.memory_space<vmem>>
        %dma_wait3A_1196 = tpu.memref_squeeze %dma_wait3A_1195 : memref<1x32xi32, #tpu.memory_space<vmem>> -> memref<32xi32, #tpu.memory_space<vmem>>
        %dma_wait3A_1197 = arith.constant 0 : i32
        %dma_wait3A_1198 = arith.constant 0 : i32
        %dma_wait3A_1199 = tpu.memref_slice %arg12[%dma_wait3A_1197, %dma_wait3A_1198] : memref<30000x64xf32, #tpu.memory_space<vmem_shared>> -> memref<30000x64xf32, #tpu.memory_space<vmem_shared>>
        %dma_wait3A_1200 = tpu.memref_slice %arg14[%dma_wait3A_1189] : memref<4x!tpu.dma_semaphore, #tpu.memory_space<semaphore_mem>> -> memref<1x!tpu.dma_semaphore, #tpu.memory_space<semaphore_mem>>
        %dma_wait3A_1201 = tpu.memref_squeeze %dma_wait3A_1200 : memref<1x!tpu.dma_semaphore, #tpu.memory_space<semaphore_mem>> -> memref<!tpu.dma_semaphore, #tpu.memory_space<semaphore_mem>>
        tpu.wait_indirect_dma semaphore(%dma_wait3A_1201 : memref<!tpu.dma_semaphore, #tpu.memory_space<semaphore_mem>>) src(%dma_wait3A_1193 : memref<32x64xf32, #tpu.memory_space<vmem>>) dst(%dma_wait3A_1199 : memref<30000x64xf32, #tpu.memory_space<vmem_shared>>)
      } else {
      }
      %dma_start3A_812 = arith.constant 2 : i32
      %dma_start3A_813 = arith.constant 2 : i32
      %dma_start3A_814 = arith.constant 2 : i32
      %dma_start3A_815 = arith.constant 0 : i32
      %dma_start3A_816 = arith.constant 0 : i32
      %dma_start3A_817 = tpu.memref_slice %arg11[%dma_start3A_813, %dma_start3A_815, %dma_start3A_816] : memref<4x32x64xf32, #tpu.memory_space<vmem>> -> memref<1x32x64xf32, #tpu.memory_space<vmem>>
      %dma_start3A_818 = tpu.memref_squeeze %dma_start3A_817 : memref<1x32x64xf32, #tpu.memory_space<vmem>> -> memref<32x64xf32, #tpu.memory_space<vmem>>
      %dma_start3A_819 = arith.constant 0 : i32
      %dma_start3A_820 = tpu.memref_slice %arg9[%dma_start3A_812, %dma_start3A_819] : memref<8x32xi32, #tpu.memory_space<vmem>> -> memref<1x32xi32, #tpu.memory_space<vmem>>
      %dma_start3A_821 = tpu.memref_squeeze %dma_start3A_820 : memref<1x32xi32, #tpu.memory_space<vmem>> -> memref<32xi32, #tpu.memory_space<vmem>>
      %dma_start3A_822 = arith.constant 0 : i32
      %dma_start3A_823 = arith.constant 0 : i32
      %dma_start3A_824 = tpu.memref_slice %arg2[%dma_start3A_822, %dma_start3A_823] : memref<20000x64xf32, #tpu.memory_space<hbm>> -> memref<20000x64xf32, #tpu.memory_space<hbm>>
      %dma_start3A_825 = tpu.memref_slice %arg13[%dma_start3A_814] : memref<4x!tpu.dma_semaphore, #tpu.memory_space<semaphore_mem>> -> memref<1x!tpu.dma_semaphore, #tpu.memory_space<semaphore_mem>>
      %dma_start3A_826 = tpu.memref_squeeze %dma_start3A_825 : memref<1x!tpu.dma_semaphore, #tpu.memory_space<semaphore_mem>> -> memref<!tpu.dma_semaphore, #tpu.memory_space<semaphore_mem>>
      tpu.enqueue_indirect_dma source(%dma_start3A_824 : memref<20000x64xf32, #tpu.memory_space<hbm>>) target(%dma_start3A_818 : memref<32x64xf32, #tpu.memory_space<vmem>>) offsets(%dma_start3A_821 : memref<32xi32, #tpu.memory_space<vmem>>) semaphore(%dma_start3A_826 : memref<!tpu.dma_semaphore, #tpu.memory_space<semaphore_mem>>)
      %mul3A_827 = arith.constant 8 : i32
      %mul3A_828 = arith.muli %while3A_108, %mul3A_827 : i32
      %add3A_829 = arith.constant 3 : i32
      %add3A_830 = arith.addi %mul3A_828, %add3A_829 : i32
      %ge3A_831 = arith.constant 4 : i32
      %ge3A_832 = arith.cmpi sge, %add3A_830, %ge3A_831 : i32
      %convert_element_type3A_833 = arith.extui %ge3A_832 : i1 to i32
      %cond3A_834 = arith.constant 0 : i32
      %cond3A_835 = arith.cmpi ne, %convert_element_type3A_833, %cond3A_834 : i32
      scf.if %cond3A_835 {
        %dma_wait3A_1187 = arith.constant 3 : i32
        %dma_wait3A_1188 = arith.constant 0 : i32
        %dma_wait3A_1189 = arith.constant 3 : i32
        %dma_wait3A_1190 = arith.constant 0 : i32
        %dma_wait3A_1191 = arith.constant 0 : i32
        %dma_wait3A_1192 = tpu.memref_slice %arg11[%dma_wait3A_1187, %dma_wait3A_1190, %dma_wait3A_1191] : memref<4x32x64xf32, #tpu.memory_space<vmem>> -> memref<1x32x64xf32, #tpu.memory_space<vmem>>
        %dma_wait3A_1193 = tpu.memref_squeeze %dma_wait3A_1192 : memref<1x32x64xf32, #tpu.memory_space<vmem>> -> memref<32x64xf32, #tpu.memory_space<vmem>>
        %dma_wait3A_1194 = arith.constant 0 : i32
        %dma_wait3A_1195 = tpu.memref_slice %arg10[%dma_wait3A_1188, %dma_wait3A_1194] : memref<8x32xi32, #tpu.memory_space<vmem>> -> memref<1x32xi32, #tpu.memory_space<vmem>>
        %dma_wait3A_1196 = tpu.memref_squeeze %dma_wait3A_1195 : memref<1x32xi32, #tpu.memory_space<vmem>> -> memref<32xi32, #tpu.memory_space<vmem>>
        %dma_wait3A_1197 = arith.constant 0 : i32
        %dma_wait3A_1198 = arith.constant 0 : i32
        %dma_wait3A_1199 = tpu.memref_slice %arg12[%dma_wait3A_1197, %dma_wait3A_1198] : memref<30000x64xf32, #tpu.memory_space<vmem_shared>> -> memref<30000x64xf32, #tpu.memory_space<vmem_shared>>
        %dma_wait3A_1200 = tpu.memref_slice %arg14[%dma_wait3A_1189] : memref<4x!tpu.dma_semaphore, #tpu.memory_space<semaphore_mem>> -> memref<1x!tpu.dma_semaphore, #tpu.memory_space<semaphore_mem>>
        %dma_wait3A_1201 = tpu.memref_squeeze %dma_wait3A_1200 : memref<1x!tpu.dma_semaphore, #tpu.memory_space<semaphore_mem>> -> memref<!tpu.dma_semaphore, #tpu.memory_space<semaphore_mem>>
        tpu.wait_indirect_dma semaphore(%dma_wait3A_1201 : memref<!tpu.dma_semaphore, #tpu.memory_space<semaphore_mem>>) src(%dma_wait3A_1193 : memref<32x64xf32, #tpu.memory_space<vmem>>) dst(%dma_wait3A_1199 : memref<30000x64xf32, #tpu.memory_space<vmem_shared>>)
      } else {
      }
      %dma_start3A_836 = arith.constant 3 : i32
      %dma_start3A_837 = arith.constant 3 : i32
      %dma_start3A_838 = arith.constant 3 : i32
      %dma_start3A_839 = arith.constant 0 : i32
      %dma_start3A_840 = arith.constant 0 : i32
      %dma_start3A_841 = tpu.memref_slice %arg11[%dma_start3A_837, %dma_start3A_839, %dma_start3A_840] : memref<4x32x64xf32, #tpu.memory_space<vmem>> -> memref<1x32x64xf32, #tpu.memory_space<vmem>>
      %dma_start3A_842 = tpu.memref_squeeze %dma_start3A_841 : memref<1x32x64xf32, #tpu.memory_space<vmem>> -> memref<32x64xf32, #tpu.memory_space<vmem>>
      %dma_start3A_843 = arith.constant 0 : i32
      %dma_start3A_844 = tpu.memref_slice %arg9[%dma_start3A_836, %dma_start3A_843] : memref<8x32xi32, #tpu.memory_space<vmem>> -> memref<1x32xi32, #tpu.memory_space<vmem>>
      %dma_start3A_845 = tpu.memref_squeeze %dma_start3A_844 : memref<1x32xi32, #tpu.memory_space<vmem>> -> memref<32xi32, #tpu.memory_space<vmem>>
      %dma_start3A_846 = arith.constant 0 : i32
      %dma_start3A_847 = arith.constant 0 : i32
      %dma_start3A_848 = tpu.memref_slice %arg2[%dma_start3A_846, %dma_start3A_847] : memref<20000x64xf32, #tpu.memory_space<hbm>> -> memref<20000x64xf32, #tpu.memory_space<hbm>>
      %dma_start3A_849 = tpu.memref_slice %arg13[%dma_start3A_838] : memref<4x!tpu.dma_semaphore, #tpu.memory_space<semaphore_mem>> -> memref<1x!tpu.dma_semaphore, #tpu.memory_space<semaphore_mem>>
      %dma_start3A_850 = tpu.memref_squeeze %dma_start3A_849 : memref<1x!tpu.dma_semaphore, #tpu.memory_space<semaphore_mem>> -> memref<!tpu.dma_semaphore, #tpu.memory_space<semaphore_mem>>
      tpu.enqueue_indirect_dma source(%dma_start3A_848 : memref<20000x64xf32, #tpu.memory_space<hbm>>) target(%dma_start3A_842 : memref<32x64xf32, #tpu.memory_space<vmem>>) offsets(%dma_start3A_845 : memref<32xi32, #tpu.memory_space<vmem>>) semaphore(%dma_start3A_850 : memref<!tpu.dma_semaphore, #tpu.memory_space<semaphore_mem>>)
      %dma_wait3A_851 = arith.constant 0 : i32
      %dma_wait3A_852 = arith.constant 0 : i32
      %dma_wait3A_853 = arith.constant 0 : i32
      %dma_wait3A_854 = arith.constant 0 : i32
      %dma_wait3A_855 = arith.constant 0 : i32
      %dma_wait3A_856 = tpu.memref_slice %arg11[%dma_wait3A_852, %dma_wait3A_854, %dma_wait3A_855] : memref<4x32x64xf32, #tpu.memory_space<vmem>> -> memref<1x32x64xf32, #tpu.memory_space<vmem>>
      %dma_wait3A_857 = tpu.memref_squeeze %dma_wait3A_856 : memref<1x32x64xf32, #tpu.memory_space<vmem>> -> memref<32x64xf32, #tpu.memory_space<vmem>>
      %dma_wait3A_858 = arith.constant 0 : i32
      %dma_wait3A_859 = tpu.memref_slice %arg9[%dma_wait3A_851, %dma_wait3A_858] : memref<8x32xi32, #tpu.memory_space<vmem>> -> memref<1x32xi32, #tpu.memory_space<vmem>>
      %dma_wait3A_860 = tpu.memref_squeeze %dma_wait3A_859 : memref<1x32xi32, #tpu.memory_space<vmem>> -> memref<32xi32, #tpu.memory_space<vmem>>
      %dma_wait3A_861 = arith.constant 0 : i32
      %dma_wait3A_862 = arith.constant 0 : i32
      %dma_wait3A_863 = tpu.memref_slice %arg2[%dma_wait3A_861, %dma_wait3A_862] : memref<20000x64xf32, #tpu.memory_space<hbm>> -> memref<20000x64xf32, #tpu.memory_space<hbm>>
      %dma_wait3A_864 = tpu.memref_slice %arg13[%dma_wait3A_853] : memref<4x!tpu.dma_semaphore, #tpu.memory_space<semaphore_mem>> -> memref<1x!tpu.dma_semaphore, #tpu.memory_space<semaphore_mem>>
      %dma_wait3A_865 = tpu.memref_squeeze %dma_wait3A_864 : memref<1x!tpu.dma_semaphore, #tpu.memory_space<semaphore_mem>> -> memref<!tpu.dma_semaphore, #tpu.memory_space<semaphore_mem>>
      tpu.wait_indirect_dma semaphore(%dma_wait3A_865 : memref<!tpu.dma_semaphore, #tpu.memory_space<semaphore_mem>>) src(%dma_wait3A_863 : memref<20000x64xf32, #tpu.memory_space<hbm>>) dst(%dma_wait3A_857 : memref<32x64xf32, #tpu.memory_space<vmem>>)
      %dma_start3A_866 = arith.constant 0 : i32
      %dma_start3A_867 = arith.constant 0 : i32
      %dma_start3A_868 = arith.constant 0 : i32
      %dma_start3A_869 = arith.constant 0 : i32
      %dma_start3A_870 = arith.constant 0 : i32
      %dma_start3A_871 = tpu.memref_slice %arg11[%dma_start3A_866, %dma_start3A_869, %dma_start3A_870] : memref<4x32x64xf32, #tpu.memory_space<vmem>> -> memref<1x32x64xf32, #tpu.memory_space<vmem>>
      %dma_start3A_872 = tpu.memref_squeeze %dma_start3A_871 : memref<1x32x64xf32, #tpu.memory_space<vmem>> -> memref<32x64xf32, #tpu.memory_space<vmem>>
      %dma_start3A_873 = arith.constant 0 : i32
      %dma_start3A_874 = tpu.memref_slice %arg10[%dma_start3A_867, %dma_start3A_873] : memref<8x32xi32, #tpu.memory_space<vmem>> -> memref<1x32xi32, #tpu.memory_space<vmem>>
      %dma_start3A_875 = tpu.memref_squeeze %dma_start3A_874 : memref<1x32xi32, #tpu.memory_space<vmem>> -> memref<32xi32, #tpu.memory_space<vmem>>
      %dma_start3A_876 = arith.constant 0 : i32
      %dma_start3A_877 = arith.constant 0 : i32
      %dma_start3A_878 = tpu.memref_slice %arg12[%dma_start3A_876, %dma_start3A_877] : memref<30000x64xf32, #tpu.memory_space<vmem_shared>> -> memref<30000x64xf32, #tpu.memory_space<vmem_shared>>
      %dma_start3A_879 = tpu.memref_slice %arg14[%dma_start3A_868] : memref<4x!tpu.dma_semaphore, #tpu.memory_space<semaphore_mem>> -> memref<1x!tpu.dma_semaphore, #tpu.memory_space<semaphore_mem>>
      %dma_start3A_880 = tpu.memref_squeeze %dma_start3A_879 : memref<1x!tpu.dma_semaphore, #tpu.memory_space<semaphore_mem>> -> memref<!tpu.dma_semaphore, #tpu.memory_space<semaphore_mem>>
      tpu.enqueue_indirect_dma source(%dma_start3A_872 : memref<32x64xf32, #tpu.memory_space<vmem>>) target(%dma_start3A_878 : memref<30000x64xf32, #tpu.memory_space<vmem_shared>>) offsets(%dma_start3A_875 : memref<32xi32, #tpu.memory_space<vmem>>) semaphore(%dma_start3A_880 : memref<!tpu.dma_semaphore, #tpu.memory_space<semaphore_mem>>) {add = true}
      %dma_wait3A_881 = arith.constant 1 : i32
      %dma_wait3A_882 = arith.constant 1 : i32
      %dma_wait3A_883 = arith.constant 1 : i32
      %dma_wait3A_884 = arith.constant 0 : i32
      %dma_wait3A_885 = arith.constant 0 : i32
      %dma_wait3A_886 = tpu.memref_slice %arg11[%dma_wait3A_882, %dma_wait3A_884, %dma_wait3A_885] : memref<4x32x64xf32, #tpu.memory_space<vmem>> -> memref<1x32x64xf32, #tpu.memory_space<vmem>>
      %dma_wait3A_887 = tpu.memref_squeeze %dma_wait3A_886 : memref<1x32x64xf32, #tpu.memory_space<vmem>> -> memref<32x64xf32, #tpu.memory_space<vmem>>
      %dma_wait3A_888 = arith.constant 0 : i32
      %dma_wait3A_889 = tpu.memref_slice %arg9[%dma_wait3A_881, %dma_wait3A_888] : memref<8x32xi32, #tpu.memory_space<vmem>> -> memref<1x32xi32, #tpu.memory_space<vmem>>
      %dma_wait3A_890 = tpu.memref_squeeze %dma_wait3A_889 : memref<1x32xi32, #tpu.memory_space<vmem>> -> memref<32xi32, #tpu.memory_space<vmem>>
      %dma_wait3A_891 = arith.constant 0 : i32
      %dma_wait3A_892 = arith.constant 0 : i32
      %dma_wait3A_893 = tpu.memref_slice %arg2[%dma_wait3A_891, %dma_wait3A_892] : memref<20000x64xf32, #tpu.memory_space<hbm>> -> memref<20000x64xf32, #tpu.memory_space<hbm>>
      %dma_wait3A_894 = tpu.memref_slice %arg13[%dma_wait3A_883] : memref<4x!tpu.dma_semaphore, #tpu.memory_space<semaphore_mem>> -> memref<1x!tpu.dma_semaphore, #tpu.memory_space<semaphore_mem>>
      %dma_wait3A_895 = tpu.memref_squeeze %dma_wait3A_894 : memref<1x!tpu.dma_semaphore, #tpu.memory_space<semaphore_mem>> -> memref<!tpu.dma_semaphore, #tpu.memory_space<semaphore_mem>>
      tpu.wait_indirect_dma semaphore(%dma_wait3A_895 : memref<!tpu.dma_semaphore, #tpu.memory_space<semaphore_mem>>) src(%dma_wait3A_893 : memref<20000x64xf32, #tpu.memory_space<hbm>>) dst(%dma_wait3A_887 : memref<32x64xf32, #tpu.memory_space<vmem>>)
      %dma_start3A_896 = arith.constant 1 : i32
      %dma_start3A_897 = arith.constant 1 : i32
      %dma_start3A_898 = arith.constant 1 : i32
      %dma_start3A_899 = arith.constant 0 : i32
      %dma_start3A_900 = arith.constant 0 : i32
      %dma_start3A_901 = tpu.memref_slice %arg11[%dma_start3A_896, %dma_start3A_899, %dma_start3A_900] : memref<4x32x64xf32, #tpu.memory_space<vmem>> -> memref<1x32x64xf32, #tpu.memory_space<vmem>>
      %dma_start3A_902 = tpu.memref_squeeze %dma_start3A_901 : memref<1x32x64xf32, #tpu.memory_space<vmem>> -> memref<32x64xf32, #tpu.memory_space<vmem>>
      %dma_start3A_903 = arith.constant 0 : i32
      %dma_start3A_904 = tpu.memref_slice %arg10[%dma_start3A_897, %dma_start3A_903] : memref<8x32xi32, #tpu.memory_space<vmem>> -> memref<1x32xi32, #tpu.memory_space<vmem>>
      %dma_start3A_905 = tpu.memref_squeeze %dma_start3A_904 : memref<1x32xi32, #tpu.memory_space<vmem>> -> memref<32xi32, #tpu.memory_space<vmem>>
      %dma_start3A_906 = arith.constant 0 : i32
      %dma_start3A_907 = arith.constant 0 : i32
      %dma_start3A_908 = tpu.memref_slice %arg12[%dma_start3A_906, %dma_start3A_907] : memref<30000x64xf32, #tpu.memory_space<vmem_shared>> -> memref<30000x64xf32, #tpu.memory_space<vmem_shared>>
      %dma_start3A_909 = tpu.memref_slice %arg14[%dma_start3A_898] : memref<4x!tpu.dma_semaphore, #tpu.memory_space<semaphore_mem>> -> memref<1x!tpu.dma_semaphore, #tpu.memory_space<semaphore_mem>>
      %dma_start3A_910 = tpu.memref_squeeze %dma_start3A_909 : memref<1x!tpu.dma_semaphore, #tpu.memory_space<semaphore_mem>> -> memref<!tpu.dma_semaphore, #tpu.memory_space<semaphore_mem>>
      tpu.enqueue_indirect_dma source(%dma_start3A_902 : memref<32x64xf32, #tpu.memory_space<vmem>>) target(%dma_start3A_908 : memref<30000x64xf32, #tpu.memory_space<vmem_shared>>) offsets(%dma_start3A_905 : memref<32xi32, #tpu.memory_space<vmem>>) semaphore(%dma_start3A_910 : memref<!tpu.dma_semaphore, #tpu.memory_space<semaphore_mem>>) {add = true}
      %dma_wait3A_911 = arith.constant 2 : i32
      %dma_wait3A_912 = arith.constant 2 : i32
      %dma_wait3A_913 = arith.constant 2 : i32
      %dma_wait3A_914 = arith.constant 0 : i32
      %dma_wait3A_915 = arith.constant 0 : i32
      %dma_wait3A_916 = tpu.memref_slice %arg11[%dma_wait3A_912, %dma_wait3A_914, %dma_wait3A_915] : memref<4x32x64xf32, #tpu.memory_space<vmem>> -> memref<1x32x64xf32, #tpu.memory_space<vmem>>
      %dma_wait3A_917 = tpu.memref_squeeze %dma_wait3A_916 : memref<1x32x64xf32, #tpu.memory_space<vmem>> -> memref<32x64xf32, #tpu.memory_space<vmem>>
      %dma_wait3A_918 = arith.constant 0 : i32
      %dma_wait3A_919 = tpu.memref_slice %arg9[%dma_wait3A_911, %dma_wait3A_918] : memref<8x32xi32, #tpu.memory_space<vmem>> -> memref<1x32xi32, #tpu.memory_space<vmem>>
      %dma_wait3A_920 = tpu.memref_squeeze %dma_wait3A_919 : memref<1x32xi32, #tpu.memory_space<vmem>> -> memref<32xi32, #tpu.memory_space<vmem>>
      %dma_wait3A_921 = arith.constant 0 : i32
      %dma_wait3A_922 = arith.constant 0 : i32
      %dma_wait3A_923 = tpu.memref_slice %arg2[%dma_wait3A_921, %dma_wait3A_922] : memref<20000x64xf32, #tpu.memory_space<hbm>> -> memref<20000x64xf32, #tpu.memory_space<hbm>>
      %dma_wait3A_924 = tpu.memref_slice %arg13[%dma_wait3A_913] : memref<4x!tpu.dma_semaphore, #tpu.memory_space<semaphore_mem>> -> memref<1x!tpu.dma_semaphore, #tpu.memory_space<semaphore_mem>>
      %dma_wait3A_925 = tpu.memref_squeeze %dma_wait3A_924 : memref<1x!tpu.dma_semaphore, #tpu.memory_space<semaphore_mem>> -> memref<!tpu.dma_semaphore, #tpu.memory_space<semaphore_mem>>
      tpu.wait_indirect_dma semaphore(%dma_wait3A_925 : memref<!tpu.dma_semaphore, #tpu.memory_space<semaphore_mem>>) src(%dma_wait3A_923 : memref<20000x64xf32, #tpu.memory_space<hbm>>) dst(%dma_wait3A_917 : memref<32x64xf32, #tpu.memory_space<vmem>>)
      %dma_start3A_926 = arith.constant 2 : i32
      %dma_start3A_927 = arith.constant 2 : i32
      %dma_start3A_928 = arith.constant 2 : i32
      %dma_start3A_929 = arith.constant 0 : i32
      %dma_start3A_930 = arith.constant 0 : i32
      %dma_start3A_931 = tpu.memref_slice %arg11[%dma_start3A_926, %dma_start3A_929, %dma_start3A_930] : memref<4x32x64xf32, #tpu.memory_space<vmem>> -> memref<1x32x64xf32, #tpu.memory_space<vmem>>
      %dma_start3A_932 = tpu.memref_squeeze %dma_start3A_931 : memref<1x32x64xf32, #tpu.memory_space<vmem>> -> memref<32x64xf32, #tpu.memory_space<vmem>>
      %dma_start3A_933 = arith.constant 0 : i32
      %dma_start3A_934 = tpu.memref_slice %arg10[%dma_start3A_927, %dma_start3A_933] : memref<8x32xi32, #tpu.memory_space<vmem>> -> memref<1x32xi32, #tpu.memory_space<vmem>>
      %dma_start3A_935 = tpu.memref_squeeze %dma_start3A_934 : memref<1x32xi32, #tpu.memory_space<vmem>> -> memref<32xi32, #tpu.memory_space<vmem>>
      %dma_start3A_936 = arith.constant 0 : i32
      %dma_start3A_937 = arith.constant 0 : i32
      %dma_start3A_938 = tpu.memref_slice %arg12[%dma_start3A_936, %dma_start3A_937] : memref<30000x64xf32, #tpu.memory_space<vmem_shared>> -> memref<30000x64xf32, #tpu.memory_space<vmem_shared>>
      %dma_start3A_939 = tpu.memref_slice %arg14[%dma_start3A_928] : memref<4x!tpu.dma_semaphore, #tpu.memory_space<semaphore_mem>> -> memref<1x!tpu.dma_semaphore, #tpu.memory_space<semaphore_mem>>
      %dma_start3A_940 = tpu.memref_squeeze %dma_start3A_939 : memref<1x!tpu.dma_semaphore, #tpu.memory_space<semaphore_mem>> -> memref<!tpu.dma_semaphore, #tpu.memory_space<semaphore_mem>>
      tpu.enqueue_indirect_dma source(%dma_start3A_932 : memref<32x64xf32, #tpu.memory_space<vmem>>) target(%dma_start3A_938 : memref<30000x64xf32, #tpu.memory_space<vmem_shared>>) offsets(%dma_start3A_935 : memref<32xi32, #tpu.memory_space<vmem>>) semaphore(%dma_start3A_940 : memref<!tpu.dma_semaphore, #tpu.memory_space<semaphore_mem>>) {add = true}
      %dma_wait3A_941 = arith.constant 3 : i32
      %dma_wait3A_942 = arith.constant 3 : i32
      %dma_wait3A_943 = arith.constant 3 : i32
      %dma_wait3A_944 = arith.constant 0 : i32
      %dma_wait3A_945 = arith.constant 0 : i32
      %dma_wait3A_946 = tpu.memref_slice %arg11[%dma_wait3A_942, %dma_wait3A_944, %dma_wait3A_945] : memref<4x32x64xf32, #tpu.memory_space<vmem>> -> memref<1x32x64xf32, #tpu.memory_space<vmem>>
      %dma_wait3A_947 = tpu.memref_squeeze %dma_wait3A_946 : memref<1x32x64xf32, #tpu.memory_space<vmem>> -> memref<32x64xf32, #tpu.memory_space<vmem>>
      %dma_wait3A_948 = arith.constant 0 : i32
      %dma_wait3A_949 = tpu.memref_slice %arg9[%dma_wait3A_941, %dma_wait3A_948] : memref<8x32xi32, #tpu.memory_space<vmem>> -> memref<1x32xi32, #tpu.memory_space<vmem>>
      %dma_wait3A_950 = tpu.memref_squeeze %dma_wait3A_949 : memref<1x32xi32, #tpu.memory_space<vmem>> -> memref<32xi32, #tpu.memory_space<vmem>>
      %dma_wait3A_951 = arith.constant 0 : i32
      %dma_wait3A_952 = arith.constant 0 : i32
      %dma_wait3A_953 = tpu.memref_slice %arg2[%dma_wait3A_951, %dma_wait3A_952] : memref<20000x64xf32, #tpu.memory_space<hbm>> -> memref<20000x64xf32, #tpu.memory_space<hbm>>
      %dma_wait3A_954 = tpu.memref_slice %arg13[%dma_wait3A_943] : memref<4x!tpu.dma_semaphore, #tpu.memory_space<semaphore_mem>> -> memref<1x!tpu.dma_semaphore, #tpu.memory_space<semaphore_mem>>
      %dma_wait3A_955 = tpu.memref_squeeze %dma_wait3A_954 : memref<1x!tpu.dma_semaphore, #tpu.memory_space<semaphore_mem>> -> memref<!tpu.dma_semaphore, #tpu.memory_space<semaphore_mem>>
      tpu.wait_indirect_dma semaphore(%dma_wait3A_955 : memref<!tpu.dma_semaphore, #tpu.memory_space<semaphore_mem>>) src(%dma_wait3A_953 : memref<20000x64xf32, #tpu.memory_space<hbm>>) dst(%dma_wait3A_947 : memref<32x64xf32, #tpu.memory_space<vmem>>)
      %dma_start3A_956 = arith.constant 3 : i32
      %dma_start3A_957 = arith.constant 3 : i32
      %dma_start3A_958 = arith.constant 3 : i32
      %dma_start3A_959 = arith.constant 0 : i32
      %dma_start3A_960 = arith.constant 0 : i32
      %dma_start3A_961 = tpu.memref_slice %arg11[%dma_start3A_956, %dma_start3A_959, %dma_start3A_960] : memref<4x32x64xf32, #tpu.memory_space<vmem>> -> memref<1x32x64xf32, #tpu.memory_space<vmem>>
      %dma_start3A_962 = tpu.memref_squeeze %dma_start3A_961 : memref<1x32x64xf32, #tpu.memory_space<vmem>> -> memref<32x64xf32, #tpu.memory_space<vmem>>
      %dma_start3A_963 = arith.constant 0 : i32
      %dma_start3A_964 = tpu.memref_slice %arg10[%dma_start3A_957, %dma_start3A_963] : memref<8x32xi32, #tpu.memory_space<vmem>> -> memref<1x32xi32, #tpu.memory_space<vmem>>
      %dma_start3A_965 = tpu.memref_squeeze %dma_start3A_964 : memref<1x32xi32, #tpu.memory_space<vmem>> -> memref<32xi32, #tpu.memory_space<vmem>>
      %dma_start3A_966 = arith.constant 0 : i32
      %dma_start3A_967 = arith.constant 0 : i32
      %dma_start3A_968 = tpu.memref_slice %arg12[%dma_start3A_966, %dma_start3A_967] : memref<30000x64xf32, #tpu.memory_space<vmem_shared>> -> memref<30000x64xf32, #tpu.memory_space<vmem_shared>>
      %dma_start3A_969 = tpu.memref_slice %arg14[%dma_start3A_958] : memref<4x!tpu.dma_semaphore, #tpu.memory_space<semaphore_mem>> -> memref<1x!tpu.dma_semaphore, #tpu.memory_space<semaphore_mem>>
      %dma_start3A_970 = tpu.memref_squeeze %dma_start3A_969 : memref<1x!tpu.dma_semaphore, #tpu.memory_space<semaphore_mem>> -> memref<!tpu.dma_semaphore, #tpu.memory_space<semaphore_mem>>
      tpu.enqueue_indirect_dma source(%dma_start3A_962 : memref<32x64xf32, #tpu.memory_space<vmem>>) target(%dma_start3A_968 : memref<30000x64xf32, #tpu.memory_space<vmem_shared>>) offsets(%dma_start3A_965 : memref<32xi32, #tpu.memory_space<vmem>>) semaphore(%dma_start3A_970 : memref<!tpu.dma_semaphore, #tpu.memory_space<semaphore_mem>>) {add = true}
      %mul3A_971 = arith.constant 8 : i32
      %mul3A_972 = arith.muli %while3A_108, %mul3A_971 : i32
      %add3A_973 = arith.constant 4 : i32
      %add3A_974 = arith.addi %mul3A_972, %add3A_973 : i32
      %ge3A_975 = arith.constant 4 : i32
      %ge3A_976 = arith.cmpi sge, %add3A_974, %ge3A_975 : i32
      %convert_element_type3A_977 = arith.extui %ge3A_976 : i1 to i32
      %cond3A_978 = arith.constant 0 : i32
      %cond3A_979 = arith.cmpi ne, %convert_element_type3A_977, %cond3A_978 : i32
      scf.if %cond3A_979 {
        %dma_wait3A_1187 = arith.constant 0 : i32
        %dma_wait3A_1188 = arith.constant 0 : i32
        %dma_wait3A_1189 = arith.constant 0 : i32
        %dma_wait3A_1190 = arith.constant 0 : i32
        %dma_wait3A_1191 = arith.constant 0 : i32
        %dma_wait3A_1192 = tpu.memref_slice %arg11[%dma_wait3A_1187, %dma_wait3A_1190, %dma_wait3A_1191] : memref<4x32x64xf32, #tpu.memory_space<vmem>> -> memref<1x32x64xf32, #tpu.memory_space<vmem>>
        %dma_wait3A_1193 = tpu.memref_squeeze %dma_wait3A_1192 : memref<1x32x64xf32, #tpu.memory_space<vmem>> -> memref<32x64xf32, #tpu.memory_space<vmem>>
        %dma_wait3A_1194 = arith.constant 0 : i32
        %dma_wait3A_1195 = tpu.memref_slice %arg10[%dma_wait3A_1188, %dma_wait3A_1194] : memref<8x32xi32, #tpu.memory_space<vmem>> -> memref<1x32xi32, #tpu.memory_space<vmem>>
        %dma_wait3A_1196 = tpu.memref_squeeze %dma_wait3A_1195 : memref<1x32xi32, #tpu.memory_space<vmem>> -> memref<32xi32, #tpu.memory_space<vmem>>
        %dma_wait3A_1197 = arith.constant 0 : i32
        %dma_wait3A_1198 = arith.constant 0 : i32
        %dma_wait3A_1199 = tpu.memref_slice %arg12[%dma_wait3A_1197, %dma_wait3A_1198] : memref<30000x64xf32, #tpu.memory_space<vmem_shared>> -> memref<30000x64xf32, #tpu.memory_space<vmem_shared>>
        %dma_wait3A_1200 = tpu.memref_slice %arg14[%dma_wait3A_1189] : memref<4x!tpu.dma_semaphore, #tpu.memory_space<semaphore_mem>> -> memref<1x!tpu.dma_semaphore, #tpu.memory_space<semaphore_mem>>
        %dma_wait3A_1201 = tpu.memref_squeeze %dma_wait3A_1200 : memref<1x!tpu.dma_semaphore, #tpu.memory_space<semaphore_mem>> -> memref<!tpu.dma_semaphore, #tpu.memory_space<semaphore_mem>>
        tpu.wait_indirect_dma semaphore(%dma_wait3A_1201 : memref<!tpu.dma_semaphore, #tpu.memory_space<semaphore_mem>>) src(%dma_wait3A_1193 : memref<32x64xf32, #tpu.memory_space<vmem>>) dst(%dma_wait3A_1199 : memref<30000x64xf32, #tpu.memory_space<vmem_shared>>)
      } else {
      }
      %dma_start3A_980 = arith.constant 4 : i32
      %dma_start3A_981 = arith.constant 0 : i32
      %dma_start3A_982 = arith.constant 0 : i32
      %dma_start3A_983 = arith.constant 0 : i32
      %dma_start3A_984 = arith.constant 0 : i32
      %dma_start3A_985 = tpu.memref_slice %arg11[%dma_start3A_981, %dma_start3A_983, %dma_start3A_984] : memref<4x32x64xf32, #tpu.memory_space<vmem>> -> memref<1x32x64xf32, #tpu.memory_space<vmem>>
      %dma_start3A_986 = tpu.memref_squeeze %dma_start3A_985 : memref<1x32x64xf32, #tpu.memory_space<vmem>> -> memref<32x64xf32, #tpu.memory_space<vmem>>
      %dma_start3A_987 = arith.constant 0 : i32
      %dma_start3A_988 = tpu.memref_slice %arg9[%dma_start3A_980, %dma_start3A_987] : memref<8x32xi32, #tpu.memory_space<vmem>> -> memref<1x32xi32, #tpu.memory_space<vmem>>
      %dma_start3A_989 = tpu.memref_squeeze %dma_start3A_988 : memref<1x32xi32, #tpu.memory_space<vmem>> -> memref<32xi32, #tpu.memory_space<vmem>>
      %dma_start3A_990 = arith.constant 0 : i32
      %dma_start3A_991 = arith.constant 0 : i32
      %dma_start3A_992 = tpu.memref_slice %arg2[%dma_start3A_990, %dma_start3A_991] : memref<20000x64xf32, #tpu.memory_space<hbm>> -> memref<20000x64xf32, #tpu.memory_space<hbm>>
      %dma_start3A_993 = tpu.memref_slice %arg13[%dma_start3A_982] : memref<4x!tpu.dma_semaphore, #tpu.memory_space<semaphore_mem>> -> memref<1x!tpu.dma_semaphore, #tpu.memory_space<semaphore_mem>>
      %dma_start3A_994 = tpu.memref_squeeze %dma_start3A_993 : memref<1x!tpu.dma_semaphore, #tpu.memory_space<semaphore_mem>> -> memref<!tpu.dma_semaphore, #tpu.memory_space<semaphore_mem>>
      tpu.enqueue_indirect_dma source(%dma_start3A_992 : memref<20000x64xf32, #tpu.memory_space<hbm>>) target(%dma_start3A_986 : memref<32x64xf32, #tpu.memory_space<vmem>>) offsets(%dma_start3A_989 : memref<32xi32, #tpu.memory_space<vmem>>) semaphore(%dma_start3A_994 : memref<!tpu.dma_semaphore, #tpu.memory_space<semaphore_mem>>)
      %mul3A_995 = arith.constant 8 : i32
      %mul3A_996 = arith.muli %while3A_108, %mul3A_995 : i32
      %add3A_997 = arith.constant 5 : i32
      %add3A_998 = arith.addi %mul3A_996, %add3A_997 : i32
      %ge3A_999 = arith.constant 4 : i32
      %ge3A_1000 = arith.cmpi sge, %add3A_998, %ge3A_999 : i32
      %convert_element_type3A_1001 = arith.extui %ge3A_1000 : i1 to i32
      %cond3A_1002 = arith.constant 0 : i32
      %cond3A_1003 = arith.cmpi ne, %convert_element_type3A_1001, %cond3A_1002 : i32
      scf.if %cond3A_1003 {
        %dma_wait3A_1187 = arith.constant 1 : i32
        %dma_wait3A_1188 = arith.constant 0 : i32
        %dma_wait3A_1189 = arith.constant 1 : i32
        %dma_wait3A_1190 = arith.constant 0 : i32
        %dma_wait3A_1191 = arith.constant 0 : i32
        %dma_wait3A_1192 = tpu.memref_slice %arg11[%dma_wait3A_1187, %dma_wait3A_1190, %dma_wait3A_1191] : memref<4x32x64xf32, #tpu.memory_space<vmem>> -> memref<1x32x64xf32, #tpu.memory_space<vmem>>
        %dma_wait3A_1193 = tpu.memref_squeeze %dma_wait3A_1192 : memref<1x32x64xf32, #tpu.memory_space<vmem>> -> memref<32x64xf32, #tpu.memory_space<vmem>>
        %dma_wait3A_1194 = arith.constant 0 : i32
        %dma_wait3A_1195 = tpu.memref_slice %arg10[%dma_wait3A_1188, %dma_wait3A_1194] : memref<8x32xi32, #tpu.memory_space<vmem>> -> memref<1x32xi32, #tpu.memory_space<vmem>>
        %dma_wait3A_1196 = tpu.memref_squeeze %dma_wait3A_1195 : memref<1x32xi32, #tpu.memory_space<vmem>> -> memref<32xi32, #tpu.memory_space<vmem>>
        %dma_wait3A_1197 = arith.constant 0 : i32
        %dma_wait3A_1198 = arith.constant 0 : i32
        %dma_wait3A_1199 = tpu.memref_slice %arg12[%dma_wait3A_1197, %dma_wait3A_1198] : memref<30000x64xf32, #tpu.memory_space<vmem_shared>> -> memref<30000x64xf32, #tpu.memory_space<vmem_shared>>
        %dma_wait3A_1200 = tpu.memref_slice %arg14[%dma_wait3A_1189] : memref<4x!tpu.dma_semaphore, #tpu.memory_space<semaphore_mem>> -> memref<1x!tpu.dma_semaphore, #tpu.memory_space<semaphore_mem>>
        %dma_wait3A_1201 = tpu.memref_squeeze %dma_wait3A_1200 : memref<1x!tpu.dma_semaphore, #tpu.memory_space<semaphore_mem>> -> memref<!tpu.dma_semaphore, #tpu.memory_space<semaphore_mem>>
        tpu.wait_indirect_dma semaphore(%dma_wait3A_1201 : memref<!tpu.dma_semaphore, #tpu.memory_space<semaphore_mem>>) src(%dma_wait3A_1193 : memref<32x64xf32, #tpu.memory_space<vmem>>) dst(%dma_wait3A_1199 : memref<30000x64xf32, #tpu.memory_space<vmem_shared>>)
      } else {
      }
      %dma_start3A_1004 = arith.constant 5 : i32
      %dma_start3A_1005 = arith.constant 1 : i32
      %dma_start3A_1006 = arith.constant 1 : i32
      %dma_start3A_1007 = arith.constant 0 : i32
      %dma_start3A_1008 = arith.constant 0 : i32
      %dma_start3A_1009 = tpu.memref_slice %arg11[%dma_start3A_1005, %dma_start3A_1007, %dma_start3A_1008] : memref<4x32x64xf32, #tpu.memory_space<vmem>> -> memref<1x32x64xf32, #tpu.memory_space<vmem>>
      %dma_start3A_1010 = tpu.memref_squeeze %dma_start3A_1009 : memref<1x32x64xf32, #tpu.memory_space<vmem>> -> memref<32x64xf32, #tpu.memory_space<vmem>>
      %dma_start3A_1011 = arith.constant 0 : i32
      %dma_start3A_1012 = tpu.memref_slice %arg9[%dma_start3A_1004, %dma_start3A_1011] : memref<8x32xi32, #tpu.memory_space<vmem>> -> memref<1x32xi32, #tpu.memory_space<vmem>>
      %dma_start3A_1013 = tpu.memref_squeeze %dma_start3A_1012 : memref<1x32xi32, #tpu.memory_space<vmem>> -> memref<32xi32, #tpu.memory_space<vmem>>
      %dma_start3A_1014 = arith.constant 0 : i32
      %dma_start3A_1015 = arith.constant 0 : i32
      %dma_start3A_1016 = tpu.memref_slice %arg2[%dma_start3A_1014, %dma_start3A_1015] : memref<20000x64xf32, #tpu.memory_space<hbm>> -> memref<20000x64xf32, #tpu.memory_space<hbm>>
      %dma_start3A_1017 = tpu.memref_slice %arg13[%dma_start3A_1006] : memref<4x!tpu.dma_semaphore, #tpu.memory_space<semaphore_mem>> -> memref<1x!tpu.dma_semaphore, #tpu.memory_space<semaphore_mem>>
      %dma_start3A_1018 = tpu.memref_squeeze %dma_start3A_1017 : memref<1x!tpu.dma_semaphore, #tpu.memory_space<semaphore_mem>> -> memref<!tpu.dma_semaphore, #tpu.memory_space<semaphore_mem>>
      tpu.enqueue_indirect_dma source(%dma_start3A_1016 : memref<20000x64xf32, #tpu.memory_space<hbm>>) target(%dma_start3A_1010 : memref<32x64xf32, #tpu.memory_space<vmem>>) offsets(%dma_start3A_1013 : memref<32xi32, #tpu.memory_space<vmem>>) semaphore(%dma_start3A_1018 : memref<!tpu.dma_semaphore, #tpu.memory_space<semaphore_mem>>)
      %mul3A_1019 = arith.constant 8 : i32
      %mul3A_1020 = arith.muli %while3A_108, %mul3A_1019 : i32
      %add3A_1021 = arith.constant 6 : i32
      %add3A_1022 = arith.addi %mul3A_1020, %add3A_1021 : i32
      %ge3A_1023 = arith.constant 4 : i32
      %ge3A_1024 = arith.cmpi sge, %add3A_1022, %ge3A_1023 : i32
      %convert_element_type3A_1025 = arith.extui %ge3A_1024 : i1 to i32
      %cond3A_1026 = arith.constant 0 : i32
      %cond3A_1027 = arith.cmpi ne, %convert_element_type3A_1025, %cond3A_1026 : i32
      scf.if %cond3A_1027 {
        %dma_wait3A_1187 = arith.constant 2 : i32
        %dma_wait3A_1188 = arith.constant 0 : i32
        %dma_wait3A_1189 = arith.constant 2 : i32
        %dma_wait3A_1190 = arith.constant 0 : i32
        %dma_wait3A_1191 = arith.constant 0 : i32
        %dma_wait3A_1192 = tpu.memref_slice %arg11[%dma_wait3A_1187, %dma_wait3A_1190, %dma_wait3A_1191] : memref<4x32x64xf32, #tpu.memory_space<vmem>> -> memref<1x32x64xf32, #tpu.memory_space<vmem>>
        %dma_wait3A_1193 = tpu.memref_squeeze %dma_wait3A_1192 : memref<1x32x64xf32, #tpu.memory_space<vmem>> -> memref<32x64xf32, #tpu.memory_space<vmem>>
        %dma_wait3A_1194 = arith.constant 0 : i32
        %dma_wait3A_1195 = tpu.memref_slice %arg10[%dma_wait3A_1188, %dma_wait3A_1194] : memref<8x32xi32, #tpu.memory_space<vmem>> -> memref<1x32xi32, #tpu.memory_space<vmem>>
        %dma_wait3A_1196 = tpu.memref_squeeze %dma_wait3A_1195 : memref<1x32xi32, #tpu.memory_space<vmem>> -> memref<32xi32, #tpu.memory_space<vmem>>
        %dma_wait3A_1197 = arith.constant 0 : i32
        %dma_wait3A_1198 = arith.constant 0 : i32
        %dma_wait3A_1199 = tpu.memref_slice %arg12[%dma_wait3A_1197, %dma_wait3A_1198] : memref<30000x64xf32, #tpu.memory_space<vmem_shared>> -> memref<30000x64xf32, #tpu.memory_space<vmem_shared>>
        %dma_wait3A_1200 = tpu.memref_slice %arg14[%dma_wait3A_1189] : memref<4x!tpu.dma_semaphore, #tpu.memory_space<semaphore_mem>> -> memref<1x!tpu.dma_semaphore, #tpu.memory_space<semaphore_mem>>
        %dma_wait3A_1201 = tpu.memref_squeeze %dma_wait3A_1200 : memref<1x!tpu.dma_semaphore, #tpu.memory_space<semaphore_mem>> -> memref<!tpu.dma_semaphore, #tpu.memory_space<semaphore_mem>>
        tpu.wait_indirect_dma semaphore(%dma_wait3A_1201 : memref<!tpu.dma_semaphore, #tpu.memory_space<semaphore_mem>>) src(%dma_wait3A_1193 : memref<32x64xf32, #tpu.memory_space<vmem>>) dst(%dma_wait3A_1199 : memref<30000x64xf32, #tpu.memory_space<vmem_shared>>)
      } else {
      }
      %dma_start3A_1028 = arith.constant 6 : i32
      %dma_start3A_1029 = arith.constant 2 : i32
      %dma_start3A_1030 = arith.constant 2 : i32
      %dma_start3A_1031 = arith.constant 0 : i32
      %dma_start3A_1032 = arith.constant 0 : i32
      %dma_start3A_1033 = tpu.memref_slice %arg11[%dma_start3A_1029, %dma_start3A_1031, %dma_start3A_1032] : memref<4x32x64xf32, #tpu.memory_space<vmem>> -> memref<1x32x64xf32, #tpu.memory_space<vmem>>
      %dma_start3A_1034 = tpu.memref_squeeze %dma_start3A_1033 : memref<1x32x64xf32, #tpu.memory_space<vmem>> -> memref<32x64xf32, #tpu.memory_space<vmem>>
      %dma_start3A_1035 = arith.constant 0 : i32
      %dma_start3A_1036 = tpu.memref_slice %arg9[%dma_start3A_1028, %dma_start3A_1035] : memref<8x32xi32, #tpu.memory_space<vmem>> -> memref<1x32xi32, #tpu.memory_space<vmem>>
      %dma_start3A_1037 = tpu.memref_squeeze %dma_start3A_1036 : memref<1x32xi32, #tpu.memory_space<vmem>> -> memref<32xi32, #tpu.memory_space<vmem>>
      %dma_start3A_1038 = arith.constant 0 : i32
      %dma_start3A_1039 = arith.constant 0 : i32
      %dma_start3A_1040 = tpu.memref_slice %arg2[%dma_start3A_1038, %dma_start3A_1039] : memref<20000x64xf32, #tpu.memory_space<hbm>> -> memref<20000x64xf32, #tpu.memory_space<hbm>>
      %dma_start3A_1041 = tpu.memref_slice %arg13[%dma_start3A_1030] : memref<4x!tpu.dma_semaphore, #tpu.memory_space<semaphore_mem>> -> memref<1x!tpu.dma_semaphore, #tpu.memory_space<semaphore_mem>>
      %dma_start3A_1042 = tpu.memref_squeeze %dma_start3A_1041 : memref<1x!tpu.dma_semaphore, #tpu.memory_space<semaphore_mem>> -> memref<!tpu.dma_semaphore, #tpu.memory_space<semaphore_mem>>
      tpu.enqueue_indirect_dma source(%dma_start3A_1040 : memref<20000x64xf32, #tpu.memory_space<hbm>>) target(%dma_start3A_1034 : memref<32x64xf32, #tpu.memory_space<vmem>>) offsets(%dma_start3A_1037 : memref<32xi32, #tpu.memory_space<vmem>>) semaphore(%dma_start3A_1042 : memref<!tpu.dma_semaphore, #tpu.memory_space<semaphore_mem>>)
      %mul3A_1043 = arith.constant 8 : i32
      %mul3A_1044 = arith.muli %while3A_108, %mul3A_1043 : i32
      %add3A_1045 = arith.constant 7 : i32
      %add3A_1046 = arith.addi %mul3A_1044, %add3A_1045 : i32
      %ge3A_1047 = arith.constant 4 : i32
      %ge3A_1048 = arith.cmpi sge, %add3A_1046, %ge3A_1047 : i32
      %convert_element_type3A_1049 = arith.extui %ge3A_1048 : i1 to i32
      %cond3A_1050 = arith.constant 0 : i32
      %cond3A_1051 = arith.cmpi ne, %convert_element_type3A_1049, %cond3A_1050 : i32
      scf.if %cond3A_1051 {
        %dma_wait3A_1187 = arith.constant 3 : i32
        %dma_wait3A_1188 = arith.constant 0 : i32
        %dma_wait3A_1189 = arith.constant 3 : i32
        %dma_wait3A_1190 = arith.constant 0 : i32
        %dma_wait3A_1191 = arith.constant 0 : i32
        %dma_wait3A_1192 = tpu.memref_slice %arg11[%dma_wait3A_1187, %dma_wait3A_1190, %dma_wait3A_1191] : memref<4x32x64xf32, #tpu.memory_space<vmem>> -> memref<1x32x64xf32, #tpu.memory_space<vmem>>
        %dma_wait3A_1193 = tpu.memref_squeeze %dma_wait3A_1192 : memref<1x32x64xf32, #tpu.memory_space<vmem>> -> memref<32x64xf32, #tpu.memory_space<vmem>>
        %dma_wait3A_1194 = arith.constant 0 : i32
        %dma_wait3A_1195 = tpu.memref_slice %arg10[%dma_wait3A_1188, %dma_wait3A_1194] : memref<8x32xi32, #tpu.memory_space<vmem>> -> memref<1x32xi32, #tpu.memory_space<vmem>>
        %dma_wait3A_1196 = tpu.memref_squeeze %dma_wait3A_1195 : memref<1x32xi32, #tpu.memory_space<vmem>> -> memref<32xi32, #tpu.memory_space<vmem>>
        %dma_wait3A_1197 = arith.constant 0 : i32
        %dma_wait3A_1198 = arith.constant 0 : i32
        %dma_wait3A_1199 = tpu.memref_slice %arg12[%dma_wait3A_1197, %dma_wait3A_1198] : memref<30000x64xf32, #tpu.memory_space<vmem_shared>> -> memref<30000x64xf32, #tpu.memory_space<vmem_shared>>
        %dma_wait3A_1200 = tpu.memref_slice %arg14[%dma_wait3A_1189] : memref<4x!tpu.dma_semaphore, #tpu.memory_space<semaphore_mem>> -> memref<1x!tpu.dma_semaphore, #tpu.memory_space<semaphore_mem>>
        %dma_wait3A_1201 = tpu.memref_squeeze %dma_wait3A_1200 : memref<1x!tpu.dma_semaphore, #tpu.memory_space<semaphore_mem>> -> memref<!tpu.dma_semaphore, #tpu.memory_space<semaphore_mem>>
        tpu.wait_indirect_dma semaphore(%dma_wait3A_1201 : memref<!tpu.dma_semaphore, #tpu.memory_space<semaphore_mem>>) src(%dma_wait3A_1193 : memref<32x64xf32, #tpu.memory_space<vmem>>) dst(%dma_wait3A_1199 : memref<30000x64xf32, #tpu.memory_space<vmem_shared>>)
      } else {
      }
      %dma_start3A_1052 = arith.constant 7 : i32
      %dma_start3A_1053 = arith.constant 3 : i32
      %dma_start3A_1054 = arith.constant 3 : i32
      %dma_start3A_1055 = arith.constant 0 : i32
      %dma_start3A_1056 = arith.constant 0 : i32
      %dma_start3A_1057 = tpu.memref_slice %arg11[%dma_start3A_1053, %dma_start3A_1055, %dma_start3A_1056] : memref<4x32x64xf32, #tpu.memory_space<vmem>> -> memref<1x32x64xf32, #tpu.memory_space<vmem>>
      %dma_start3A_1058 = tpu.memref_squeeze %dma_start3A_1057 : memref<1x32x64xf32, #tpu.memory_space<vmem>> -> memref<32x64xf32, #tpu.memory_space<vmem>>
      %dma_start3A_1059 = arith.constant 0 : i32
      %dma_start3A_1060 = tpu.memref_slice %arg9[%dma_start3A_1052, %dma_start3A_1059] : memref<8x32xi32, #tpu.memory_space<vmem>> -> memref<1x32xi32, #tpu.memory_space<vmem>>
      %dma_start3A_1061 = tpu.memref_squeeze %dma_start3A_1060 : memref<1x32xi32, #tpu.memory_space<vmem>> -> memref<32xi32, #tpu.memory_space<vmem>>
      %dma_start3A_1062 = arith.constant 0 : i32
      %dma_start3A_1063 = arith.constant 0 : i32
      %dma_start3A_1064 = tpu.memref_slice %arg2[%dma_start3A_1062, %dma_start3A_1063] : memref<20000x64xf32, #tpu.memory_space<hbm>> -> memref<20000x64xf32, #tpu.memory_space<hbm>>
      %dma_start3A_1065 = tpu.memref_slice %arg13[%dma_start3A_1054] : memref<4x!tpu.dma_semaphore, #tpu.memory_space<semaphore_mem>> -> memref<1x!tpu.dma_semaphore, #tpu.memory_space<semaphore_mem>>
      %dma_start3A_1066 = tpu.memref_squeeze %dma_start3A_1065 : memref<1x!tpu.dma_semaphore, #tpu.memory_space<semaphore_mem>> -> memref<!tpu.dma_semaphore, #tpu.memory_space<semaphore_mem>>
      tpu.enqueue_indirect_dma source(%dma_start3A_1064 : memref<20000x64xf32, #tpu.memory_space<hbm>>) target(%dma_start3A_1058 : memref<32x64xf32, #tpu.memory_space<vmem>>) offsets(%dma_start3A_1061 : memref<32xi32, #tpu.memory_space<vmem>>) semaphore(%dma_start3A_1066 : memref<!tpu.dma_semaphore, #tpu.memory_space<semaphore_mem>>)
      %dma_wait3A_1067 = arith.constant 4 : i32
      %dma_wait3A_1068 = arith.constant 0 : i32
      %dma_wait3A_1069 = arith.constant 0 : i32
      %dma_wait3A_1070 = arith.constant 0 : i32
      %dma_wait3A_1071 = arith.constant 0 : i32
      %dma_wait3A_1072 = tpu.memref_slice %arg11[%dma_wait3A_1068, %dma_wait3A_1070, %dma_wait3A_1071] : memref<4x32x64xf32, #tpu.memory_space<vmem>> -> memref<1x32x64xf32, #tpu.memory_space<vmem>>
      %dma_wait3A_1073 = tpu.memref_squeeze %dma_wait3A_1072 : memref<1x32x64xf32, #tpu.memory_space<vmem>> -> memref<32x64xf32, #tpu.memory_space<vmem>>
      %dma_wait3A_1074 = arith.constant 0 : i32
      %dma_wait3A_1075 = tpu.memref_slice %arg9[%dma_wait3A_1067, %dma_wait3A_1074] : memref<8x32xi32, #tpu.memory_space<vmem>> -> memref<1x32xi32, #tpu.memory_space<vmem>>
      %dma_wait3A_1076 = tpu.memref_squeeze %dma_wait3A_1075 : memref<1x32xi32, #tpu.memory_space<vmem>> -> memref<32xi32, #tpu.memory_space<vmem>>
      %dma_wait3A_1077 = arith.constant 0 : i32
      %dma_wait3A_1078 = arith.constant 0 : i32
      %dma_wait3A_1079 = tpu.memref_slice %arg2[%dma_wait3A_1077, %dma_wait3A_1078] : memref<20000x64xf32, #tpu.memory_space<hbm>> -> memref<20000x64xf32, #tpu.memory_space<hbm>>
      %dma_wait3A_1080 = tpu.memref_slice %arg13[%dma_wait3A_1069] : memref<4x!tpu.dma_semaphore, #tpu.memory_space<semaphore_mem>> -> memref<1x!tpu.dma_semaphore, #tpu.memory_space<semaphore_mem>>
      %dma_wait3A_1081 = tpu.memref_squeeze %dma_wait3A_1080 : memref<1x!tpu.dma_semaphore, #tpu.memory_space<semaphore_mem>> -> memref<!tpu.dma_semaphore, #tpu.memory_space<semaphore_mem>>
      tpu.wait_indirect_dma semaphore(%dma_wait3A_1081 : memref<!tpu.dma_semaphore, #tpu.memory_space<semaphore_mem>>) src(%dma_wait3A_1079 : memref<20000x64xf32, #tpu.memory_space<hbm>>) dst(%dma_wait3A_1073 : memref<32x64xf32, #tpu.memory_space<vmem>>)
      %dma_start3A_1082 = arith.constant 0 : i32
      %dma_start3A_1083 = arith.constant 4 : i32
      %dma_start3A_1084 = arith.constant 0 : i32
      %dma_start3A_1085 = arith.constant 0 : i32
      %dma_start3A_1086 = arith.constant 0 : i32
      %dma_start3A_1087 = tpu.memref_slice %arg11[%dma_start3A_1082, %dma_start3A_1085, %dma_start3A_1086] : memref<4x32x64xf32, #tpu.memory_space<vmem>> -> memref<1x32x64xf32, #tpu.memory_space<vmem>>
      %dma_start3A_1088 = tpu.memref_squeeze %dma_start3A_1087 : memref<1x32x64xf32, #tpu.memory_space<vmem>> -> memref<32x64xf32, #tpu.memory_space<vmem>>
      %dma_start3A_1089 = arith.constant 0 : i32
      %dma_start3A_1090 = tpu.memref_slice %arg10[%dma_start3A_1083, %dma_start3A_1089] : memref<8x32xi32, #tpu.memory_space<vmem>> -> memref<1x32xi32, #tpu.memory_space<vmem>>
      %dma_start3A_1091 = tpu.memref_squeeze %dma_start3A_1090 : memref<1x32xi32, #tpu.memory_space<vmem>> -> memref<32xi32, #tpu.memory_space<vmem>>
      %dma_start3A_1092 = arith.constant 0 : i32
      %dma_start3A_1093 = arith.constant 0 : i32
      %dma_start3A_1094 = tpu.memref_slice %arg12[%dma_start3A_1092, %dma_start3A_1093] : memref<30000x64xf32, #tpu.memory_space<vmem_shared>> -> memref<30000x64xf32, #tpu.memory_space<vmem_shared>>
      %dma_start3A_1095 = tpu.memref_slice %arg14[%dma_start3A_1084] : memref<4x!tpu.dma_semaphore, #tpu.memory_space<semaphore_mem>> -> memref<1x!tpu.dma_semaphore, #tpu.memory_space<semaphore_mem>>
      %dma_start3A_1096 = tpu.memref_squeeze %dma_start3A_1095 : memref<1x!tpu.dma_semaphore, #tpu.memory_space<semaphore_mem>> -> memref<!tpu.dma_semaphore, #tpu.memory_space<semaphore_mem>>
      tpu.enqueue_indirect_dma source(%dma_start3A_1088 : memref<32x64xf32, #tpu.memory_space<vmem>>) target(%dma_start3A_1094 : memref<30000x64xf32, #tpu.memory_space<vmem_shared>>) offsets(%dma_start3A_1091 : memref<32xi32, #tpu.memory_space<vmem>>) semaphore(%dma_start3A_1096 : memref<!tpu.dma_semaphore, #tpu.memory_space<semaphore_mem>>) {add = true}
      %dma_wait3A_1097 = arith.constant 5 : i32
      %dma_wait3A_1098 = arith.constant 1 : i32
      %dma_wait3A_1099 = arith.constant 1 : i32
      %dma_wait3A_1100 = arith.constant 0 : i32
      %dma_wait3A_1101 = arith.constant 0 : i32
      %dma_wait3A_1102 = tpu.memref_slice %arg11[%dma_wait3A_1098, %dma_wait3A_1100, %dma_wait3A_1101] : memref<4x32x64xf32, #tpu.memory_space<vmem>> -> memref<1x32x64xf32, #tpu.memory_space<vmem>>
      %dma_wait3A_1103 = tpu.memref_squeeze %dma_wait3A_1102 : memref<1x32x64xf32, #tpu.memory_space<vmem>> -> memref<32x64xf32, #tpu.memory_space<vmem>>
      %dma_wait3A_1104 = arith.constant 0 : i32
      %dma_wait3A_1105 = tpu.memref_slice %arg9[%dma_wait3A_1097, %dma_wait3A_1104] : memref<8x32xi32, #tpu.memory_space<vmem>> -> memref<1x32xi32, #tpu.memory_space<vmem>>
      %dma_wait3A_1106 = tpu.memref_squeeze %dma_wait3A_1105 : memref<1x32xi32, #tpu.memory_space<vmem>> -> memref<32xi32, #tpu.memory_space<vmem>>
      %dma_wait3A_1107 = arith.constant 0 : i32
      %dma_wait3A_1108 = arith.constant 0 : i32
      %dma_wait3A_1109 = tpu.memref_slice %arg2[%dma_wait3A_1107, %dma_wait3A_1108] : memref<20000x64xf32, #tpu.memory_space<hbm>> -> memref<20000x64xf32, #tpu.memory_space<hbm>>
      %dma_wait3A_1110 = tpu.memref_slice %arg13[%dma_wait3A_1099] : memref<4x!tpu.dma_semaphore, #tpu.memory_space<semaphore_mem>> -> memref<1x!tpu.dma_semaphore, #tpu.memory_space<semaphore_mem>>
      %dma_wait3A_1111 = tpu.memref_squeeze %dma_wait3A_1110 : memref<1x!tpu.dma_semaphore, #tpu.memory_space<semaphore_mem>> -> memref<!tpu.dma_semaphore, #tpu.memory_space<semaphore_mem>>
      tpu.wait_indirect_dma semaphore(%dma_wait3A_1111 : memref<!tpu.dma_semaphore, #tpu.memory_space<semaphore_mem>>) src(%dma_wait3A_1109 : memref<20000x64xf32, #tpu.memory_space<hbm>>) dst(%dma_wait3A_1103 : memref<32x64xf32, #tpu.memory_space<vmem>>)
      %dma_start3A_1112 = arith.constant 1 : i32
      %dma_start3A_1113 = arith.constant 5 : i32
      %dma_start3A_1114 = arith.constant 1 : i32
      %dma_start3A_1115 = arith.constant 0 : i32
      %dma_start3A_1116 = arith.constant 0 : i32
      %dma_start3A_1117 = tpu.memref_slice %arg11[%dma_start3A_1112, %dma_start3A_1115, %dma_start3A_1116] : memref<4x32x64xf32, #tpu.memory_space<vmem>> -> memref<1x32x64xf32, #tpu.memory_space<vmem>>
      %dma_start3A_1118 = tpu.memref_squeeze %dma_start3A_1117 : memref<1x32x64xf32, #tpu.memory_space<vmem>> -> memref<32x64xf32, #tpu.memory_space<vmem>>
      %dma_start3A_1119 = arith.constant 0 : i32
      %dma_start3A_1120 = tpu.memref_slice %arg10[%dma_start3A_1113, %dma_start3A_1119] : memref<8x32xi32, #tpu.memory_space<vmem>> -> memref<1x32xi32, #tpu.memory_space<vmem>>
      %dma_start3A_1121 = tpu.memref_squeeze %dma_start3A_1120 : memref<1x32xi32, #tpu.memory_space<vmem>> -> memref<32xi32, #tpu.memory_space<vmem>>
      %dma_start3A_1122 = arith.constant 0 : i32
      %dma_start3A_1123 = arith.constant 0 : i32
      %dma_start3A_1124 = tpu.memref_slice %arg12[%dma_start3A_1122, %dma_start3A_1123] : memref<30000x64xf32, #tpu.memory_space<vmem_shared>> -> memref<30000x64xf32, #tpu.memory_space<vmem_shared>>
      %dma_start3A_1125 = tpu.memref_slice %arg14[%dma_start3A_1114] : memref<4x!tpu.dma_semaphore, #tpu.memory_space<semaphore_mem>> -> memref<1x!tpu.dma_semaphore, #tpu.memory_space<semaphore_mem>>
      %dma_start3A_1126 = tpu.memref_squeeze %dma_start3A_1125 : memref<1x!tpu.dma_semaphore, #tpu.memory_space<semaphore_mem>> -> memref<!tpu.dma_semaphore, #tpu.memory_space<semaphore_mem>>
      tpu.enqueue_indirect_dma source(%dma_start3A_1118 : memref<32x64xf32, #tpu.memory_space<vmem>>) target(%dma_start3A_1124 : memref<30000x64xf32, #tpu.memory_space<vmem_shared>>) offsets(%dma_start3A_1121 : memref<32xi32, #tpu.memory_space<vmem>>) semaphore(%dma_start3A_1126 : memref<!tpu.dma_semaphore, #tpu.memory_space<semaphore_mem>>) {add = true}
      %dma_wait3A_1127 = arith.constant 6 : i32
      %dma_wait3A_1128 = arith.constant 2 : i32
      %dma_wait3A_1129 = arith.constant 2 : i32
      %dma_wait3A_1130 = arith.constant 0 : i32
      %dma_wait3A_1131 = arith.constant 0 : i32
      %dma_wait3A_1132 = tpu.memref_slice %arg11[%dma_wait3A_1128, %dma_wait3A_1130, %dma_wait3A_1131] : memref<4x32x64xf32, #tpu.memory_space<vmem>> -> memref<1x32x64xf32, #tpu.memory_space<vmem>>
      %dma_wait3A_1133 = tpu.memref_squeeze %dma_wait3A_1132 : memref<1x32x64xf32, #tpu.memory_space<vmem>> -> memref<32x64xf32, #tpu.memory_space<vmem>>
      %dma_wait3A_1134 = arith.constant 0 : i32
      %dma_wait3A_1135 = tpu.memref_slice %arg9[%dma_wait3A_1127, %dma_wait3A_1134] : memref<8x32xi32, #tpu.memory_space<vmem>> -> memref<1x32xi32, #tpu.memory_space<vmem>>
      %dma_wait3A_1136 = tpu.memref_squeeze %dma_wait3A_1135 : memref<1x32xi32, #tpu.memory_space<vmem>> -> memref<32xi32, #tpu.memory_space<vmem>>
      %dma_wait3A_1137 = arith.constant 0 : i32
      %dma_wait3A_1138 = arith.constant 0 : i32
      %dma_wait3A_1139 = tpu.memref_slice %arg2[%dma_wait3A_1137, %dma_wait3A_1138] : memref<20000x64xf32, #tpu.memory_space<hbm>> -> memref<20000x64xf32, #tpu.memory_space<hbm>>
      %dma_wait3A_1140 = tpu.memref_slice %arg13[%dma_wait3A_1129] : memref<4x!tpu.dma_semaphore, #tpu.memory_space<semaphore_mem>> -> memref<1x!tpu.dma_semaphore, #tpu.memory_space<semaphore_mem>>
      %dma_wait3A_1141 = tpu.memref_squeeze %dma_wait3A_1140 : memref<1x!tpu.dma_semaphore, #tpu.memory_space<semaphore_mem>> -> memref<!tpu.dma_semaphore, #tpu.memory_space<semaphore_mem>>
      tpu.wait_indirect_dma semaphore(%dma_wait3A_1141 : memref<!tpu.dma_semaphore, #tpu.memory_space<semaphore_mem>>) src(%dma_wait3A_1139 : memref<20000x64xf32, #tpu.memory_space<hbm>>) dst(%dma_wait3A_1133 : memref<32x64xf32, #tpu.memory_space<vmem>>)
      %dma_start3A_1142 = arith.constant 2 : i32
      %dma_start3A_1143 = arith.constant 6 : i32
      %dma_start3A_1144 = arith.constant 2 : i32
      %dma_start3A_1145 = arith.constant 0 : i32
      %dma_start3A_1146 = arith.constant 0 : i32
      %dma_start3A_1147 = tpu.memref_slice %arg11[%dma_start3A_1142, %dma_start3A_1145, %dma_start3A_1146] : memref<4x32x64xf32, #tpu.memory_space<vmem>> -> memref<1x32x64xf32, #tpu.memory_space<vmem>>
      %dma_start3A_1148 = tpu.memref_squeeze %dma_start3A_1147 : memref<1x32x64xf32, #tpu.memory_space<vmem>> -> memref<32x64xf32, #tpu.memory_space<vmem>>
      %dma_start3A_1149 = arith.constant 0 : i32
      %dma_start3A_1150 = tpu.memref_slice %arg10[%dma_start3A_1143, %dma_start3A_1149] : memref<8x32xi32, #tpu.memory_space<vmem>> -> memref<1x32xi32, #tpu.memory_space<vmem>>
      %dma_start3A_1151 = tpu.memref_squeeze %dma_start3A_1150 : memref<1x32xi32, #tpu.memory_space<vmem>> -> memref<32xi32, #tpu.memory_space<vmem>>
      %dma_start3A_1152 = arith.constant 0 : i32
      %dma_start3A_1153 = arith.constant 0 : i32
      %dma_start3A_1154 = tpu.memref_slice %arg12[%dma_start3A_1152, %dma_start3A_1153] : memref<30000x64xf32, #tpu.memory_space<vmem_shared>> -> memref<30000x64xf32, #tpu.memory_space<vmem_shared>>
      %dma_start3A_1155 = tpu.memref_slice %arg14[%dma_start3A_1144] : memref<4x!tpu.dma_semaphore, #tpu.memory_space<semaphore_mem>> -> memref<1x!tpu.dma_semaphore, #tpu.memory_space<semaphore_mem>>
      %dma_start3A_1156 = tpu.memref_squeeze %dma_start3A_1155 : memref<1x!tpu.dma_semaphore, #tpu.memory_space<semaphore_mem>> -> memref<!tpu.dma_semaphore, #tpu.memory_space<semaphore_mem>>
      tpu.enqueue_indirect_dma source(%dma_start3A_1148 : memref<32x64xf32, #tpu.memory_space<vmem>>) target(%dma_start3A_1154 : memref<30000x64xf32, #tpu.memory_space<vmem_shared>>) offsets(%dma_start3A_1151 : memref<32xi32, #tpu.memory_space<vmem>>) semaphore(%dma_start3A_1156 : memref<!tpu.dma_semaphore, #tpu.memory_space<semaphore_mem>>) {add = true}
      %dma_wait3A_1157 = arith.constant 7 : i32
      %dma_wait3A_1158 = arith.constant 3 : i32
      %dma_wait3A_1159 = arith.constant 3 : i32
      %dma_wait3A_1160 = arith.constant 0 : i32
      %dma_wait3A_1161 = arith.constant 0 : i32
      %dma_wait3A_1162 = tpu.memref_slice %arg11[%dma_wait3A_1158, %dma_wait3A_1160, %dma_wait3A_1161] : memref<4x32x64xf32, #tpu.memory_space<vmem>> -> memref<1x32x64xf32, #tpu.memory_space<vmem>>
      %dma_wait3A_1163 = tpu.memref_squeeze %dma_wait3A_1162 : memref<1x32x64xf32, #tpu.memory_space<vmem>> -> memref<32x64xf32, #tpu.memory_space<vmem>>
      %dma_wait3A_1164 = arith.constant 0 : i32
      %dma_wait3A_1165 = tpu.memref_slice %arg9[%dma_wait3A_1157, %dma_wait3A_1164] : memref<8x32xi32, #tpu.memory_space<vmem>> -> memref<1x32xi32, #tpu.memory_space<vmem>>
      %dma_wait3A_1166 = tpu.memref_squeeze %dma_wait3A_1165 : memref<1x32xi32, #tpu.memory_space<vmem>> -> memref<32xi32, #tpu.memory_space<vmem>>
      %dma_wait3A_1167 = arith.constant 0 : i32
      %dma_wait3A_1168 = arith.constant 0 : i32
      %dma_wait3A_1169 = tpu.memref_slice %arg2[%dma_wait3A_1167, %dma_wait3A_1168] : memref<20000x64xf32, #tpu.memory_space<hbm>> -> memref<20000x64xf32, #tpu.memory_space<hbm>>
      %dma_wait3A_1170 = tpu.memref_slice %arg13[%dma_wait3A_1159] : memref<4x!tpu.dma_semaphore, #tpu.memory_space<semaphore_mem>> -> memref<1x!tpu.dma_semaphore, #tpu.memory_space<semaphore_mem>>
      %dma_wait3A_1171 = tpu.memref_squeeze %dma_wait3A_1170 : memref<1x!tpu.dma_semaphore, #tpu.memory_space<semaphore_mem>> -> memref<!tpu.dma_semaphore, #tpu.memory_space<semaphore_mem>>
      tpu.wait_indirect_dma semaphore(%dma_wait3A_1171 : memref<!tpu.dma_semaphore, #tpu.memory_space<semaphore_mem>>) src(%dma_wait3A_1169 : memref<20000x64xf32, #tpu.memory_space<hbm>>) dst(%dma_wait3A_1163 : memref<32x64xf32, #tpu.memory_space<vmem>>)
      %dma_start3A_1172 = arith.constant 3 : i32
      %dma_start3A_1173 = arith.constant 7 : i32
      %dma_start3A_1174 = arith.constant 3 : i32
      %dma_start3A_1175 = arith.constant 0 : i32
      %dma_start3A_1176 = arith.constant 0 : i32
      %dma_start3A_1177 = tpu.memref_slice %arg11[%dma_start3A_1172, %dma_start3A_1175, %dma_start3A_1176] : memref<4x32x64xf32, #tpu.memory_space<vmem>> -> memref<1x32x64xf32, #tpu.memory_space<vmem>>
      %dma_start3A_1178 = tpu.memref_squeeze %dma_start3A_1177 : memref<1x32x64xf32, #tpu.memory_space<vmem>> -> memref<32x64xf32, #tpu.memory_space<vmem>>
      %dma_start3A_1179 = arith.constant 0 : i32
      %dma_start3A_1180 = tpu.memref_slice %arg10[%dma_start3A_1173, %dma_start3A_1179] : memref<8x32xi32, #tpu.memory_space<vmem>> -> memref<1x32xi32, #tpu.memory_space<vmem>>
      %dma_start3A_1181 = tpu.memref_squeeze %dma_start3A_1180 : memref<1x32xi32, #tpu.memory_space<vmem>> -> memref<32xi32, #tpu.memory_space<vmem>>
      %dma_start3A_1182 = arith.constant 0 : i32
      %dma_start3A_1183 = arith.constant 0 : i32
      %dma_start3A_1184 = tpu.memref_slice %arg12[%dma_start3A_1182, %dma_start3A_1183] : memref<30000x64xf32, #tpu.memory_space<vmem_shared>> -> memref<30000x64xf32, #tpu.memory_space<vmem_shared>>
      %dma_start3A_1185 = tpu.memref_slice %arg14[%dma_start3A_1174] : memref<4x!tpu.dma_semaphore, #tpu.memory_space<semaphore_mem>> -> memref<1x!tpu.dma_semaphore, #tpu.memory_space<semaphore_mem>>
      %dma_start3A_1186 = tpu.memref_squeeze %dma_start3A_1185 : memref<1x!tpu.dma_semaphore, #tpu.memory_space<semaphore_mem>> -> memref<!tpu.dma_semaphore, #tpu.memory_space<semaphore_mem>>
      tpu.enqueue_indirect_dma source(%dma_start3A_1178 : memref<32x64xf32, #tpu.memory_space<vmem>>) target(%dma_start3A_1184 : memref<30000x64xf32, #tpu.memory_space<vmem_shared>>) offsets(%dma_start3A_1181 : memref<32xi32, #tpu.memory_space<vmem>>) semaphore(%dma_start3A_1186 : memref<!tpu.dma_semaphore, #tpu.memory_space<semaphore_mem>>) {add = true}
    }
    %dma_wait3A = arith.constant 0 : i32
    %dma_wait3A_38 = arith.constant 0 : i32
    %dma_wait3A_39 = arith.constant 0 : i32
    %dma_wait3A_40 = arith.constant 0 : i32
    %dma_wait3A_41 = arith.constant 0 : i32
    %dma_wait3A_42 = tpu.memref_slice %arg11[%dma_wait3A, %dma_wait3A_40, %dma_wait3A_41] : memref<4x32x64xf32, #tpu.memory_space<vmem>> -> memref<1x32x64xf32, #tpu.memory_space<vmem>>
    %dma_wait3A_43 = tpu.memref_squeeze %dma_wait3A_42 : memref<1x32x64xf32, #tpu.memory_space<vmem>> -> memref<32x64xf32, #tpu.memory_space<vmem>>
    %dma_wait3A_44 = arith.constant 0 : i32
    %dma_wait3A_45 = tpu.memref_slice %arg10[%dma_wait3A_38, %dma_wait3A_44] : memref<8x32xi32, #tpu.memory_space<vmem>> -> memref<1x32xi32, #tpu.memory_space<vmem>>
    %dma_wait3A_46 = tpu.memref_squeeze %dma_wait3A_45 : memref<1x32xi32, #tpu.memory_space<vmem>> -> memref<32xi32, #tpu.memory_space<vmem>>
    %dma_wait3A_47 = arith.constant 0 : i32
    %dma_wait3A_48 = arith.constant 0 : i32
    %dma_wait3A_49 = tpu.memref_slice %arg12[%dma_wait3A_47, %dma_wait3A_48] : memref<30000x64xf32, #tpu.memory_space<vmem_shared>> -> memref<30000x64xf32, #tpu.memory_space<vmem_shared>>
    %dma_wait3A_50 = tpu.memref_slice %arg14[%dma_wait3A_39] : memref<4x!tpu.dma_semaphore, #tpu.memory_space<semaphore_mem>> -> memref<1x!tpu.dma_semaphore, #tpu.memory_space<semaphore_mem>>
    %dma_wait3A_51 = tpu.memref_squeeze %dma_wait3A_50 : memref<1x!tpu.dma_semaphore, #tpu.memory_space<semaphore_mem>> -> memref<!tpu.dma_semaphore, #tpu.memory_space<semaphore_mem>>
    tpu.wait_indirect_dma semaphore(%dma_wait3A_51 : memref<!tpu.dma_semaphore, #tpu.memory_space<semaphore_mem>>) src(%dma_wait3A_43 : memref<32x64xf32, #tpu.memory_space<vmem>>) dst(%dma_wait3A_49 : memref<30000x64xf32, #tpu.memory_space<vmem_shared>>)
    %dma_wait3A_52 = arith.constant 1 : i32
    %dma_wait3A_53 = arith.constant 0 : i32
    %dma_wait3A_54 = arith.constant 1 : i32
    %dma_wait3A_55 = arith.constant 0 : i32
    %dma_wait3A_56 = arith.constant 0 : i32
    %dma_wait3A_57 = tpu.memref_slice %arg11[%dma_wait3A_52, %dma_wait3A_55, %dma_wait3A_56] : memref<4x32x64xf32, #tpu.memory_space<vmem>> -> memref<1x32x64xf32, #tpu.memory_space<vmem>>
    %dma_wait3A_58 = tpu.memref_squeeze %dma_wait3A_57 : memref<1x32x64xf32, #tpu.memory_space<vmem>> -> memref<32x64xf32, #tpu.memory_space<vmem>>
    %dma_wait3A_59 = arith.constant 0 : i32
    %dma_wait3A_60 = tpu.memref_slice %arg10[%dma_wait3A_53, %dma_wait3A_59] : memref<8x32xi32, #tpu.memory_space<vmem>> -> memref<1x32xi32, #tpu.memory_space<vmem>>
    %dma_wait3A_61 = tpu.memref_squeeze %dma_wait3A_60 : memref<1x32xi32, #tpu.memory_space<vmem>> -> memref<32xi32, #tpu.memory_space<vmem>>
    %dma_wait3A_62 = arith.constant 0 : i32
    %dma_wait3A_63 = arith.constant 0 : i32
    %dma_wait3A_64 = tpu.memref_slice %arg12[%dma_wait3A_62, %dma_wait3A_63] : memref<30000x64xf32, #tpu.memory_space<vmem_shared>> -> memref<30000x64xf32, #tpu.memory_space<vmem_shared>>
    %dma_wait3A_65 = tpu.memref_slice %arg14[%dma_wait3A_54] : memref<4x!tpu.dma_semaphore, #tpu.memory_space<semaphore_mem>> -> memref<1x!tpu.dma_semaphore, #tpu.memory_space<semaphore_mem>>
    %dma_wait3A_66 = tpu.memref_squeeze %dma_wait3A_65 : memref<1x!tpu.dma_semaphore, #tpu.memory_space<semaphore_mem>> -> memref<!tpu.dma_semaphore, #tpu.memory_space<semaphore_mem>>
    tpu.wait_indirect_dma semaphore(%dma_wait3A_66 : memref<!tpu.dma_semaphore, #tpu.memory_space<semaphore_mem>>) src(%dma_wait3A_58 : memref<32x64xf32, #tpu.memory_space<vmem>>) dst(%dma_wait3A_64 : memref<30000x64xf32, #tpu.memory_space<vmem_shared>>)
    %dma_wait3A_67 = arith.constant 2 : i32
    %dma_wait3A_68 = arith.constant 0 : i32
    %dma_wait3A_69 = arith.constant 2 : i32
    %dma_wait3A_70 = arith.constant 0 : i32
    %dma_wait3A_71 = arith.constant 0 : i32
    %dma_wait3A_72 = tpu.memref_slice %arg11[%dma_wait3A_67, %dma_wait3A_70, %dma_wait3A_71] : memref<4x32x64xf32, #tpu.memory_space<vmem>> -> memref<1x32x64xf32, #tpu.memory_space<vmem>>
    %dma_wait3A_73 = tpu.memref_squeeze %dma_wait3A_72 : memref<1x32x64xf32, #tpu.memory_space<vmem>> -> memref<32x64xf32, #tpu.memory_space<vmem>>
    %dma_wait3A_74 = arith.constant 0 : i32
    %dma_wait3A_75 = tpu.memref_slice %arg10[%dma_wait3A_68, %dma_wait3A_74] : memref<8x32xi32, #tpu.memory_space<vmem>> -> memref<1x32xi32, #tpu.memory_space<vmem>>
    %dma_wait3A_76 = tpu.memref_squeeze %dma_wait3A_75 : memref<1x32xi32, #tpu.memory_space<vmem>> -> memref<32xi32, #tpu.memory_space<vmem>>
    %dma_wait3A_77 = arith.constant 0 : i32
    %dma_wait3A_78 = arith.constant 0 : i32
    %dma_wait3A_79 = tpu.memref_slice %arg12[%dma_wait3A_77, %dma_wait3A_78] : memref<30000x64xf32, #tpu.memory_space<vmem_shared>> -> memref<30000x64xf32, #tpu.memory_space<vmem_shared>>
    %dma_wait3A_80 = tpu.memref_slice %arg14[%dma_wait3A_69] : memref<4x!tpu.dma_semaphore, #tpu.memory_space<semaphore_mem>> -> memref<1x!tpu.dma_semaphore, #tpu.memory_space<semaphore_mem>>
    %dma_wait3A_81 = tpu.memref_squeeze %dma_wait3A_80 : memref<1x!tpu.dma_semaphore, #tpu.memory_space<semaphore_mem>> -> memref<!tpu.dma_semaphore, #tpu.memory_space<semaphore_mem>>
    tpu.wait_indirect_dma semaphore(%dma_wait3A_81 : memref<!tpu.dma_semaphore, #tpu.memory_space<semaphore_mem>>) src(%dma_wait3A_73 : memref<32x64xf32, #tpu.memory_space<vmem>>) dst(%dma_wait3A_79 : memref<30000x64xf32, #tpu.memory_space<vmem_shared>>)
    %dma_wait3A_82 = arith.constant 3 : i32
    %dma_wait3A_83 = arith.constant 0 : i32
    %dma_wait3A_84 = arith.constant 3 : i32
    %dma_wait3A_85 = arith.constant 0 : i32
    %dma_wait3A_86 = arith.constant 0 : i32
    %dma_wait3A_87 = tpu.memref_slice %arg11[%dma_wait3A_82, %dma_wait3A_85, %dma_wait3A_86] : memref<4x32x64xf32, #tpu.memory_space<vmem>> -> memref<1x32x64xf32, #tpu.memory_space<vmem>>
    %dma_wait3A_88 = tpu.memref_squeeze %dma_wait3A_87 : memref<1x32x64xf32, #tpu.memory_space<vmem>> -> memref<32x64xf32, #tpu.memory_space<vmem>>
    %dma_wait3A_89 = arith.constant 0 : i32
    %dma_wait3A_90 = tpu.memref_slice %arg10[%dma_wait3A_83, %dma_wait3A_89] : memref<8x32xi32, #tpu.memory_space<vmem>> -> memref<1x32xi32, #tpu.memory_space<vmem>>
    %dma_wait3A_91 = tpu.memref_squeeze %dma_wait3A_90 : memref<1x32xi32, #tpu.memory_space<vmem>> -> memref<32xi32, #tpu.memory_space<vmem>>
    %dma_wait3A_92 = arith.constant 0 : i32
    %dma_wait3A_93 = arith.constant 0 : i32
    %dma_wait3A_94 = tpu.memref_slice %arg12[%dma_wait3A_92, %dma_wait3A_93] : memref<30000x64xf32, #tpu.memory_space<vmem_shared>> -> memref<30000x64xf32, #tpu.memory_space<vmem_shared>>
    %dma_wait3A_95 = tpu.memref_slice %arg14[%dma_wait3A_84] : memref<4x!tpu.dma_semaphore, #tpu.memory_space<semaphore_mem>> -> memref<1x!tpu.dma_semaphore, #tpu.memory_space<semaphore_mem>>
    %dma_wait3A_96 = tpu.memref_squeeze %dma_wait3A_95 : memref<1x!tpu.dma_semaphore, #tpu.memory_space<semaphore_mem>> -> memref<!tpu.dma_semaphore, #tpu.memory_space<semaphore_mem>>
    tpu.wait_indirect_dma semaphore(%dma_wait3A_96 : memref<!tpu.dma_semaphore, #tpu.memory_space<semaphore_mem>>) src(%dma_wait3A_88 : memref<32x64xf32, #tpu.memory_space<vmem>>) dst(%dma_wait3A_94 : memref<30000x64xf32, #tpu.memory_space<vmem_shared>>)
    %barrier3A_97 = arith.constant 0 : index
    tpu.barrier barrier_id(%barrier3A_97)
    %lt3A_98 = arith.constant 15 : i32
    %lt3A_99 = arith.cmpi slt, %arg1, %lt3A_98 : i32
    %convert_element_type3A_100 = arith.extui %lt3A_99 : i1 to i32
    %cond3A_101 = arith.constant 0 : i32
    %cond3A_102 = arith.cmpi ne, %convert_element_type3A_100, %cond3A_101 : i32
    scf.if %cond3A_102 {
      %mul3A_108 = arith.constant 1880 : i32
      %mul3A_109 = arith.muli %arg1, %mul3A_108 : i32
      %mul3A_110 = arith.constant 1880 : i32
      %mul3A_111 = arith.muli %arg1, %mul3A_110 : i32
      "tpu.region"() ({
        %run_scoped3A = tpu.sem_alloc : memref<!tpu.dma_semaphore, #tpu.memory_space<semaphore_mem>>
        %dma_start3A_112 = arith.constant 0 : i32
        %dma_start3A_113 = tpu.memref_slice %arg6[%arg0, %mul3A_111, %dma_start3A_112] : memref<2x30000x128xf32, #tpu.memory_space<hbm>> -> memref<1x1880x64xf32, #tpu.memory_space<hbm>>
        %dma_start3A_114 = tpu.memref_squeeze %dma_start3A_113 : memref<1x1880x64xf32, #tpu.memory_space<hbm>> -> memref<1880x64xf32, #tpu.memory_space<hbm>>
        %dma_start3A_115 = arith.constant 0 : i32
        %dma_start3A_116 = tpu.memref_slice %arg12[%mul3A_109, %dma_start3A_115] : memref<30000x64xf32, #tpu.memory_space<vmem_shared>> -> memref<1880x64xf32, #tpu.memory_space<vmem_shared>>
        tpu.enqueue_dma source(%dma_start3A_116 : memref<1880x64xf32, #tpu.memory_space<vmem_shared>>) target(%dma_start3A_114 : memref<1880x64xf32, #tpu.memory_space<hbm>>) target_semaphore(%run_scoped3A : memref<!tpu.dma_semaphore, #tpu.memory_space<semaphore_mem>>)
        %dma_wait3A_117 = arith.constant 0 : i32
        %dma_wait3A_118 = tpu.memref_slice %arg6[%arg0, %mul3A_111, %dma_wait3A_117] : memref<2x30000x128xf32, #tpu.memory_space<hbm>> -> memref<1x1880x64xf32, #tpu.memory_space<hbm>>
        %dma_wait3A_119 = tpu.memref_squeeze %dma_wait3A_118 : memref<1x1880x64xf32, #tpu.memory_space<hbm>> -> memref<1880x64xf32, #tpu.memory_space<hbm>>
        %dma_wait3A_120 = arith.constant 0 : i32
        %dma_wait3A_121 = tpu.memref_slice %arg12[%mul3A_109, %dma_wait3A_120] : memref<30000x64xf32, #tpu.memory_space<vmem_shared>> -> memref<1880x64xf32, #tpu.memory_space<vmem_shared>>
        tpu.wait_dma2 semaphore(%run_scoped3A : memref<!tpu.dma_semaphore, #tpu.memory_space<semaphore_mem>>) src(%dma_wait3A_121 : memref<1880x64xf32, #tpu.memory_space<vmem_shared>>) dst(%dma_wait3A_119 : memref<1880x64xf32, #tpu.memory_space<hbm>>)
        tpu.yield
      }) : () -> ()
    } else {
    }
    %eq3A_103 = arith.constant 15 : i32
    %eq3A_104 = arith.cmpi eq, %arg1, %eq3A_103 : i32
    %convert_element_type3A_105 = arith.extui %eq3A_104 : i1 to i32
    %cond3A_106 = arith.constant 0 : i32
    %cond3A_107 = arith.cmpi ne, %convert_element_type3A_105, %cond3A_106 : i32
    scf.if %cond3A_107 {
      "tpu.region"() ({
        %run_scoped3A = tpu.sem_alloc : memref<!tpu.dma_semaphore, #tpu.memory_space<semaphore_mem>>
        %dma_start3A_108 = arith.constant 28200 : i32
        %dma_start3A_109 = arith.constant 0 : i32
        %dma_start3A_110 = tpu.memref_slice %arg6[%arg0, %dma_start3A_108, %dma_start3A_109] : memref<2x30000x128xf32, #tpu.memory_space<hbm>> -> memref<1x1800x64xf32, #tpu.memory_space<hbm>>
        %dma_start3A_111 = tpu.memref_squeeze %dma_start3A_110 : memref<1x1800x64xf32, #tpu.memory_space<hbm>> -> memref<1800x64xf32, #tpu.memory_space<hbm>>
        %dma_start3A_112 = arith.constant 28200 : i32
        %dma_start3A_113 = arith.constant 0 : i32
        %dma_start3A_114 = tpu.memref_slice %arg12[%dma_start3A_112, %dma_start3A_113] : memref<30000x64xf32, #tpu.memory_space<vmem_shared>> -> memref<1800x64xf32, #tpu.memory_space<vmem_shared>>
        tpu.enqueue_dma source(%dma_start3A_114 : memref<1800x64xf32, #tpu.memory_space<vmem_shared>>) target(%dma_start3A_111 : memref<1800x64xf32, #tpu.memory_space<hbm>>) target_semaphore(%run_scoped3A : memref<!tpu.dma_semaphore, #tpu.memory_space<semaphore_mem>>)
        %dma_wait3A_115 = arith.constant 28200 : i32
        %dma_wait3A_116 = arith.constant 0 : i32
        %dma_wait3A_117 = tpu.memref_slice %arg6[%arg0, %dma_wait3A_115, %dma_wait3A_116] : memref<2x30000x128xf32, #tpu.memory_space<hbm>> -> memref<1x1800x64xf32, #tpu.memory_space<hbm>>
        %dma_wait3A_118 = tpu.memref_squeeze %dma_wait3A_117 : memref<1x1800x64xf32, #tpu.memory_space<hbm>> -> memref<1800x64xf32, #tpu.memory_space<hbm>>
        %dma_wait3A_119 = arith.constant 28200 : i32
        %dma_wait3A_120 = arith.constant 0 : i32
        %dma_wait3A_121 = tpu.memref_slice %arg12[%dma_wait3A_119, %dma_wait3A_120] : memref<30000x64xf32, #tpu.memory_space<vmem_shared>> -> memref<1800x64xf32, #tpu.memory_space<vmem_shared>>
        tpu.wait_dma2 semaphore(%run_scoped3A : memref<!tpu.dma_semaphore, #tpu.memory_space<semaphore_mem>>) src(%dma_wait3A_121 : memref<1800x64xf32, #tpu.memory_space<vmem_shared>>) dst(%dma_wait3A_118 : memref<1800x64xf32, #tpu.memory_space<hbm>>)
        tpu.yield
      }) : () -> ()
    } else {
    }
    return
  }
}

</mosaic_0001>

<sc_bundles>
// kernel: _sc_scatter.3.cloned.1.call-start
scs
__scs_entry_jumppad:
0x0: {  	(pc) =	sbr.rel $0x88, $3  }
0x1: {  	(tag) =	ssettag $0x0;
	lr =	simm.s32 $0x1  }
0x2: {  	[smem:$0x3F9E] =	sst lr;
	_ =	strace $0xD0000000  }
0x3: {  	_ = 	snop  }
0x4: {  	_ = 	snop  }
0x5: {  	_ = 	snop  }
0x6: {  	_ = 	snop  }
0x7: {  	_ = 	snop  }
__scs_overlays_trampoline_lowered:
0x8: {  	[smem:$0x3FAD] =	sst s0  }
0x9: {  	[smem:$0x3FAE] =	sst s1  }
0xa: {  	[smem:$0x3FAF] =	sst s2  }
0xb: {  	[smem:$0x3FB0] =	sst s3  }
0xc: {  	[smem:$0x3FB1] =	sst s4  }
0xd: {  	[smem:$0x3FB2] =	sst s5  }
0xe: {  	[smem:$0x3FB3] =	sst s6  }
0xf: {  	[smem:$0x3FB4] =	sst s7  }
0x10: {  	[smem:$0x3FB5] =	sst s8  }
0x11: {  	[smem:$0x3FB6] =	sst s9;
	s0 =	simm.s32 @!p0 $0x0  }
0x12: {  	s1 =	sld [smem:$0x3F9C];
	s0 =	simm.s32 @p0 $0x1  }
0x13: {  	[smem:$0x3FB7] =	sst s0;
	s0 =	simm.s32 @!p1 $0x0  }
0x14: {  	s2 =	sld [smem:$0x3F9B];
	s0 =	simm.s32 @p1 $0x1  }
0x15: {  	[smem:$0x3FB8] =	sst s0;
	s0 =	simm.s32 @!p2 $0x0  }
0x16: {  	s3 =	sld [smem:$0x3FDB];
	s0 =	simm.s32 @p2 $0x1  }
0x17: {  	s4 =	simm.s32 $0x1BF5;
	[smem:$0x3FBA] =	sst s0  }
0x18: {  	s0 =	sld [smem:$0x3F9D];
	_ =	swait.ge [sflag:s4], $0x0  }
0x19: {  	s7 =	sld [smem:$0x3F9E]  }
0x1a: {  	s8 =	sadd.s32 $0xFFFFE003, lr  }
0x1b: {  	s9 =	sadd.s32 $0xFFFFFEF7, lr;
	s5 =	simm.s32 $0xFFFFFFFF;
	p2 =	slt.u32 s8, $0xFFFFF086  }
0x1c: {  	p1 =	slt.u32 s9, $0xF7A;
	s5 =	simm.s32 @!p2 $0x0  }
0x1d: {  	s5 =	simm.s32 @p1 $0x1;
	p0 =	seq.s32 s7, s2  }
0x1e: {  	s7 =	smul.u32 @!p0 $0xF7A, s2;
	p2 =	seq.s32 @!p0 s5, $0x0  }
0x1f: {  	s9 =	smul.u32 $0xF7A, s1;
	s8 =	simm.s32 @!p0 $0x1BF5;
	p2 =	por !p2, p0  }
0x20: {  	[sflag:s8] =	ssyncset.s32 @!p0 $0xFFFFF086;
	s6 =	sadd.s32 @!p0 s3, s7;
	s7 =	simm.s32 @!p0 $0x108  }
0x21: {  	s3 =	sadd.s32 s3, s9;
	s6 =	sadd.s32 @!p0 $0x88, s6;
	s7 =	simm.s32 @p2 $0x1082  }
0x22: {  	[simem:s7], [sflag:s8] =	dma.local @!p0 [hbm:s6], $0xF7A  }
0x23: {  	s9 =	sor.u32 $0xD0000000, s2;
	s6 =	simm.s32 $0x108;
	_ =	swait.ge @!p0 [sflag:s8], $0x0  }
0x24: {  	s3 =	sadd.s32 $0x88, s3;
	s6 =	simm.s32 @!p1 $0x1082;
	[sflag:s4] =	ssyncset.s32 $0xFFFFF086  }
0x25: {  	[simem:s6], [sflag:s4] =	dma.local [hbm:s3], $0xF7A  }
0x26: {  	[smem:$0x3F9E] =	sst s1;
	(tag) =	ssettag s2;
	_ =	strace s9  }
0x27: {  	s1 =	sld [smem:$0x3FAE]  }
0x28: {  	s2 =	sld [smem:$0x3FAF]  }
0x29: {  	s4 =	sld [smem:$0x3FB1]  }
0x2a: {  	p0 =	seq.s32 s5, $0x0;
	s5 =	sld [smem:$0x3FB2]  }
0x2b: {  	s6 =	sld [smem:$0x3FB3]  }
0x2c: {  	s7 =	sld [smem:$0x3FB4]  }
0x2d: {  	s3 =	simm.s32 $0x108;
	s8 =	sld [smem:$0x3FB5]  }
0x2e: {  	s3 =	simm.s32 @!p0 $0x1082;
	s9 =	sld [smem:$0x3FB6]  }
0x2f: {  	lr =	sadd.s32 s0, s3;
	s0 =	sld [smem:$0x3FAD]  }
0x30: {  	s3 =	sld [smem:$0x3FB0]  }
0x31: {  	[smem:$0x3FB9] =	sst s10  }
0x32: {  	s10 =	sld [smem:$0x3FB7];
	_ =	sdelay $0x3  }
0x33: {  	p0 =	seq.s32 s10, $0x1;
	s10 =	sld [smem:$0x3FB9];
	_ =	sdelay $0x3  }
0x34: {  	[smem:$0x3FB9] =	sst s10  }
0x35: {  	s10 =	sld [smem:$0x3FB8];
	_ =	sdelay $0x3  }
0x36: {  	p1 =	seq.s32 s10, $0x1;
	s10 =	sld [smem:$0x3FB9];
	_ =	sdelay $0x3  }
0x37: {  	[smem:$0x3FB9] =	sst s10  }
0x38: {  	s10 =	sld [smem:$0x3FBA]  }
0x39: {  	_ = 	snop;
	(pc) =	sbr.ind lr, $3  }
0x3a: {  	_ = 	snop  }
0x3b: {  	_ = 	snop  }
0x3c: {  	p2 =	seq.s32 s10, $0x1;
	s10 =	sld [smem:$0x3FB9]  }
0x3d: {  	_ =	shalt  }
0x3e: {  	_ =	shalt  }
0x3f: {  	_ =	shalt  }
0x40: {  	_ =	shalt  }
0x41: {  	_ =	shalt  }
0x42: {  	_ =	shalt  }
0x43: {  	_ =	shalt  }
0x44: {  	_ =	shalt  }
0x45: {  	_ =	shalt  }
0x46: {  	_ =	shalt  }
0x47: {  	_ =	shalt  }
0x48: {  	_ =	shalt  }
0x49: {  	_ =	shalt  }
0x4a: {  	_ =	shalt  }
0x4b: {  	_ =	shalt  }
0x4c: {  	_ =	shalt  }
0x4d: {  	_ =	shalt  }
0x4e: {  	_ =	shalt  }
0x4f: {  	_ =	shalt  }
0x50: {  	_ =	shalt  }
0x51: {  	_ =	shalt  }
0x52: {  	_ =	shalt  }
0x53: {  	_ =	shalt  }
0x54: {  	_ =	shalt  }
0x55: {  	_ =	shalt  }
0x56: {  	_ =	shalt  }
0x57: {  	_ =	shalt  }
0x58: {  	_ =	shalt  }
0x59: {  	_ =	shalt  }
0x5a: {  	_ =	shalt  }
0x5b: {  	_ =	shalt  }
0x5c: {  	_ =	shalt  }
0x5d: {  	_ =	shalt  }
0x5e: {  	_ =	shalt  }
0x5f: {  	_ =	shalt  }
0x60: {  	_ =	shalt  }
0x61: {  	_ =	shalt  }
0x62: {  	_ =	shalt  }
0x63: {  	_ =	shalt  }
0x64: {  	_ =	shalt  }
0x65: {  	_ =	shalt  }
0x66: {  	_ =	shalt  }
0x67: {  	_ =	shalt  }
0x68: {  	_ =	shalt  }
0x69: {  	_ =	shalt  }
0x6a: {  	_ =	shalt  }
0x6b: {  	_ =	shalt  }
0x6c: {  	_ =	shalt  }
0x6d: {  	_ =	shalt  }
0x6e: {  	_ =	shalt  }
0x6f: {  	_ =	shalt  }
0x70: {  	_ =	shalt  }
0x71: {  	_ =	shalt  }
0x72: {  	_ =	shalt  }
0x73: {  	_ =	shalt  }
0x74: {  	_ =	shalt  }
0x75: {  	_ =	shalt  }
0x76: {  	_ =	shalt  }
0x77: {  	_ =	shalt  }
0x78: {  	_ =	shalt  }
0x79: {  	_ =	shalt  }
0x7a: {  	_ =	shalt  }
0x7b: {  	_ =	shalt  }
0x7c: {  	_ =	shalt  }
0x7d: {  	_ =	shalt  }
0x7e: {  	_ =	shalt  }
0x7f: {  	_ =	shalt  }
0x80: {  	_ =	shalt  }
0x81: {  	_ =	shalt  }
0x82: {  	_ =	shalt  }
0x83: {  	_ =	shalt  }
0x84: {  	_ =	shalt  }
0x85: {  	_ =	shalt  }
0x86: {  	_ =	shalt  }
0x87: {  	_ =	shalt  }
.Lfunc_end0:
.L_simem_size_0:
called_computation_lowered:
.L_overlay_start_0:
0x88: {  	s2 =	sld [smem:$0x3FD9]  }
0x89: {  	s3 =	sld [smem:$0x3FFE];
	_ =	sdelay $0x1  }
0x8a: {  	s1 =	srdreg.scid  }
0x8b: {  	s0 =	sand.u32 $0x1, s1  }
0x8c: {  	s17 =	sshll.u32 s0, $0xA;
	s2 =	sadd.s32 s3, s2  }
0x8d: {  	s2 =	sadd.s32 s2, s17  }
0x8e: {  	[smem:$0x3FC5] =	sst s2  }
0x8f: {  	_ = 	snop  }
0x90: {  	s2 =	sld [smem:$0x3FC9]  }
0x91: {  	s18 =	sld [smem:$0x3FC8]  }
0x92: {  	s4 =	sld [smem:$0x3FC7]  }
0x93: {  	s5 =	sld [smem:$0x3FD0];
	(tm) =	ssettm $0x1  }
0x94: {  	s6 =	sld [smem:$0x3FFB];
	_ =	sdelay $0x3  }
0x95: {  	_ =	strace s6  }
0x96: {  	s6 =	sld [smem:$0x3FFC];
	_ =	sdelay $0x3  }
0x97: {  	_ =	strace s6  }
0x98: {  	s6 =	sld [smem:$0x3FFD];
	_ =	sdelay $0x3  }
0x99: {  	_ =	strace s6  }
0x9a: {  	_ =	strace $0x8FFFFFFF  }
0x9b: {  	s19 =	sld [smem:$0x3FDB];
	_ =	sdelay $0x1  }
0x9c: {  	s7 =	simm.s32 $_scs_section_size  }
0x9d: {  	s8 =	simm.s32 $_size__tile_overlayer_lowered;
	s9 =	simm.s32 $_tile_overlayer_lowered  }
0x9e: {  	s22 =	simm.s32 $0x1BFF;
	s21 =	sshll.u32 s9, $0x1;
	s6 =	sadd.s32 s7, s19  }
0x9f: {  	s10 =	simm.s32 $0x0;
	s20 =	sshll.u32 s8, $0x1;
	s8 =	sadd.s32 s21, s6  }
0xa0: {  	[timem:s10], [sflag:s22] =	dma.local [hbm:s8], s20  }
0xa1: {  	_ =	swait.ge [sflag:s22], s20  }
0xa2: {  	s7 =	ssub.s32 $0x0, s20;
	[sflag:s22] =	ssyncset.done $0x0  }
0xa3: {  	[sflag:s22] =	ssyncadd.s32 s7;
	_ =	sdelay $0x1  }
0xa4: {  	s23 =	simm.s32 $0x1B8B  }
0xa5: {  	_ =	swait.ge [sflag:s23], $0x1  }
0xa6: {  	[sflag:s23] =	ssyncset.done $0x0  }
0xa7: {  	s25 =	simm.s32 $0x1B8E;
	s24 =	sld [smem:$0x3FFE];
	[sflag:s23] =	ssyncadd.s32 $0xFFFFFFFF  }
0xa8: {  	s26 =	simm.s32 $execute0_lowered;
	[smem:$0x3FD2] =	sst s25  }
0xa9: {  	s8 =	sshll.u32 s26, $0x1;
	_ =	strace $0x80000046;
	[dreg:$0x1] =	wrdreg $0xFFFFFFFF  }
0xaa: {  	s28 =	simm.s32 $_size_execute0_lowered;
	s6 =	sadd.s32 s6, s8;
	[dreg:$0x0] =	wrdreg $0x0  }
0xab: {  	s8 =	sshll.u32 s28, $0x1;
	[dreg:$0x2] =	wrdreg s6  }
0xac: {  	[dreg:$0x3] =	wrdreg s8  }
0xad: {  	[dreg:$0x4] =	wrdreg $0xC0  }
0xae: {  	_ =	task [dreg:s10], $0x5FFFF  }
0xaf: {  	[dreg:$0x1] =	wrdreg $0xFFFFFFFF  }
0xb0: {  	[dreg:$0x0] =	wrdreg $0x60  }
0xb1: {  	[dreg:$0x2] =	wrdreg s2  }
0xb2: {  	[dreg:$0x3] =	wrdreg s18  }
0xb3: {  	[dreg:$0x4] =	wrdreg s4  }
0xb4: {  	[dreg:$0x5] =	wrdreg s24  }
0xb5: {  	[dreg:$0x6] =	wrdreg s5  }
0xb6: {  	[dreg:$0x7] =	wrdreg $0x26000  }
0xb7: {  	[dreg:$0x8] =	wrdreg $0x9  }
0xb8: {  	_ =	task.clear_ibuf [dreg:s10], $0x9FFFF;
	_ =	strace $0x90000046  }
0xb9: {  	s29 =	simm.s32 $0x9;
	_ =	strace $0x80000048  }
0xba: {  	_ =	swait.ge [sflag:s29], $0x1  }
0xbb: {  	[sflag:s29] =	ssyncadd.s32 $0xFFFFFFFF  }
0xbc: {  	_ =	strace $0x90000048  }
0xbd: {  	_ =	sfence  }
0xbe: {  	s30 =	sld [smem:$0x0];
	_ =	sdelay $0x2  }
0xbf: {  	s31 =	sshll.u32 s1, $0xD;
	s1 =	sshrl.u32 s1, $0x2  }
0xc0: {  	s3 =	sand.u32 $0x4000, s31;
	s1 =	sadd.s32 s1, s30  }
0xc1: {  	s0 =	sor.u32 s3, s0;
	s1 =	sshll.u32 s1, $0x11  }
0xc2: {  	s0 =	sor.u32 s1, s0  }
0xc3: {  	s0 =	sadd.s32 $0x8F2B, s0  }
0xc4: {  	[sflag:s0] =	ssyncadd.remote.s32 $0x1  }
0xc5: {  	_ =	sfence.sel $0xFFFF  }
0xc6: {  	[dreg:$0x0] =	wrdreg $0xFFFFFFFF;
	(pc) =	sbr.abs _section_cstart, $3  }
0xc7: {  	[dreg:$0x1] =	wrdreg $0xFFFFFFFF  }
0xc8: {  	_ =	task.clear_ibuf [dreg:s10], $0x2FFFF;
	_ =	strace $0x9FFFFFFF  }
0xc9: {  	(tm) =	ssettm $0x7FFFFFFF  }
tec
execute0_lowered:
.L_overlay_start_1:
0x0: {  	(tag) =	ssettag $0x1  }
0x1: {  	s1 =	rddreg [dreg:$0x0]  }
0x2: {  	s2 =	rddreg [dreg:$0x1]  }
0x3: {  	s4 =	rddreg [dreg:$0x2]  }
0x4: {  	s5 =	rddreg [dreg:$0x3]  }
0x5: {  	s6 =	rddreg [dreg:$0x4]  }
0x6: {  	s3 =	rddreg [dreg:$0x5]  }
0x7: {  	s0 =	srdreg.scid;
	s7 =	simm.s32 $0x0;
	s14 =	stileid.u32  }
0x8: {  	s15 =	simm.s32 $0x500;
	s16 =	simm.s32 $0x520;
	s17 =	simm.s32 $0x540  }
0x9: {  	s18 =	simm.s32 $0x560;
	s19 =	simm.s32 $0x480;
	s20 =	simm.s32 $0x4A0  }
0xa: {  	s21 =	simm.s32 $0x4C0;
	s22 =	simm.s32 $0x4E0;
	s28 =	simm.s32 $0x5  }
0xb: {  	s29 =	simm.s32 $0x6;
	s30 =	simm.s32 $0x7;
	[smem:$0x7FF] =	sst s7  }
0xc: {  	s31 =	simm.s32 $0x8;
	_ =	strace $0x80000047;
	[dreg:$0x9] =	wrdreg s15  }
0xd: {  	s0 =	sand.u32 $0x1, s0;
	s8 =	smul.u32 $0x75800, s14;
	[dreg:$0xa] =	wrdreg s16  }
0xe: {  	s10 =	smul.u32 $0x4E00, s14;
	s5 =	sadd.s32 $0x400, s5;
	[dreg:$0xb] =	wrdreg s17  }
0xf: {  	s11 =	smul.u32 $0x3AC00, s14;
	s12 =	sadd.s32 $0x1B8A00, s3;
	[dreg:$0xc] =	wrdreg s18  }
0x10: {  	s25 =	smul.u32 $0x9C0, s14;
	p0 =	seq.s32 s14, $0xF;
	[dreg:$0xd] =	wrdreg s19  }
0x11: {  	s23 =	ssub.s32 $0x2, s0;
	s24 =	smul.u32 $0x3A9800, s0;
	[dreg:$0xe] =	wrdreg s20  }
0x12: {  	s17 =	simm.s32 $0x9;
	s18 =	simm.s32 $0x20;
	[dreg:$0xf] =	wrdreg s21  }
0x13: {  	s19 =	simm.s32 $0x1E00;
	s20 =	simm.s32 $0x1;
	[dreg:$0x10] =	wrdreg s22  }
0x14: {  	s21 =	simm.s32 $0x600;
	s22 =	simm.s32 $0x2;
	v0 =	vmov s0;
	s0 =	simm.s32 $0x0  }
0x15: {  	s9 =	sshrl.u32 s23, $0x1;
	s8 =	sshrl.u32 s8, $0x2;
	s10 =	sshrl.u32 s10, $0x3  }
0x16: {  	s7 =	ssub.s32 s23, s9;
	s8 =	sadd.s32 s8, s3;
	s13 =	sadd.s32 s2, s10  }
0x17: {  	s11 =	sadd.s32 s11, s24;
	s9 =	sshrl.u32 s24, $0x3;
	s10 =	sadd.s32 s4, s10  }
0x18: {  	s4 =	sadd.s32 s25, s4;
	s2 =	sadd.s32 s25, s2;
	[dreg:$0x15] =	wrdreg s13  }
0x19: {  	s23 =	simm.s32 $0x580;
	s24 =	simm.s32 $0x5A0;
	[dreg:$0x16] =	wrdreg s10  }
0x1a: {  	s25 =	simm.s32 $0x5C0;
	s26 =	sshrl.u32 s11, $0x3;
	[dreg:$0x11] =	wrdreg s23  }
0x1b: {  	s9 =	sadd.s32 s6, s9;
	s10 =	smax.u32 s7, $0x1;
	[dreg:$0x12] =	wrdreg s24  }
0x1c: {  	s4 =	sadd.s32 $0x20, s4;
	s11 =	simm.s32 $0x460;
	[dreg:$0x13] =	wrdreg s25  }
0x1d: {  	s13 =	sshrl.u32 @p0 s12, $0x3;
	s7 =	sshll.u32 @!p0 s14, $0x6;
	[dreg:$0x19] =	wrdreg s10  }
0x1e: {  	s15 =	sshrl.u32 @!p0 s8, $0x3;
	s23 =	simm.s32 $0xE00;
	[dreg:$0x1a] =	wrdreg s4  }
0x1f: {  	s24 =	simm.s32 $0x3;
	s6 =	sadd.s32 s6, s26;
	[dreg:$0x8] =	wrdreg s11  }
0x20: {  	s25 =	simm.s32 $0x1600;
	s9 =	sadd.s32 $0x6E280, s9;
	[dreg:$0x17] =	wrdreg s6  }
0x21: {  	s4 =	sadd.s32 $0x20, s2;
	s26 =	simm.s32 $0x5E0;
	[dreg:$0x18] =	wrdreg s9  }
0x22: {  	s14 =	sor.u32 @!p0 $0x1C0A, s7;
	[dreg:$0x14] =	wrdreg s26;
	s26 =	simm.s32 $0x4  }
.LBB2_1:
0x23: {  	s2 =	simm.s32 @p0 $0x1FCA  }
0x24: {  	[spmem:s13], [sflag:s2] =	dma.local @p0 [hbm:s5], $0x3840  }
0x25: {  	s2 =	simm.s32 @p0 $0xA  }
0x26: {  	_ =	swait.ge @p0 [sflag:s2], $0x3840  }
0x27: {  	[sflag:s2] =	ssyncset.done @p0 $0x0  }
0x28: {  	[sflag:s2] =	ssyncadd.s32 @p0 $0xFFFFC7C0;
	s2 =	simm.s32 @!p0 $0xA  }
0x29: {  	[spmem:s15], [sflag:s14] =	dma.local @!p0 [hbm:s5], $0x3AC0  }
0x2a: {  	_ =	swait.ge @!p0 [sflag:s2], $0x3AC0  }
0x2b: {  	[sflag:s2] =	ssyncset.done @!p0 $0x0  }
0x2c: {  	[sflag:s2] =	ssyncadd.s32 @!p0 $0xFFFFC540  }
0x2d: {  	[bflag:$0x0] =	sbarrier.arrive $0xFFFF  }
0x2e: {  	s2 =	simm.s32 @!p0 $0x4E;
	s7 =	rddreg [dreg:$0x15]  }
0x2f: {  	s2 =	simm.s32 @p0 $0x50;
	s12 =	rddreg [dreg:$0x16]  }
0x30: {  	s6 =	simm.s32 $0x0;
	s16 =	sshll.u32 s2, $0x8;
	s11 =	rddreg [dreg:$0x1a]  }
0x31: {  	[tilespmem:s6], [sflag:$0x9] =	stream.linear.gather [hbm4b:s7+s6], $0x100, $0x38;
	[tilespmem:$0x1FAC0] =	vst v63  }
0x32: {  	s8 =	simm.s32 $0x200;
	[dreg:$0x7] =	wrdreg s16  }
0x33: {  	[tilespmem:s8], [sflag:$0x9] =	stream.linear.gather [hbm4b:s12+s6], $0x100, $0x38;
	[tilespmem:$0x1FAC0] =	vst v63  }
0x34: {  	s16 =	simm.s32 $0x1;
	s7 =	simm.s32 $0x0;
	s12 =	smov.u32 s4  }
.LBB2_2:
0x35: {  	_ =	swait.ge [sflag:s17], $0x100  }
0x36: {  	[sflag:s17] =	ssyncset.done $0x0  }
0x37: {  	[sflag:s17] =	ssyncadd.s32 $0xFFFFFF00  }
0x38: {  	_ =	swait.ge [sflag:s17], $0x100  }
0x39: {  	p1 =	sge.u32 s16, s2;
	s8 =	sand.u32 $0x100, s7;
	[sflag:s17] =	ssyncset.done $0x0  }
0x3a: {  	s9 =	ssub.s32 @!p1 $0x100, s8;
	s10 =	simm.s32 @!p1 $0x0;
	[sflag:s17] =	ssyncadd.s32 $0xFFFFFF00  }
0x3b: {  	[tilespmem:s9], [sflag:$0x9] =	stream.linear.gather @!p1 [hbm4b:s12+s10], $0x100, $0x38;
	[tilespmem:$0x1FAC0] =	vst v63  }
0x3c: {  	s9 =	ssub.s32 @!p1 $0x300, s8  }
0x3d: {  	[tilespmem:s9], [sflag:$0x9] =	stream.linear.gather @!p1 [hbm4b:s11+s10], $0x100, $0x38;
	[tilespmem:$0x1FAC0] =	vst v63  }
0x3e: {  	v1 =	vld [tilespmem:s8+$0x0];
	_ =	sdelay $0x4  }
0x3f: {  	vm0 =	vgt.s32 v1, $0x4E1F;
	v2 =	vadd.s32 $0xFFFFB1E0, v1  }
0x40: {  	v1 =	vsel vm0, v2, v1  }
0x41: {  	v2 =	vshll.u32 v1, $0x1  }
0x42: {  	vm0 =	vgt.s32 v1, $0x270F;
	v1 =	vadd.s32 $0xFFFFB1E0, v2  }
0x43: {  	v1 =	vsel vm0, v1, v2  }
0x44: {  	v1 =	vor.u32 v0, v1  }
0x45: {  	[tilespmem:$0x400] =	vst v1  }
0x46: {  	v1 =	vld [tilespmem:s8+$0x200];
	_ =	sdelay $0x4  }
0x47: {  	s6 =	sor.u32 $0x10, s8;
	[tilespmem:$0x500] =	vst v1  }
0x48: {  	v1 =	vld [tilespmem:s6+$0x0];
	_ =	sdelay $0x4  }
0x49: {  	vm13 =	vgt.s32 v1, $0x4E1F;
	v2 =	vadd.s32 $0xFFFFB1E0, v1  }
0x4a: {  	v1 =	vsel vm13, v2, v1  }
0x4b: {  	v2 =	vshll.u32 v1, $0x1  }
0x4c: {  	vm0 =	vgt.s32 v1, $0x270F;
	v1 =	vadd.s32 $0xFFFFB1E0, v2  }
0x4d: {  	v1 =	vsel vm0, v1, v2  }
0x4e: {  	v1 =	vor.u32 v0, v1  }
0x4f: {  	s10 =	sor.u32 $0x210, s8;
	[tilespmem:$0x410] =	vst v1  }
0x50: {  	v1 =	vld [tilespmem:s10+$0x0];
	_ =	sdelay $0x4  }
0x51: {  	s6 =	sor.u32 $0x20, s8;
	[tilespmem:$0x510] =	vst v1  }
0x52: {  	v1 =	vld [tilespmem:s6+$0x0];
	_ =	sdelay $0x4  }
0x53: {  	vm14 =	vgt.s32 v1, $0x4E1F;
	v2 =	vadd.s32 $0xFFFFB1E0, v1  }
0x54: {  	v1 =	vsel vm14, v2, v1  }
0x55: {  	v2 =	vshll.u32 v1, $0x1  }
0x56: {  	vm0 =	vgt.s32 v1, $0x270F;
	v1 =	vadd.s32 $0xFFFFB1E0, v2  }
0x57: {  	v1 =	vsel vm0, v1, v2  }
0x58: {  	v1 =	vor.u32 v0, v1  }
0x59: {  	s10 =	sor.u32 $0x220, s8;
	[tilespmem:$0x420] =	vst v1  }
0x5a: {  	v1 =	vld [tilespmem:s10+$0x0];
	_ =	sdelay $0x4  }
0x5b: {  	s6 =	sor.u32 $0x30, s8;
	[tilespmem:$0x520] =	vst v1  }
0x5c: {  	v1 =	vld [tilespmem:s6+$0x0];
	_ =	sdelay $0x4  }
0x5d: {  	vm15 =	vgt.s32 v1, $0x4E1F;
	v2 =	vadd.s32 $0xFFFFB1E0, v1  }
0x5e: {  	v1 =	vsel vm15, v2, v1  }
0x5f: {  	v2 =	vshll.u32 v1, $0x1  }
0x60: {  	vm0 =	vgt.s32 v1, $0x270F;
	v1 =	vadd.s32 $0xFFFFB1E0, v2  }
0x61: {  	v1 =	vsel vm0, v1, v2  }
0x62: {  	v1 =	vor.u32 v0, v1  }
0x63: {  	s10 =	sor.u32 $0x230, s8;
	[tilespmem:$0x430] =	vst v1  }
0x64: {  	v1 =	vld [tilespmem:s10+$0x0];
	_ =	sdelay $0x4  }
0x65: {  	s6 =	sor.u32 $0x40, s8;
	[tilespmem:$0x530] =	vst v1  }
0x66: {  	v1 =	vld [tilespmem:s6+$0x0];
	_ =	sdelay $0x4  }
0x67: {  	vm4 =	vgt.s32 v1, $0x4E1F;
	v2 =	vadd.s32 $0xFFFFB1E0, v1  }
0x68: {  	v1 =	vsel vm4, v2, v1  }
0x69: {  	v2 =	vshll.u32 v1, $0x1  }
0x6a: {  	vm0 =	vgt.s32 v1, $0x270F;
	v1 =	vadd.s32 $0xFFFFB1E0, v2  }
0x6b: {  	v1 =	vsel vm0, v1, v2  }
0x6c: {  	v1 =	vor.u32 v0, v1  }
0x6d: {  	s10 =	sor.u32 $0x240, s8;
	[tilespmem:$0x440] =	vst v1  }
0x6e: {  	v1 =	vld [tilespmem:s10+$0x0];
	_ =	sdelay $0x4  }
0x6f: {  	s6 =	sor.u32 $0x50, s8;
	[tilespmem:$0x540] =	vst v1  }
0x70: {  	v1 =	vld [tilespmem:s6+$0x0];
	_ =	sdelay $0x4  }
0x71: {  	vm5 =	vgt.s32 v1, $0x4E1F;
	v2 =	vadd.s32 $0xFFFFB1E0, v1  }
0x72: {  	v1 =	vsel vm5, v2, v1  }
0x73: {  	v2 =	vshll.u32 v1, $0x1  }
0x74: {  	vm0 =	vgt.s32 v1, $0x270F;
	v1 =	vadd.s32 $0xFFFFB1E0, v2  }
0x75: {  	v1 =	vsel vm0, v1, v2  }
0x76: {  	v1 =	vor.u32 v0, v1  }
0x77: {  	s10 =	sor.u32 $0x250, s8;
	[tilespmem:$0x450] =	vst v1  }
0x78: {  	v1 =	vld [tilespmem:s10+$0x0];
	_ =	sdelay $0x4  }
0x79: {  	s6 =	sor.u32 $0x60, s8;
	[tilespmem:$0x550] =	vst v1  }
0x7a: {  	v1 =	vld [tilespmem:s6+$0x0];
	_ =	sdelay $0x4  }
0x7b: {  	vm6 =	vgt.s32 v1, $0x4E1F;
	v2 =	vadd.s32 $0xFFFFB1E0, v1  }
0x7c: {  	v1 =	vsel vm6, v2, v1  }
0x7d: {  	v2 =	vshll.u32 v1, $0x1  }
0x7e: {  	vm0 =	vgt.s32 v1, $0x270F;
	v1 =	vadd.s32 $0xFFFFB1E0, v2  }
0x7f: {  	v1 =	vsel vm0, v1, v2  }
0x80: {  	v1 =	vor.u32 v0, v1  }
0x81: {  	s10 =	sor.u32 $0x260, s8;
	[tilespmem:$0x460] =	vst v1  }
0x82: {  	v1 =	vld [tilespmem:s10+$0x0];
	_ =	sdelay $0x4  }
0x83: {  	s6 =	sor.u32 $0x70, s8;
	[tilespmem:$0x560] =	vst v1  }
0x84: {  	v1 =	vld [tilespmem:s6+$0x0];
	_ =	sdelay $0x4  }
0x85: {  	vm7 =	vgt.s32 v1, $0x4E1F;
	v2 =	vadd.s32 $0xFFFFB1E0, v1  }
0x86: {  	v1 =	vsel vm7, v2, v1  }
0x87: {  	v2 =	vshll.u32 v1, $0x1  }
0x88: {  	vm0 =	vgt.s32 v1, $0x270F;
	v1 =	vadd.s32 $0xFFFFB1E0, v2  }
0x89: {  	v1 =	vsel vm0, v1, v2  }
0x8a: {  	v1 =	vor.u32 v0, v1  }
0x8b: {  	s10 =	sor.u32 $0x270, s8;
	[tilespmem:$0x470] =	vst v1  }
0x8c: {  	v1 =	vld [tilespmem:s10+$0x0];
	_ =	sdelay $0x4  }
0x8d: {  	s6 =	sor.u32 $0x80, s8;
	[tilespmem:$0x570] =	vst v1  }
0x8e: {  	v1 =	vld [tilespmem:s6+$0x0];
	_ =	sdelay $0x4  }
0x8f: {  	vm8 =	vgt.s32 v1, $0x4E1F;
	v2 =	vadd.s32 $0xFFFFB1E0, v1  }
0x90: {  	v1 =	vsel vm8, v2, v1  }
0x91: {  	v2 =	vshll.u32 v1, $0x1  }
0x92: {  	vm0 =	vgt.s32 v1, $0x270F;
	v1 =	vadd.s32 $0xFFFFB1E0, v2  }
0x93: {  	v1 =	vsel vm0, v1, v2  }
0x94: {  	v1 =	vor.u32 v0, v1  }
0x95: {  	s10 =	sor.u32 $0x280, s8;
	[tilespmem:$0x480] =	vst v1  }
0x96: {  	v1 =	vld [tilespmem:s10+$0x0];
	_ =	sdelay $0x4  }
0x97: {  	s6 =	sor.u32 $0x90, s8;
	[tilespmem:$0x580] =	vst v1  }
0x98: {  	v1 =	vld [tilespmem:s6+$0x0];
	_ =	sdelay $0x4  }
0x99: {  	vm9 =	vgt.s32 v1, $0x4E1F;
	v2 =	vadd.s32 $0xFFFFB1E0, v1  }
0x9a: {  	v1 =	vsel vm9, v2, v1  }
0x9b: {  	v2 =	vshll.u32 v1, $0x1  }
0x9c: {  	vm0 =	vgt.s32 v1, $0x270F;
	v1 =	vadd.s32 $0xFFFFB1E0, v2  }
0x9d: {  	v1 =	vsel vm0, v1, v2  }
0x9e: {  	v1 =	vor.u32 v0, v1  }
0x9f: {  	s10 =	sor.u32 $0x290, s8;
	[tilespmem:$0x490] =	vst v1  }
0xa0: {  	v1 =	vld [tilespmem:s10+$0x0];
	_ =	sdelay $0x4  }
0xa1: {  	s6 =	sor.u32 $0xA0, s8;
	[tilespmem:$0x590] =	vst v1  }
0xa2: {  	v1 =	vld [tilespmem:s6+$0x0];
	_ =	sdelay $0x4  }
0xa3: {  	vm10 =	vgt.s32 v1, $0x4E1F;
	v2 =	vadd.s32 $0xFFFFB1E0, v1  }
0xa4: {  	v1 =	vsel vm10, v2, v1  }
0xa5: {  	v2 =	vshll.u32 v1, $0x1  }
0xa6: {  	vm0 =	vgt.s32 v1, $0x270F;
	v1 =	vadd.s32 $0xFFFFB1E0, v2  }
0xa7: {  	v1 =	vsel vm0, v1, v2  }
0xa8: {  	v1 =	vor.u32 v0, v1  }
0xa9: {  	s10 =	sor.u32 $0x2A0, s8;
	[tilespmem:$0x4A0] =	vst v1  }
0xaa: {  	v1 =	vld [tilespmem:s10+$0x0];
	_ =	sdelay $0x4  }
0xab: {  	s6 =	sor.u32 $0xB0, s8;
	[tilespmem:$0x5A0] =	vst v1  }
0xac: {  	v1 =	vld [tilespmem:s6+$0x0];
	_ =	sdelay $0x4  }
0xad: {  	vm11 =	vgt.s32 v1, $0x4E1F;
	v2 =	vadd.s32 $0xFFFFB1E0, v1  }
0xae: {  	v1 =	vsel vm11, v2, v1  }
0xaf: {  	v2 =	vshll.u32 v1, $0x1  }
0xb0: {  	vm0 =	vgt.s32 v1, $0x270F;
	v1 =	vadd.s32 $0xFFFFB1E0, v2  }
0xb1: {  	v1 =	vsel vm0, v1, v2  }
0xb2: {  	v1 =	vor.u32 v0, v1  }
0xb3: {  	s10 =	sor.u32 $0x2B0, s8;
	[tilespmem:$0x4B0] =	vst v1  }
0xb4: {  	v1 =	vld [tilespmem:s10+$0x0];
	_ =	sdelay $0x4  }
0xb5: {  	s6 =	sor.u32 $0xC0, s8;
	[tilespmem:$0x5B0] =	vst v1  }
0xb6: {  	v1 =	vld [tilespmem:s6+$0x0];
	_ =	sdelay $0x4  }
0xb7: {  	vm12 =	vgt.s32 v1, $0x4E1F;
	v2 =	vadd.s32 $0xFFFFB1E0, v1  }
0xb8: {  	v1 =	vsel vm12, v2, v1  }
0xb9: {  	v2 =	vshll.u32 v1, $0x1  }
0xba: {  	vm0 =	vgt.s32 v1, $0x270F;
	v1 =	vadd.s32 $0xFFFFB1E0, v2  }
0xbb: {  	v1 =	vsel vm0, v1, v2  }
0xbc: {  	v1 =	vor.u32 v0, v1  }
0xbd: {  	s10 =	sor.u32 $0x2C0, s8;
	[tilespmem:$0x4C0] =	vst v1  }
0xbe: {  	v1 =	vld [tilespmem:s10+$0x0];
	_ =	sdelay $0x4  }
0xbf: {  	s6 =	sor.u32 $0xD0, s8;
	[tilespmem:$0x5C0] =	vst v1  }
0xc0: {  	v1 =	vld [tilespmem:s6+$0x0];
	_ =	sdelay $0x4  }
0xc1: {  	vm13 =	vgt.s32 v1, $0x4E1F;
	v2 =	vadd.s32 $0xFFFFB1E0, v1  }
0xc2: {  	v1 =	vsel vm13, v2, v1  }
0xc3: {  	v2 =	vshll.u32 v1, $0x1  }
0xc4: {  	vm0 =	vgt.s32 v1, $0x270F;
	v1 =	vadd.s32 $0xFFFFB1E0, v2  }
0xc5: {  	v1 =	vsel vm0, v1, v2  }
0xc6: {  	v1 =	vor.u32 v0, v1  }
0xc7: {  	s10 =	sor.u32 $0x2D0, s8;
	[tilespmem:$0x4D0] =	vst v1  }
0xc8: {  	v1 =	vld [tilespmem:s10+$0x0];
	_ =	sdelay $0x4  }
0xc9: {  	s6 =	sor.u32 $0xE0, s8;
	[tilespmem:$0x5D0] =	vst v1  }
0xca: {  	v1 =	vld [tilespmem:s6+$0x0];
	_ =	sdelay $0x4  }
0xcb: {  	vm14 =	vgt.s32 v1, $0x4E1F;
	v2 =	vadd.s32 $0xFFFFB1E0, v1  }
0xcc: {  	v1 =	vsel vm14, v2, v1  }
0xcd: {  	v2 =	vshll.u32 v1, $0x1  }
0xce: {  	vm0 =	vgt.s32 v1, $0x270F;
	v1 =	vadd.s32 $0xFFFFB1E0, v2  }
0xcf: {  	v1 =	vsel vm0, v1, v2  }
0xd0: {  	v1 =	vor.u32 v0, v1  }
0xd1: {  	s10 =	sor.u32 $0x2E0, s8;
	[tilespmem:$0x4E0] =	vst v1  }
0xd2: {  	v1 =	vld [tilespmem:s10+$0x0];
	_ =	sdelay $0x4  }
0xd3: {  	s6 =	sor.u32 $0xF0, s8;
	[tilespmem:$0x5E0] =	vst v1  }
0xd4: {  	v1 =	vld [tilespmem:s6+$0x0];
	_ =	sdelay $0x4  }
0xd5: {  	vm15 =	vgt.s32 v1, $0x4E1F;
	v2 =	vadd.s32 $0xFFFFB1E0, v1  }
0xd6: {  	v1 =	vsel vm15, v2, v1  }
0xd7: {  	v2 =	vshll.u32 v1, $0x1  }
0xd8: {  	vm0 =	vgt.s32 v1, $0x270F;
	v1 =	vadd.s32 $0xFFFFB1E0, v2  }
0xd9: {  	v1 =	vsel vm0, v1, v2  }
0xda: {  	v1 =	vor.u32 v0, v1  }
0xdb: {  	s8 =	sor.u32 $0x2F0, s8;
	[tilespmem:$0x4F0] =	vst v1  }
0xdc: {  	v1 =	vld [tilespmem:s8+$0x0];
	_ =	sdelay $0x3  }
0xdd: {  	p1 =	sne.s32 s7, $0x0  }
0xde: {  	s8 =	simm.s32 @p1 $0x5;
	[tilespmem:$0x5F0] =	vst v1  }
0xdf: {  	_ =	swait.ge @p1 [sflag:s8], $0x800  }
0xe0: {  	s9 =	simm.s32 @p1 $0x400;
	[sflag:s8] =	ssyncset.done @p1 $0x0  }
0xe1: {  	s10 =	simm.s32 @p1 $0x600;
	[sflag:s8] =	ssyncadd.s32 @p1 $0xFFFFF800;
	s8 =	simm.s32 @p1 $0x20  }
0xe2: {  	[tilespmem:s10], [sflag:$0x1] =	stream.indirect.gather @p1 [hbm4b:s1+s8], $0x40, s9, s8, $0xb8;
	[tilespmem:$0x1FAC0] =	vst v63  }
0xe3: {  	s9 =	simm.s32 @p1 $0x6  }
0xe4: {  	_ =	swait.ge @p1 [sflag:s9], $0x800  }
0xe5: {  	[sflag:s9] =	ssyncset.done @p1 $0x0  }
0xe6: {  	s10 =	simm.s32 @p1 $0xE00;
	[sflag:s9] =	ssyncadd.s32 @p1 $0xFFFFF800;
	s9 =	simm.s32 @p1 $0x420  }
0xe7: {  	[tilespmem:s10], [sflag:$0x2] =	stream.indirect.gather @p1 [hbm4b:s1+s8], $0x40, s9, s8, $0xb8;
	[tilespmem:$0x1FAC0] =	vst v63  }
0xe8: {  	s9 =	simm.s32 @p1 $0x7  }
0xe9: {  	_ =	swait.ge @p1 [sflag:s9], $0x800  }
0xea: {  	[sflag:s9] =	ssyncset.done @p1 $0x0  }
0xeb: {  	s10 =	simm.s32 @p1 $0x1600;
	[sflag:s9] =	ssyncadd.s32 @p1 $0xFFFFF800;
	s9 =	simm.s32 @p1 $0x440  }
0xec: {  	[tilespmem:s10], [sflag:$0x3] =	stream.indirect.gather @p1 [hbm4b:s1+s8], $0x40, s9, s8, $0xb8;
	[tilespmem:$0x1FAC0] =	vst v63  }
0xed: {  	s8 =	simm.s32 @p1 $0x8  }
0xee: {  	_ =	swait.ge @p1 [sflag:s8], $0x800  }
0xef: {  	s9 =	simm.s32 @!p1 $0x400;
	[sflag:s8] =	ssyncset.done @p1 $0x0  }
0xf0: {  	s10 =	simm.s32 @!p1 $0x600;
	[sflag:s8] =	ssyncadd.s32 @p1 $0xFFFFF800;
	s8 =	simm.s32 @!p1 $0x20  }
0xf1: {  	[tilespmem:s10], [sflag:$0x1] =	stream.indirect.gather @!p1 [hbm4b:s1+s8], $0x40, s9, s8, $0xb8;
	[tilespmem:$0x1FAC0] =	vst v63  }
0xf2: {  	s9 =	simm.s32 @!p1 $0x420;
	s10 =	simm.s32 @!p1 $0xE00  }
0xf3: {  	[tilespmem:s10], [sflag:$0x2] =	stream.indirect.gather @!p1 [hbm4b:s1+s8], $0x40, s9, s8, $0xb8;
	[tilespmem:$0x1FAC0] =	vst v63  }
0xf4: {  	s9 =	simm.s32 @!p1 $0x440;
	s10 =	simm.s32 @!p1 $0x1600  }
0xf5: {  	[tilespmem:s10], [sflag:$0x3] =	stream.indirect.gather @!p1 [hbm4b:s1+s8], $0x40, s9, s8, $0xb8;
	[tilespmem:$0x1FAC0] =	vst v63  }
0xf6: {  	s6 =	rddreg [dreg:$0x8]  }
0xf7: {  	[tilespmem:s19], [sflag:$0x4] =	stream.indirect.gather [hbm4b:s1+s18], $0x40, s6, s18, $0xb8;
	[tilespmem:$0x1FAC0] =	vst v63  }
0xf8: {  	_ =	swait.ge [sflag:s20], $0x800  }
0xf9: {  	[sflag:s20] =	ssyncset.done $0x0  }
0xfa: {  	s10 =	rddreg [dreg:$0x9];
	[sflag:s20] =	ssyncadd.s32 $0xFFFFF800  }
0xfb: {  	[spmem:s3] =	stream.indirect.scatter.add.f32 [tilespmem:s21], [sflag:$0x5], $0x40, s10, s18, $0xb8;
	[tilespmem:$0x1FAC0] =	vst v63  }
0xfc: {  	_ =	swait.ge [sflag:s22], $0x800  }
0xfd: {  	[sflag:s22] =	ssyncset.done $0x0  }
0xfe: {  	s8 =	rddreg [dreg:$0xa];
	[sflag:s22] =	ssyncadd.s32 $0xFFFFF800  }
0xff: {  	[spmem:s3] =	stream.indirect.scatter.add.f32 [tilespmem:s23], [sflag:$0x6], $0x40, s8, s18, $0xb8;
	[tilespmem:$0x1FAC0] =	vst v63  }
0x100: {  	_ =	swait.ge [sflag:s24], $0x800  }
0x101: {  	[sflag:s24] =	ssyncset.done $0x0  }
0x102: {  	s9 =	rddreg [dreg:$0xb];
	[sflag:s24] =	ssyncadd.s32 $0xFFFFF800  }
0x103: {  	[spmem:s3] =	stream.indirect.scatter.add.f32 [tilespmem:s25], [sflag:$0x7], $0x40, s9, s18, $0xb8;
	[tilespmem:$0x1FAC0] =	vst v63  }
0x104: {  	_ =	swait.ge [sflag:s26], $0x800  }
0x105: {  	[sflag:s26] =	ssyncset.done $0x0  }
0x106: {  	s10 =	rddreg [dreg:$0xc];
	[sflag:s26] =	ssyncadd.s32 $0xFFFFF800  }
0x107: {  	[spmem:s3] =	stream.indirect.scatter.add.f32 [tilespmem:s19], [sflag:$0x8], $0x40, s10, s18, $0xb8;
	[tilespmem:$0x1FAC0] =	vst v63  }
0x108: {  	_ =	swait.ge [sflag:s28], $0x800  }
0x109: {  	[sflag:s28] =	ssyncset.done $0x0  }
0x10a: {  	s8 =	rddreg [dreg:$0xd];
	[sflag:s28] =	ssyncadd.s32 $0xFFFFF800  }
0x10b: {  	[tilespmem:s21], [sflag:$0x1] =	stream.indirect.gather [hbm4b:s1+s18], $0x40, s8, s18, $0xb8;
	[tilespmem:$0x1FAC0] =	vst v63  }
0x10c: {  	_ =	swait.ge [sflag:s29], $0x800  }
0x10d: {  	[sflag:s29] =	ssyncset.done $0x0  }
0x10e: {  	s9 =	rddreg [dreg:$0xe];
	[sflag:s29] =	ssyncadd.s32 $0xFFFFF800  }
0x10f: {  	[tilespmem:s23], [sflag:$0x2] =	stream.indirect.gather [hbm4b:s1+s18], $0x40, s9, s18, $0xb8;
	[tilespmem:$0x1FAC0] =	vst v63  }
0x110: {  	_ =	swait.ge [sflag:s30], $0x800  }
0x111: {  	[sflag:s30] =	ssyncset.done $0x0  }
0x112: {  	s10 =	rddreg [dreg:$0xf];
	[sflag:s30] =	ssyncadd.s32 $0xFFFFF800  }
0x113: {  	[tilespmem:s25], [sflag:$0x3] =	stream.indirect.gather [hbm4b:s1+s18], $0x40, s10, s18, $0xb8;
	[tilespmem:$0x1FAC0] =	vst v63  }
0x114: {  	_ =	swait.ge [sflag:s31], $0x800  }
0x115: {  	[sflag:s31] =	ssyncset.done $0x0  }
0x116: {  	s8 =	rddreg [dreg:$0x10];
	[sflag:s31] =	ssyncadd.s32 $0xFFFFF800  }
0x117: {  	[tilespmem:s19], [sflag:$0x4] =	stream.indirect.gather [hbm4b:s1+s18], $0x40, s8, s18, $0xb8;
	[tilespmem:$0x1FAC0] =	vst v63  }
0x118: {  	_ =	swait.ge [sflag:s20], $0x800  }
0x119: {  	[sflag:s20] =	ssyncset.done $0x0  }
0x11a: {  	s9 =	rddreg [dreg:$0x11];
	[sflag:s20] =	ssyncadd.s32 $0xFFFFF800  }
0x11b: {  	[spmem:s3] =	stream.indirect.scatter.add.f32 [tilespmem:s21], [sflag:$0x5], $0x40, s9, s18, $0xb8;
	[tilespmem:$0x1FAC0] =	vst v63  }
0x11c: {  	_ =	swait.ge [sflag:s22], $0x800  }
0x11d: {  	[sflag:s22] =	ssyncset.done $0x0  }
0x11e: {  	s10 =	rddreg [dreg:$0x12];
	[sflag:s22] =	ssyncadd.s32 $0xFFFFF800  }
0x11f: {  	[spmem:s3] =	stream.indirect.scatter.add.f32 [tilespmem:s23], [sflag:$0x6], $0x40, s10, s18, $0xb8;
	[tilespmem:$0x1FAC0] =	vst v63  }
0x120: {  	_ =	swait.ge [sflag:s24], $0x800  }
0x121: {  	[sflag:s24] =	ssyncset.done $0x0  }
0x122: {  	s8 =	rddreg [dreg:$0x13];
	[sflag:s24] =	ssyncadd.s32 $0xFFFFF800  }
0x123: {  	[spmem:s3] =	stream.indirect.scatter.add.f32 [tilespmem:s25], [sflag:$0x7], $0x40, s8, s18, $0xb8;
	[tilespmem:$0x1FAC0] =	vst v63  }
0x124: {  	_ =	swait.ge [sflag:s26], $0x800  }
0x125: {  	s7 =	sadd.s32 $0x100, s7;
	s10 =	rddreg [dreg:$0x7]  }
0x126: {  	p1 =	sne.s32 s10, s7  }
.Ltmp0:
0x127: {  	_ = 	snop;
	(pc) =	sbr.rel @p1 .LBB2_2-.Ltmp0, $4  }
0x128: {  	_ = 	snop  }
0x129: {  	s16 =	sadd.s32 $0x1, s16;
	s12 =	sadd.s32 $0x20, s12;
	[sflag:s26] =	ssyncset.done $0x0  }
0x12a: {  	s11 =	sadd.s32 $0x20, s11;
	s9 =	rddreg [dreg:$0x14];
	[sflag:s26] =	ssyncadd.s32 $0xFFFFF800  }
0x12b: {  	[spmem:s3] =	stream.indirect.scatter.add.f32 [tilespmem:s19], [sflag:$0x8], $0x40, s9, s18, $0xb8;
	[tilespmem:$0x1FAC0] =	vst v63  }
0x12c: {  	_ =	swait.ge [sflag:s28], $0x800  }
0x12d: {  	[sflag:s28] =	ssyncset.done $0x0  }
0x12e: {  	[sflag:s28] =	ssyncadd.s32 $0xFFFFF800  }
0x12f: {  	_ =	swait.ge [sflag:s29], $0x800  }
0x130: {  	[sflag:s29] =	ssyncset.done $0x0  }
0x131: {  	[sflag:s29] =	ssyncadd.s32 $0xFFFFF800  }
0x132: {  	_ =	swait.ge [sflag:s30], $0x800  }
0x133: {  	[sflag:s30] =	ssyncset.done $0x0  }
0x134: {  	[sflag:s30] =	ssyncadd.s32 $0xFFFFF800  }
0x135: {  	_ =	swait.ge [sflag:s31], $0x800  }
0x136: {  	[sflag:s31] =	ssyncset.done $0x0  }
0x137: {  	[sflag:s31] =	ssyncadd.s32 $0xFFFFF800  }
0x138: {  	s2 =	simm.s32 @p0 $0x1;
	s6 =	simm.s32 @p0 $0x10;
	[bflag:$0x0] =	sbarrier.arrive $0xFFFF  }
0x139: {  	s7 =	simm.s32 @p0 $0x8;
	s8 =	simm.s32 @p0 $0x1FCA;
	s9 =	rddreg [dreg:$0x18]  }
0x13a: {  	[hbm:s9@s6], [sflag:s8] =	dma.strided @p0 [spmem:s13@s7], $0x3840, s2, $0x8   }
0x13b: {  	s2 =	simm.s32 @p0 $0xA  }
0x13c: {  	_ =	swait.ge @p0 [sflag:s2], $0x3840  }
0x13d: {  	s6 =	simm.s32 @!p0 $0x10;
	s7 =	simm.s32 @!p0 $0x8;
	[sflag:s2] =	ssyncset.done @p0 $0x0  }
0x13e: {  	s8 =	rddreg [dreg:$0x17];
	[sflag:s2] =	ssyncadd.s32 @p0 $0xFFFFC7C0;
	s2 =	simm.s32 @!p0 $0x1  }
0x13f: {  	[hbm:s8@s6], [sflag:s14] =	dma.strided @!p0 [spmem:s15@s7], $0x3AC0, s2, $0x8   }
0x140: {  	s2 =	simm.s32 @!p0 $0xA  }
0x141: {  	_ =	swait.ge @!p0 [sflag:s2], $0x3AC0  }
0x142: {  	s0 =	sadd.s32 $0x1, s0;
	s16 =	rddreg [dreg:$0x19]  }
0x143: {  	p1 =	sne.s32 s0, s16  }
.Ltmp1:
0x144: {  	_ = 	snop;
	(pc) =	sbr.rel @p1 .LBB2_1-.Ltmp1, $3  }
0x145: {  	_ =	sdelay $0x1  }
0x146: {  	[sflag:s2] =	ssyncset.done @!p0 $0x0  }
0x147: {  	[sflag:s2] =	ssyncadd.s32 @!p0 $0xFFFFC540  }
0x148: {  	_ =	sfence.sel $0x180000  }
0x149: {  	[bflag:$0x0] =	sbarrier.arrive $0xFFFF  }
0x14a: {  	_ =	strace $0x90000047  }
0x14b: {  	s0 =	stileid.u32;
	[bflag:$0x2] =	sbarrier.arrive $0xFFFF  }
0x14c: {  	p0 =	sne.s32 s0, $0x0;
	s0 =	rddreg [dreg:$0x6]  }
0x14d: {  	s0 =	sadd.s32 @!p0 $0x100000, s0  }
0x14e: {  	[sflag:s0] =	ssyncadd.tile.s32 @!p0 $0x1;
	_ =	shalt  }
.Lfunc_end2:
_tile_overlayer_lowered:
.L_overlay_start_2:
0x14f: {  	(tag) =	ssettag $0x2  }
0x150: {  	s0 =	rddreg [dreg:$0x0];
	s2 =	stileid.u32  }
0x151: {  	s1 =	rddreg [dreg:$0x1];
	p0 =	sne.s32 s2, $0x0  }
0x152: {  	s3 =	rddreg [dreg:$0x2];
	[bflag:$0x3] =	sbarrier.arrive $0xFFFF;
	s2 =	simm.s32 @!p0 $0x1C0A  }
0x153: {  	[timem:s3], [sflag:s2] =	dma.local @!p0 [hbm:s0], s1  }
0x154: {  	s0 =	simm.s32 @!p0 $0xA  }
0x155: {  	_ =	swait.ge @!p0 [sflag:s0], s1  }
0x156: {  	s1 =	ssub.s32 @!p0 $0x0, s1;
	[sflag:s0] =	ssyncset.done @!p0 $0x0  }
0x157: {  	[sflag:s0] =	ssyncadd.s32 @!p0 s1  }
0x158: {  	[bflag:$0x3] =	sbarrier.arrive $0xFFFF  }
0x159: {  	_ =	shalt  }

</sc_bundles>
